<compile_context>
chip_gen: v7x
topology: tpu7x:2x2x1
jax: 0.10.2.dev20260603
libtpu: 0.0.44.dev20260713+nightly
codegen_flags: <defaults>
</compile_context>

<pallas_src>
import functools

import jax
import jax.numpy as jnp
from jax import lax
from jax.experimental import pallas as pl
from jax.experimental.pallas import tpu as pltpu
from jax.experimental.pallas import tpu_sc as plsc

_NC = 2
_NS = 16
_L = 16
_CHUNK = 128


def _sc_partials(x, ei_r, ni, c, n_chunks):
    nw = _NC * _NS
    rpt = ni // _NS

    mesh = plsc.VectorSubcoreMesh(core_axis_name="c", subcore_axis_name="s")

    @functools.partial(
        pl.kernel,
        mesh=mesh,
        compiler_params=pltpu.CompilerParams(use_tc_tiling_on_sc=False),
        out_type=(
            jax.ShapeDtypeStruct((_NC, ni, c), jnp.float32),
            jax.ShapeDtypeStruct((_NC, ni // 2048, 2048), jnp.float32),
        ),
        scratch_types=[
            pltpu.VMEM((n_chunks, _CHUNK), jnp.int32),
            pltpu.VMEM((n_chunks, _CHUNK), jnp.int32),
            pltpu.VMEM((8, _CHUNK, c), jnp.float32),
            pltpu.VMEM((_CHUNK,), jnp.float32),
            pltpu.VMEM((_CHUNK, c), jnp.float32),
            pltpu.VMEM((_CHUNK,), jnp.float32),
            pltpu.VMEM_SHARED((ni, c), jnp.float32),
            pltpu.VMEM_SHARED((ni,), jnp.float32),
            [pltpu.SemaphoreType.DMA] * 8,
            [pltpu.SemaphoreType.DMA] * 8,
            pltpu.SemaphoreType.DMA,
        ],
    )
    def seg_kernel(x_hbm, ei_hbm, s_out, cnt_out,
                   src_v, dst_v, rows_v, ones_v, zr_v, zc_v,
                   acc_sh, cnt_sh, gsems, ssems, csem):
        cid = lax.axis_index("c")
        sid = lax.axis_index("s")
        wid = cid * _NS + sid

        def fill(i, _):
            ones_v[pl.ds(i * _L, _L)] = jnp.full((_L,), 1.0, jnp.float32)
            zc_v[pl.ds(i * _L, _L)] = jnp.zeros((_L,), jnp.float32)
            return 0
        lax.fori_loop(0, _CHUNK // _L, fill, 0)

        def fillz(i, _):
            zr_v[i] = jnp.zeros((_L,), jnp.float32)
            return 0
        lax.fori_loop(0, _CHUNK, fillz, 0)

        def zero_blk(i, _):
            base = sid * rpt + i * _CHUNK
            pltpu.sync_copy(zr_v, acc_sh.at[pl.ds(base, _CHUNK)])
            pltpu.sync_copy(zc_v, cnt_sh.at[pl.ds(base, _CHUNK)])
            return 0
        lax.fori_loop(0, rpt // _CHUNK, zero_blk, 0)
        plsc.subcore_barrier()

        pltpu.sync_copy(ei_hbm.at[0, wid], src_v)
        pltpu.sync_copy(ei_hbm.at[1, wid], dst_v)

        nring = 8
        for q in range(nring - 1):
            pltpu.async_copy(x_hbm.at[src_v.at[q]], rows_v.at[q], gsems[q])
        pltpu.async_copy(ones_v, cnt_sh.at[dst_v.at[0]], csem, add=True)

        def ring(i, _):
            j0 = i * nring
            for q in range(nring):
                j = j0 + q
                b = (q + nring - 1) % nring

                pltpu.make_async_copy(x_hbm.at[src_v.at[j]], rows_v.at[q],
                                      gsems[q]).wait()
                pltpu.async_copy(rows_v.at[q], acc_sh.at[dst_v.at[j]],
                                 ssems[q], add=True)

                @pl.when(j + 1 < n_chunks)
                def _cnt(j=j):
                    pltpu.make_async_copy(ones_v, cnt_sh.at[dst_v.at[j]],
                                          csem).wait()
                    pltpu.async_copy(ones_v, cnt_sh.at[dst_v.at[j + 1]],
                                     csem, add=True)

                @pl.when(j + nring - 1 < n_chunks)
                def _prefetch(j=j, b=b):
                    @pl.when(j >= 1)
                    def _reuse():
                        pltpu.make_async_copy(
                            rows_v.at[b], acc_sh.at[dst_v.at[j - 1]],
                            ssems[b]).wait()
                    pltpu.async_copy(x_hbm.at[src_v.at[j + nring - 1]],
                                     rows_v.at[b], gsems[b])
            return 0
        lax.fori_loop(0, n_chunks // nring, ring, 0)

        for q in range(nring):
            pltpu.make_async_copy(rows_v.at[q],
                                  acc_sh.at[dst_v.at[n_chunks - nring + q]],
                                  ssems[q]).wait()
        pltpu.make_async_copy(ones_v, cnt_sh.at[dst_v.at[n_chunks - 1]],
                              csem).wait()
        plsc.subcore_barrier()

        pltpu.sync_copy(acc_sh.at[pl.ds(sid * rpt, rpt)],
                        s_out.at[cid, pl.ds(sid * rpt, rpt)])
        pltpu.sync_copy(cnt_sh.at[pl.ds(sid * rpt, rpt)],
                        cnt_out.at[cid, sid])

    return seg_kernel(x, ei_r)


def _tc_body(x_ref, s_ref, cnt_ref,
             sel_ref, umask_ref, rmat_ref,
             erep_ref, etile_ref, gmat_ref, wmat_ref, fbt_ref, wbt_ref,
             mw_ref, mb_ref, bvec_ref, m1w_ref, m1b_ref, m2w_ref, m2b_ref,
             out_ref):
    f32 = jnp.float32
    g = pl.program_id(0)
    dot = functools.partial(jnp.dot, preferred_element_type=f32)
    gpb = out_ref.shape[0]
    rpb = sel_ref.shape[1]

    for k in range(gpb):
        rows = pl.ds(k * rpb, rpb)
        both = dot(sel_ref[...],
                   jnp.concatenate([x_ref[rows, :],
                                    s_ref[0, rows, :] + s_ref[1, rows, :]],
                                   axis=1))
        yx = both[:, :128] * umask_ref[...]
        ys = both[:, 128:] * umask_ref[...]
        ca = (cnt_ref[0, pl.ds(g * gpb + k, 1), :]
              + cnt_ref[1, pl.ds(g * gpb + k, 1), :])
        rec_row = 1.0 / jnp.maximum(ca, 1.0)
        r_row = (ca > 0.0).astype(f32)
        rec = jnp.transpose(rec_row)
        r = jnp.transpose(r_row)
        w = ys * rec - yx * r

        xb = dot(yx, rmat_ref[...])
        ur = dot(w, erep_ref[...])
        xtxr = dot(yx, etile_ref[...])
        xt = xtxr[:, :256]
        xr = xtxr[:, 256:]
        aggr = dot(ur * xt, gmat_ref[...]) + r * dot(xb, fbt_ref[...])
        transf = dot(xr * xt, wmat_ref[...]) + dot(xb, wbt_ref[...])

        wgt = jnp.sum(aggr * mw_ref[...], axis=1, keepdims=True) + mb_ref[0, 0]
        conv = jax.nn.sigmoid(aggr * wgt + transf + bvec_ref[...])

        inv_i = 1.0 / conv.shape[0]
        s2 = jnp.sum(conv, axis=0, keepdims=True) * inv_i
        s1x = jnp.sum(xb, axis=0, keepdims=True) * inv_i
        s1 = jnp.concatenate(
            [s1x, jnp.zeros((1, conv.shape[1] - xb.shape[1]), f32)], axis=1)
        z1 = dot(s1, m1w_ref[...]) + m1b_ref[...]
        z2 = dot(s2, m2w_ref[...]) + m2b_ref[...]
        m = jnp.maximum(z1, z2)
        e1 = jnp.exp(z1 - m)
        e2 = jnp.exp(z2 - m)
        g1 = e1 / (e1 + e2)
        g2 = e2 / (e1 + e2)

        cpd, ii = conv.shape[1], conv.shape[0]
        fpad_t = jnp.concatenate(
            [jnp.transpose(xb), jnp.zeros((cpd - xb.shape[1], ii), f32)],
            axis=0)
        out_ref[k] = (jnp.transpose(g1) * fpad_t
                      + jnp.transpose(g2) * jnp.transpose(conv))


def _tc_dense(x_lin, n, i, c, s_part, cnt_part, weights):
    cp = weights["bvec"].shape[1]
    rpb = i * c // 128
    gpb = 4

    full = lambda shape: pl.BlockSpec(shape, lambda g: (0, 0))
    in_specs = [
        pl.BlockSpec((gpb * rpb, 128), lambda g: (g, 0)),
        pl.BlockSpec((_NC, gpb * rpb, 128), lambda g: (0, g, 0)),
        pl.BlockSpec((_NC, n, i), lambda g: (0, 0, 0)),
        full((i, rpb)),
        full((i, 128)),
        full((128, c)),
        full((128, c * c)),
        full((128, 2 * c * c)),
        full((c * c, cp)),
        full((c * c, cp)),
        full((c, cp)),
        full((c, cp)),
        full((1, cp)),
        full((1, 1)),
        full((1, cp)),
        full((cp, cp)),
        full((1, cp)),
        full((cp, cp)),
        full((1, cp)),
    ]
    out_t = pl.pallas_call(
        _tc_body,
        grid=(n // gpb,),
        in_specs=in_specs,
        out_specs=pl.BlockSpec((gpb, cp, i), lambda g: (g, 0, 0)),
        out_shape=jax.ShapeDtypeStruct((n, cp, i), jnp.float32),
    )(x_lin.reshape(n * rpb, 128), s_part.reshape(_NC, n * rpb, 128),
      cnt_part,
      weights["sel"], weights["umask"], weights["rmat"],
      weights["erep"], weights["etile"], weights["gmat"], weights["wmat"],
      weights["fbt"], weights["wbt"], weights["mw"], weights["mb"],
      weights["bvec"], weights["m1w"], weights["m1b"], weights["m2w"],
      weights["m2b"])
    return jnp.swapaxes(out_t, 1, 2)


def _prep_weights(c, cp, i, F_w, F_b, W_w, W_b, M_w, M_b, B,
                  mlp1_w, mlp1_b, mlp2_w, mlp2_b):
    ppr = 128 // c
    rows = jnp.arange(i, dtype=jnp.int32)
    sel = (rows[:, None] // ppr
           == jnp.arange(i // ppr, dtype=jnp.int32)[None, :]
           ).astype(jnp.float32)
    umask = (jnp.arange(128, dtype=jnp.int32)[None, :] // c
             == (rows % ppr)[:, None]).astype(jnp.float32)
    rmat = (jnp.arange(128, dtype=jnp.int32)[:, None] % c
            == jnp.arange(c, dtype=jnp.int32)[None, :]).astype(jnp.float32)
    lanes = jnp.arange(128, dtype=jnp.int32)[:, None] % c
    cols = jnp.arange(c * c, dtype=jnp.int32)[None, :]
    erep = (lanes == cols // c).astype(jnp.float32)
    etile = jnp.concatenate(
        [(lanes == cols % c).astype(jnp.float32), erep], axis=1)
    gmat = F_w.reshape(c, cp, c).transpose(0, 2, 1).reshape(c * c, cp)
    wmat = W_w.reshape(c, cp, c).transpose(0, 2, 1).reshape(c * c, cp)
    return {
        "sel": sel,
        "umask": umask,
        "rmat": rmat,
        "erep": erep,
        "etile": etile,
        "gmat": gmat,
        "wmat": wmat,
        "fbt": F_b.reshape(cp, c).T,
        "wbt": W_b.reshape(cp, c).T,
        "mw": M_w.reshape(1, cp),
        "mb": M_b.reshape(1, 1),
        "bvec": B.reshape(1, cp),
        "m1w": mlp1_w,
        "m1b": mlp1_b.reshape(1, cp),
        "m2w": mlp2_w,
        "m2b": mlp2_b.reshape(1, cp),
    }


def kernel(feature_matrix_batch, edge_index, F_w, F_b, W_w, W_b, M_w, M_b,
           B, mlp1_w, mlp1_b, mlp2_w, mlp2_b):
    n, i, c = feature_matrix_batch.shape
    cp = B.shape[0]
    ni = n * i
    e = edge_index.shape[1]
    nw = _NC * _NS
    n_chunks = e // (nw * _CHUNK)

    x = feature_matrix_batch.reshape(ni, c)
    ei_r = edge_index.reshape(2, nw, n_chunks, _CHUNK)

    s_part, cnt_part = _sc_partials(x, ei_r, ni, c, n_chunks)
    weights = _prep_weights(c, cp, i, F_w, F_b, W_w, W_b, M_w, M_b, B,
                            mlp1_w, mlp1_b, mlp2_w, mlp2_b)
    return _tc_dense(x, n, i, c, s_part, cnt_part, weights)

# --- scband reference (transcript-rebuilt; emitter-appended) ---
"""Pipeline reference for scband-shrinking-unit-19782619365598 (READ-ONLY COPY).

The authoritative reference and input builder live on the scoring server;
editing this copy changes nothing except your own understanding.
"""

import jax, jax.numpy as jnp
import numpy as np

N_CLOUDS = 16
I_PTS = 2048
C = 16
P = 16
E = 262144


def setup_inputs(seed: int = 0) -> dict:
    key = jax.random.key(seed)
    ks = jax.random.split(key, 13)
    NI = N_CLOUDS * I_PTS
    CP = C + P
    s = 0.1
    inp = {}
    inp['feature_matrix_batch'] = jax.random.normal(ks[0], (N_CLOUDS, I_PTS, C), dtype=jnp.float32)
    inp['edge_index'] = jax.random.randint(ks[1], (2, E), 0, NI, dtype=jnp.int32)
    inp['F_w'] = jax.random.normal(ks[2], (C, C * CP), dtype=jnp.float32) * s
    inp['F_b'] = jax.random.normal(ks[3], (C * CP,), dtype=jnp.float32) * s
    inp['W_w'] = jax.random.normal(ks[4], (C, C * CP), dtype=jnp.float32) * s
    inp['W_b'] = jax.random.normal(ks[5], (C * CP,), dtype=jnp.float32) * s
    inp['M_w'] = jax.random.normal(ks[6], (CP, 1), dtype=jnp.float32) * s
    inp['M_b'] = jax.random.normal(ks[7], (1,), dtype=jnp.float32) * s
    inp['B'] = jax.random.normal(ks[8], (CP,), dtype=jnp.float32) * s
    inp['mlp1_w'] = jax.random.normal(ks[9], (CP, CP), dtype=jnp.float32) * s
    inp['mlp1_b'] = jax.random.normal(ks[10], (CP,), dtype=jnp.float32) * s
    inp['mlp2_w'] = jax.random.normal(ks[11], (CP, CP), dtype=jnp.float32) * s
    inp['mlp2_b'] = jax.random.normal(ks[12], (CP,), dtype=jnp.float32) * s
    return inp


def reference(feature_matrix_batch, edge_index, F_w, F_b, W_w, W_b, M_w, M_b, B, mlp1_w, mlp1_b, mlp2_w, mlp2_b):
    N, I, Cd = feature_matrix_batch.shape
    CP = B.shape[0]
    Pd = CP - Cd
    NI = N * I
    x = feature_matrix_batch.reshape(NI, Cd)
    src = edge_index[0]
    dst = edge_index[1]
    x_i = jnp.take(x, dst, axis=0)
    x_j = jnp.take(x, src, axis=0)
    # Conv.message: F(x_j - x_i) viewed as [CP, Cd] matrix, bmm with x_i
    msg = ((x_j - x_i) @ F_w + F_b).reshape(-1, CP, Cd)
    out_e = jnp.einsum('epc,ec->ep', msg, x_i)
    # aggr='mean' over destination nodes
    summed = jax.ops.segment_sum(out_e, dst, num_segments=NI)
    cnt = jax.ops.segment_sum(jnp.ones((out_e.shape[0],), dtype=jnp.float32), dst, num_segments=NI)
    aggr = summed / jnp.clip(cnt, 1.0, None)[:, None]
    # Conv.update
    Weight = aggr @ M_w + M_b
    aggr = aggr * Weight
    transform = (x @ W_w + W_b).reshape(-1, CP, Cd)
    transformation = jnp.einsum('npc,nc->np', transform, x)
    out = jax.nn.sigmoid(aggr + transformation + B)
    conv_feature_matrix_batch = out.reshape(N, I, CP)
    # Aggregation module
    fpad = jnp.pad(feature_matrix_batch, ((0, 0), (0, 0), (0, Pd)))
    S1 = jnp.mean(fpad, axis=1)
    S2 = jnp.mean(conv_feature_matrix_batch, axis=1)
    Z1 = S1 @ mlp1_w + mlp1_b
    Z2 = S2 @ mlp2_w + mlp2_b
    Mstack = jax.nn.softmax(jnp.stack((Z1, Z2), axis=0), axis=0)
    M1 = Mstack[0][:, None, :]
    M2 = Mstack[1][:, None, :]
    return M1 * fpad + M2 * conv_feature_matrix_batch

if __name__ == "__main__":
    import jax
    _d = setup_inputs()
    print(jax.jit(kernel)(*tuple(_d.values())))

</pallas_src>

<mosaic_0001>
#map = affine_map<(d0, d1) -> (0, 0)>
#map1 = affine_map<(d0, d1) -> (0, 0, 0, 0)>
#map2 = affine_map<(d0, d1) -> (0, 0, 0)>
module attributes {stable_mosaic.version = 14 : i64} {
  func.func @seg_kernel(%arg0: i32, %arg1: i32, %arg2: memref<32768x16xf32, #tpu.memory_space<hbm>>, %arg3: memref<2x32x64x128xi32, #tpu.memory_space<hbm>>, %arg4: memref<2x32768x16xf32, #tpu.memory_space<hbm>>, %arg5: memref<2x16x2048xf32, #tpu.memory_space<hbm>>, %arg6: memref<64x128xi32, #tpu.memory_space<vmem>>, %arg7: memref<64x128xi32, #tpu.memory_space<vmem>>, %arg8: memref<8x128x16xf32, #tpu.memory_space<vmem>>, %arg9: memref<128xf32, #tpu.memory_space<vmem>>, %arg10: memref<128x16xf32, #tpu.memory_space<vmem>>, %arg11: memref<128xf32, #tpu.memory_space<vmem>>, %arg12: memref<32768x16xf32, #tpu.memory_space<vmem_shared>>, %arg13: memref<32768xf32, #tpu.memory_space<vmem_shared>>, %arg14: memref<!tpu.dma_semaphore, #tpu.memory_space<semaphore_mem>>, %arg15: memref<!tpu.dma_semaphore, #tpu.memory_space<semaphore_mem>>, %arg16: memref<!tpu.dma_semaphore, #tpu.memory_space<semaphore_mem>>, %arg17: memref<!tpu.dma_semaphore, #tpu.memory_space<semaphore_mem>>, %arg18: memref<!tpu.dma_semaphore, #tpu.memory_space<semaphore_mem>>, %arg19: memref<!tpu.dma_semaphore, #tpu.memory_space<semaphore_mem>>, %arg20: memref<!tpu.dma_semaphore, #tpu.memory_space<semaphore_mem>>, %arg21: memref<!tpu.dma_semaphore, #tpu.memory_space<semaphore_mem>>, %arg22: memref<!tpu.dma_semaphore, #tpu.memory_space<semaphore_mem>>, %arg23: memref<!tpu.dma_semaphore, #tpu.memory_space<semaphore_mem>>, %arg24: memref<!tpu.dma_semaphore, #tpu.memory_space<semaphore_mem>>, %arg25: memref<!tpu.dma_semaphore, #tpu.memory_space<semaphore_mem>>, %arg26: memref<!tpu.dma_semaphore, #tpu.memory_space<semaphore_mem>>, %arg27: memref<!tpu.dma_semaphore, #tpu.memory_space<semaphore_mem>>, %arg28: memref<!tpu.dma_semaphore, #tpu.memory_space<semaphore_mem>>, %arg29: memref<!tpu.dma_semaphore, #tpu.memory_space<semaphore_mem>>, %arg30: memref<!tpu.dma_semaphore, #tpu.memory_space<semaphore_mem>>) attributes {dimension_semantics = [#tpu.dimension_semantics<core_parallel>, #tpu.dimension_semantics<subcore_parallel>], iteration_bounds = array<i64: 2, 16>, scalar_prefetch = 0 : i64, scratch_operands = 25 : i64, tpu.core_type = #tpu.core_type<sc_vector_subcore>, window_params = [{transform_indices = #map}, {transform_indices = #map1}, {transform_indices = #map2}, {transform_indices = #map2}]} {
    %mul3A = arith.constant 16 : i32
    %mul3A_0 = arith.muli %arg0, %mul3A : i32
    %add3A = arith.addi %mul3A_0, %arg1 : i32
    %scan3A = arith.constant 0 : i32
    %scan3A_1 = arith.constant 0 : i32
    %scan3A_2 = arith.constant 8 : i32
    %scan3A_3 = arith.addi %scan3A_1, %scan3A_2 : i32
    %scan3A_4 = arith.constant 1 : i32
    %scan3A_5 = scf.for %scan3A_226 = %scan3A_1 to %scan3A_3 step %scan3A_4 iter_args(%scan3A_227 = %scan3A) -> (i32)  : i32 {
      %broadcast_in_dim3A = arith.constant 1.000000e+00 : f32
      %broadcast_in_dim3A_228 = vector.broadcast %broadcast_in_dim3A : f32 to vector<16xf32>
      %mul3A_229 = arith.constant 16 : i32
      %mul3A_230 = arith.muli %scan3A_226, %mul3A_229 : i32
      %swap3A = arith.index_cast %mul3A_230 : i32 to index
      %swap3A_231 = tpu.vector_load %arg9[%swap3A] {strides = array<i32>} : memref<128xf32, #tpu.memory_space<vmem>>, vector<16xf32>,
      %swap3A_232 = vector.shape_cast %swap3A_231 : vector<16xf32> to vector<16xf32>
      %swap3A_233 = vector.shape_cast %broadcast_in_dim3A_228 : vector<16xf32> to vector<16xf32>
      tpu.vector_store %arg9[%swap3A], %swap3A_233 {strides = array<i32>} : memref<128xf32, #tpu.memory_space<vmem>>, vector<16xf32>,
      %broadcast_in_dim3A_234 = arith.constant 0.000000e+00 : f32
      %broadcast_in_dim3A_235 = vector.broadcast %broadcast_in_dim3A_234 : f32 to vector<16xf32>
      %mul3A_236 = arith.constant 16 : i32
      %mul3A_237 = arith.muli %scan3A_226, %mul3A_236 : i32
      %swap3A_238 = arith.index_cast %mul3A_237 : i32 to index
      %swap3A_239 = tpu.vector_load %arg11[%swap3A_238] {strides = array<i32>} : memref<128xf32, #tpu.memory_space<vmem>>, vector<16xf32>,
      %swap3A_240 = vector.shape_cast %swap3A_239 : vector<16xf32> to vector<16xf32>
      %swap3A_241 = vector.shape_cast %broadcast_in_dim3A_235 : vector<16xf32> to vector<16xf32>
      tpu.vector_store %arg11[%swap3A_238], %swap3A_241 {strides = array<i32>} : memref<128xf32, #tpu.memory_space<vmem>>, vector<16xf32>,
      %scan3A_242 = arith.constant 0 : i32
      scf.yield %scan3A_242 : i32
    }
    %scan3A_6 = arith.constant 8 : i32
    %scan3A_7 = arith.constant 0 : i32
    %scan3A_8 = arith.constant 0 : i32
    %scan3A_9 = arith.constant 128 : i32
    %scan3A_10 = arith.addi %scan3A_8, %scan3A_9 : i32
    %scan3A_11 = arith.constant 1 : i32
    %scan3A_12 = scf.for %scan3A_226 = %scan3A_8 to %scan3A_10 step %scan3A_11 iter_args(%scan3A_227 = %scan3A_7) -> (i32)  : i32 {
      %broadcast_in_dim3A = arith.constant 0.000000e+00 : f32
      %broadcast_in_dim3A_228 = vector.broadcast %broadcast_in_dim3A : f32 to vector<16xf32>
      %swap3A = arith.index_cast %scan3A_226 : i32 to index
      %swap3A_229 = arith.constant 0 : index
      %swap3A_230 = tpu.vector_load %arg10[%swap3A, %swap3A_229] {strides = array<i32>} : memref<128x16xf32, #tpu.memory_space<vmem>>, vector<1x16xf32>,
      %swap3A_231 = vector.shape_cast %swap3A_230 : vector<1x16xf32> to vector<16xf32>
      %swap3A_232 = vector.shape_cast %broadcast_in_dim3A_228 : vector<16xf32> to vector<1x16xf32>
      tpu.vector_store %arg10[%swap3A, %swap3A_229], %swap3A_232 {strides = array<i32>} : memref<128x16xf32, #tpu.memory_space<vmem>>, vector<1x16xf32>,
      %scan3A_233 = arith.constant 0 : i32
      scf.yield %scan3A_233 : i32
    }
    %scan3A_13 = arith.constant 128 : i32
    %scan3A_14 = arith.constant 0 : i32
    %scan3A_15 = arith.constant 0 : i32
    %scan3A_16 = arith.constant 16 : i32
    %scan3A_17 = arith.addi %scan3A_15, %scan3A_16 : i32
    %scan3A_18 = arith.constant 1 : i32
    %scan3A_19 = scf.for %scan3A_226 = %scan3A_15 to %scan3A_17 step %scan3A_18 iter_args(%scan3A_227 = %scan3A_14) -> (i32)  : i32 {
      %mul3A_228 = arith.constant 2048 : i32
      %mul3A_229 = arith.muli %arg1, %mul3A_228 : i32
      %mul3A_230 = arith.constant 128 : i32
      %mul3A_231 = arith.muli %scan3A_226, %mul3A_230 : i32
      %add3A_232 = arith.addi %mul3A_229, %mul3A_231 : i32
      "tpu.region"() ({
        %run_scoped3A_234 = tpu.sem_alloc : memref<!tpu.dma_semaphore, #tpu.memory_space<semaphore_mem>>
        %dma_start3A_235 = arith.constant 0 : i32
        %dma_start3A_236 = tpu.memref_slice %arg12[%add3A_232, %dma_start3A_235] : memref<32768x16xf32, #tpu.memory_space<vmem_shared>> -> memref<128x16xf32, #tpu.memory_space<vmem_shared>>
        %dma_start3A_237 = arith.constant 0 : i32
        %dma_start3A_238 = tpu.memref_slice %arg12[%add3A_232, %dma_start3A_237] : memref<32768x16xf32, #tpu.memory_space<vmem_shared>> -> memref<128x16xf32, #tpu.memory_space<vmem_shared>>
        tpu.enqueue_dma source(%arg10 : memref<128x16xf32, #tpu.memory_space<vmem>>) target(%dma_start3A_238 : memref<128x16xf32, #tpu.memory_space<vmem_shared>>) target_semaphore(%run_scoped3A_234 : memref<!tpu.dma_semaphore, #tpu.memory_space<semaphore_mem>>)
        %dma_wait3A_239 = arith.constant 0 : i32
        %dma_wait3A_240 = tpu.memref_slice %arg12[%add3A_232, %dma_wait3A_239] : memref<32768x16xf32, #tpu.memory_space<vmem_shared>> -> memref<128x16xf32, #tpu.memory_space<vmem_shared>>
        %dma_wait3A_241 = arith.constant 0 : i32
        %dma_wait3A_242 = tpu.memref_slice %arg12[%add3A_232, %dma_wait3A_241] : memref<32768x16xf32, #tpu.memory_space<vmem_shared>> -> memref<128x16xf32, #tpu.memory_space<vmem_shared>>
        tpu.wait_dma2 semaphore(%run_scoped3A_234 : memref<!tpu.dma_semaphore, #tpu.memory_space<semaphore_mem>>) src(%arg10 : memref<128x16xf32, #tpu.memory_space<vmem>>) dst(%dma_wait3A_242 : memref<128x16xf32, #tpu.memory_space<vmem_shared>>)
        tpu.yield
      }) : () -> ()
      "tpu.region"() ({
        %run_scoped3A_234 = tpu.sem_alloc : memref<!tpu.dma_semaphore, #tpu.memory_space<semaphore_mem>>
        %dma_start3A_235 = tpu.memref_slice %arg13[%add3A_232] : memref<32768xf32, #tpu.memory_space<vmem_shared>> -> memref<128xf32, #tpu.memory_space<vmem_shared>>
        %dma_start3A_236 = tpu.memref_slice %arg13[%add3A_232] : memref<32768xf32, #tpu.memory_space<vmem_shared>> -> memref<128xf32, #tpu.memory_space<vmem_shared>>
        tpu.enqueue_dma source(%arg11 : memref<128xf32, #tpu.memory_space<vmem>>) target(%dma_start3A_236 : memref<128xf32, #tpu.memory_space<vmem_shared>>) target_semaphore(%run_scoped3A_234 : memref<!tpu.dma_semaphore, #tpu.memory_space<semaphore_mem>>)
        %dma_wait3A_237 = tpu.memref_slice %arg13[%add3A_232] : memref<32768xf32, #tpu.memory_space<vmem_shared>> -> memref<128xf32, #tpu.memory_space<vmem_shared>>
        %dma_wait3A_238 = tpu.memref_slice %arg13[%add3A_232] : memref<32768xf32, #tpu.memory_space<vmem_shared>> -> memref<128xf32, #tpu.memory_space<vmem_shared>>
        tpu.wait_dma2 semaphore(%run_scoped3A_234 : memref<!tpu.dma_semaphore, #tpu.memory_space<semaphore_mem>>) src(%arg11 : memref<128xf32, #tpu.memory_space<vmem>>) dst(%dma_wait3A_238 : memref<128xf32, #tpu.memory_space<vmem_shared>>)
        tpu.yield
      }) : () -> ()
      %scan3A_233 = arith.constant 0 : i32
      scf.yield %scan3A_233 : i32
    }
    %scan3A_20 = arith.constant 16 : i32
    %barrier3A = arith.constant 0 : index
    tpu.barrier barrier_id(%barrier3A)
    %run_scoped3A = arith.constant 0 : i32
    "tpu.region"() ({
      %run_scoped3A_226 = tpu.sem_alloc : memref<!tpu.dma_semaphore, #tpu.memory_space<semaphore_mem>>
      %dma_start3A_227 = arith.constant 0 : i32
      %dma_start3A_228 = arith.constant 0 : i32
      %dma_start3A_229 = tpu.memref_slice %arg3[%run_scoped3A, %add3A, %dma_start3A_227, %dma_start3A_228] : memref<2x32x64x128xi32, #tpu.memory_space<hbm>> -> memref<1x1x64x128xi32, #tpu.memory_space<hbm>>
      %dma_start3A_230 = tpu.memref_squeeze %dma_start3A_229 : memref<1x1x64x128xi32, #tpu.memory_space<hbm>> -> memref<64x128xi32, #tpu.memory_space<hbm>>
      %dma_start3A_231 = arith.constant 0 : i32
      %dma_start3A_232 = arith.constant 0 : i32
      %dma_start3A_233 = tpu.memref_slice %arg3[%run_scoped3A, %add3A, %dma_start3A_231, %dma_start3A_232] : memref<2x32x64x128xi32, #tpu.memory_space<hbm>> -> memref<1x1x64x128xi32, #tpu.memory_space<hbm>>
      %dma_start3A_234 = tpu.memref_squeeze %dma_start3A_233 : memref<1x1x64x128xi32, #tpu.memory_space<hbm>> -> memref<64x128xi32, #tpu.memory_space<hbm>>
      tpu.enqueue_dma source(%dma_start3A_234 : memref<64x128xi32, #tpu.memory_space<hbm>>) target(%arg6 : memref<64x128xi32, #tpu.memory_space<vmem>>) target_semaphore(%run_scoped3A_226 : memref<!tpu.dma_semaphore, #tpu.memory_space<semaphore_mem>>)
      %dma_wait3A_235 = arith.constant 0 : i32
      %dma_wait3A_236 = arith.constant 0 : i32
      %dma_wait3A_237 = tpu.memref_slice %arg3[%run_scoped3A, %add3A, %dma_wait3A_235, %dma_wait3A_236] : memref<2x32x64x128xi32, #tpu.memory_space<hbm>> -> memref<1x1x64x128xi32, #tpu.memory_space<hbm>>
      %dma_wait3A_238 = tpu.memref_squeeze %dma_wait3A_237 : memref<1x1x64x128xi32, #tpu.memory_space<hbm>> -> memref<64x128xi32, #tpu.memory_space<hbm>>
      %dma_wait3A_239 = arith.constant 0 : i32
      %dma_wait3A_240 = arith.constant 0 : i32
      %dma_wait3A_241 = tpu.memref_slice %arg3[%run_scoped3A, %add3A, %dma_wait3A_239, %dma_wait3A_240] : memref<2x32x64x128xi32, #tpu.memory_space<hbm>> -> memref<1x1x64x128xi32, #tpu.memory_space<hbm>>
      %dma_wait3A_242 = tpu.memref_squeeze %dma_wait3A_241 : memref<1x1x64x128xi32, #tpu.memory_space<hbm>> -> memref<64x128xi32, #tpu.memory_space<hbm>>
      tpu.wait_dma2 semaphore(%run_scoped3A_226 : memref<!tpu.dma_semaphore, #tpu.memory_space<semaphore_mem>>) src(%dma_wait3A_242 : memref<64x128xi32, #tpu.memory_space<hbm>>) dst(%arg6 : memref<64x128xi32, #tpu.memory_space<vmem>>)
      tpu.yield
    }) : () -> ()
    %run_scoped3A_21 = arith.constant 1 : i32
    "tpu.region"() ({
      %run_scoped3A_226 = tpu.sem_alloc : memref<!tpu.dma_semaphore, #tpu.memory_space<semaphore_mem>>
      %dma_start3A_227 = arith.constant 0 : i32
      %dma_start3A_228 = arith.constant 0 : i32
      %dma_start3A_229 = tpu.memref_slice %arg3[%run_scoped3A_21, %add3A, %dma_start3A_227, %dma_start3A_228] : memref<2x32x64x128xi32, #tpu.memory_space<hbm>> -> memref<1x1x64x128xi32, #tpu.memory_space<hbm>>
      %dma_start3A_230 = tpu.memref_squeeze %dma_start3A_229 : memref<1x1x64x128xi32, #tpu.memory_space<hbm>> -> memref<64x128xi32, #tpu.memory_space<hbm>>
      %dma_start3A_231 = arith.constant 0 : i32
      %dma_start3A_232 = arith.constant 0 : i32
      %dma_start3A_233 = tpu.memref_slice %arg3[%run_scoped3A_21, %add3A, %dma_start3A_231, %dma_start3A_232] : memref<2x32x64x128xi32, #tpu.memory_space<hbm>> -> memref<1x1x64x128xi32, #tpu.memory_space<hbm>>
      %dma_start3A_234 = tpu.memref_squeeze %dma_start3A_233 : memref<1x1x64x128xi32, #tpu.memory_space<hbm>> -> memref<64x128xi32, #tpu.memory_space<hbm>>
      tpu.enqueue_dma source(%dma_start3A_234 : memref<64x128xi32, #tpu.memory_space<hbm>>) target(%arg7 : memref<64x128xi32, #tpu.memory_space<vmem>>) target_semaphore(%run_scoped3A_226 : memref<!tpu.dma_semaphore, #tpu.memory_space<semaphore_mem>>)
      %dma_wait3A_235 = arith.constant 0 : i32
      %dma_wait3A_236 = arith.constant 0 : i32
      %dma_wait3A_237 = tpu.memref_slice %arg3[%run_scoped3A_21, %add3A, %dma_wait3A_235, %dma_wait3A_236] : memref<2x32x64x128xi32, #tpu.memory_space<hbm>> -> memref<1x1x64x128xi32, #tpu.memory_space<hbm>>
      %dma_wait3A_238 = tpu.memref_squeeze %dma_wait3A_237 : memref<1x1x64x128xi32, #tpu.memory_space<hbm>> -> memref<64x128xi32, #tpu.memory_space<hbm>>
      %dma_wait3A_239 = arith.constant 0 : i32
      %dma_wait3A_240 = arith.constant 0 : i32
      %dma_wait3A_241 = tpu.memref_slice %arg3[%run_scoped3A_21, %add3A, %dma_wait3A_239, %dma_wait3A_240] : memref<2x32x64x128xi32, #tpu.memory_space<hbm>> -> memref<1x1x64x128xi32, #tpu.memory_space<hbm>>
      %dma_wait3A_242 = tpu.memref_squeeze %dma_wait3A_241 : memref<1x1x64x128xi32, #tpu.memory_space<hbm>> -> memref<64x128xi32, #tpu.memory_space<hbm>>
      tpu.wait_dma2 semaphore(%run_scoped3A_226 : memref<!tpu.dma_semaphore, #tpu.memory_space<semaphore_mem>>) src(%dma_wait3A_242 : memref<64x128xi32, #tpu.memory_space<hbm>>) dst(%arg7 : memref<64x128xi32, #tpu.memory_space<vmem>>)
      tpu.yield
    }) : () -> ()
    %dma_start3A = arith.constant 0 : i32
    %dma_start3A_22 = arith.constant 0 : i32
    %dma_start3A_23 = arith.constant 0 : i32
    %dma_start3A_24 = arith.constant 0 : i32
    %dma_start3A_25 = tpu.memref_slice %arg8[%dma_start3A_22, %dma_start3A_23, %dma_start3A_24] : memref<8x128x16xf32, #tpu.memory_space<vmem>> -> memref<1x128x16xf32, #tpu.memory_space<vmem>>
    %dma_start3A_26 = tpu.memref_squeeze %dma_start3A_25 : memref<1x128x16xf32, #tpu.memory_space<vmem>> -> memref<128x16xf32, #tpu.memory_space<vmem>>
    %dma_start3A_27 = arith.constant 0 : i32
    %dma_start3A_28 = tpu.memref_slice %arg6[%dma_start3A, %dma_start3A_27] : memref<64x128xi32, #tpu.memory_space<vmem>> -> memref<1x128xi32, #tpu.memory_space<vmem>>
    %dma_start3A_29 = tpu.memref_squeeze %dma_start3A_28 : memref<1x128xi32, #tpu.memory_space<vmem>> -> memref<128xi32, #tpu.memory_space<vmem>>
    %dma_start3A_30 = arith.constant 0 : i32
    %dma_start3A_31 = arith.constant 0 : i32
    %dma_start3A_32 = tpu.memref_slice %arg2[%dma_start3A_30, %dma_start3A_31] : memref<32768x16xf32, #tpu.memory_space<hbm>> -> memref<32768x16xf32, #tpu.memory_space<hbm>>
    tpu.enqueue_indirect_dma source(%dma_start3A_32 : memref<32768x16xf32, #tpu.memory_space<hbm>>) target(%dma_start3A_26 : memref<128x16xf32, #tpu.memory_space<vmem>>) offsets(%dma_start3A_29 : memref<128xi32, #tpu.memory_space<vmem>>) semaphore(%arg14 : memref<!tpu.dma_semaphore, #tpu.memory_space<semaphore_mem>>)
    %dma_start3A_33 = arith.constant 1 : i32
    %dma_start3A_34 = arith.constant 1 : i32
    %dma_start3A_35 = arith.constant 0 : i32
    %dma_start3A_36 = arith.constant 0 : i32
    %dma_start3A_37 = tpu.memref_slice %arg8[%dma_start3A_34, %dma_start3A_35, %dma_start3A_36] : memref<8x128x16xf32, #tpu.memory_space<vmem>> -> memref<1x128x16xf32, #tpu.memory_space<vmem>>
    %dma_start3A_38 = tpu.memref_squeeze %dma_start3A_37 : memref<1x128x16xf32, #tpu.memory_space<vmem>> -> memref<128x16xf32, #tpu.memory_space<vmem>>
    %dma_start3A_39 = arith.constant 0 : i32
    %dma_start3A_40 = tpu.memref_slice %arg6[%dma_start3A_33, %dma_start3A_39] : memref<64x128xi32, #tpu.memory_space<vmem>> -> memref<1x128xi32, #tpu.memory_space<vmem>>
    %dma_start3A_41 = tpu.memref_squeeze %dma_start3A_40 : memref<1x128xi32, #tpu.memory_space<vmem>> -> memref<128xi32, #tpu.memory_space<vmem>>
    %dma_start3A_42 = arith.constant 0 : i32
    %dma_start3A_43 = arith.constant 0 : i32
    %dma_start3A_44 = tpu.memref_slice %arg2[%dma_start3A_42, %dma_start3A_43] : memref<32768x16xf32, #tpu.memory_space<hbm>> -> memref<32768x16xf32, #tpu.memory_space<hbm>>
    tpu.enqueue_indirect_dma source(%dma_start3A_44 : memref<32768x16xf32, #tpu.memory_space<hbm>>) target(%dma_start3A_38 : memref<128x16xf32, #tpu.memory_space<vmem>>) offsets(%dma_start3A_41 : memref<128xi32, #tpu.memory_space<vmem>>) semaphore(%arg15 : memref<!tpu.dma_semaphore, #tpu.memory_space<semaphore_mem>>)
    %dma_start3A_45 = arith.constant 2 : i32
    %dma_start3A_46 = arith.constant 2 : i32
    %dma_start3A_47 = arith.constant 0 : i32
    %dma_start3A_48 = arith.constant 0 : i32
    %dma_start3A_49 = tpu.memref_slice %arg8[%dma_start3A_46, %dma_start3A_47, %dma_start3A_48] : memref<8x128x16xf32, #tpu.memory_space<vmem>> -> memref<1x128x16xf32, #tpu.memory_space<vmem>>
    %dma_start3A_50 = tpu.memref_squeeze %dma_start3A_49 : memref<1x128x16xf32, #tpu.memory_space<vmem>> -> memref<128x16xf32, #tpu.memory_space<vmem>>
    %dma_start3A_51 = arith.constant 0 : i32
    %dma_start3A_52 = tpu.memref_slice %arg6[%dma_start3A_45, %dma_start3A_51] : memref<64x128xi32, #tpu.memory_space<vmem>> -> memref<1x128xi32, #tpu.memory_space<vmem>>
    %dma_start3A_53 = tpu.memref_squeeze %dma_start3A_52 : memref<1x128xi32, #tpu.memory_space<vmem>> -> memref<128xi32, #tpu.memory_space<vmem>>
    %dma_start3A_54 = arith.constant 0 : i32
    %dma_start3A_55 = arith.constant 0 : i32
    %dma_start3A_56 = tpu.memref_slice %arg2[%dma_start3A_54, %dma_start3A_55] : memref<32768x16xf32, #tpu.memory_space<hbm>> -> memref<32768x16xf32, #tpu.memory_space<hbm>>
    tpu.enqueue_indirect_dma source(%dma_start3A_56 : memref<32768x16xf32, #tpu.memory_space<hbm>>) target(%dma_start3A_50 : memref<128x16xf32, #tpu.memory_space<vmem>>) offsets(%dma_start3A_53 : memref<128xi32, #tpu.memory_space<vmem>>) semaphore(%arg16 : memref<!tpu.dma_semaphore, #tpu.memory_space<semaphore_mem>>)
    %dma_start3A_57 = arith.constant 3 : i32
    %dma_start3A_58 = arith.constant 3 : i32
    %dma_start3A_59 = arith.constant 0 : i32
    %dma_start3A_60 = arith.constant 0 : i32
    %dma_start3A_61 = tpu.memref_slice %arg8[%dma_start3A_58, %dma_start3A_59, %dma_start3A_60] : memref<8x128x16xf32, #tpu.memory_space<vmem>> -> memref<1x128x16xf32, #tpu.memory_space<vmem>>
    %dma_start3A_62 = tpu.memref_squeeze %dma_start3A_61 : memref<1x128x16xf32, #tpu.memory_space<vmem>> -> memref<128x16xf32, #tpu.memory_space<vmem>>
    %dma_start3A_63 = arith.constant 0 : i32
    %dma_start3A_64 = tpu.memref_slice %arg6[%dma_start3A_57, %dma_start3A_63] : memref<64x128xi32, #tpu.memory_space<vmem>> -> memref<1x128xi32, #tpu.memory_space<vmem>>
    %dma_start3A_65 = tpu.memref_squeeze %dma_start3A_64 : memref<1x128xi32, #tpu.memory_space<vmem>> -> memref<128xi32, #tpu.memory_space<vmem>>
    %dma_start3A_66 = arith.constant 0 : i32
    %dma_start3A_67 = arith.constant 0 : i32
    %dma_start3A_68 = tpu.memref_slice %arg2[%dma_start3A_66, %dma_start3A_67] : memref<32768x16xf32, #tpu.memory_space<hbm>> -> memref<32768x16xf32, #tpu.memory_space<hbm>>
    tpu.enqueue_indirect_dma source(%dma_start3A_68 : memref<32768x16xf32, #tpu.memory_space<hbm>>) target(%dma_start3A_62 : memref<128x16xf32, #tpu.memory_space<vmem>>) offsets(%dma_start3A_65 : memref<128xi32, #tpu.memory_space<vmem>>) semaphore(%arg17 : memref<!tpu.dma_semaphore, #tpu.memory_space<semaphore_mem>>)
    %dma_start3A_69 = arith.constant 4 : i32
    %dma_start3A_70 = arith.constant 4 : i32
    %dma_start3A_71 = arith.constant 0 : i32
    %dma_start3A_72 = arith.constant 0 : i32
    %dma_start3A_73 = tpu.memref_slice %arg8[%dma_start3A_70, %dma_start3A_71, %dma_start3A_72] : memref<8x128x16xf32, #tpu.memory_space<vmem>> -> memref<1x128x16xf32, #tpu.memory_space<vmem>>
    %dma_start3A_74 = tpu.memref_squeeze %dma_start3A_73 : memref<1x128x16xf32, #tpu.memory_space<vmem>> -> memref<128x16xf32, #tpu.memory_space<vmem>>
    %dma_start3A_75 = arith.constant 0 : i32
    %dma_start3A_76 = tpu.memref_slice %arg6[%dma_start3A_69, %dma_start3A_75] : memref<64x128xi32, #tpu.memory_space<vmem>> -> memref<1x128xi32, #tpu.memory_space<vmem>>
    %dma_start3A_77 = tpu.memref_squeeze %dma_start3A_76 : memref<1x128xi32, #tpu.memory_space<vmem>> -> memref<128xi32, #tpu.memory_space<vmem>>
    %dma_start3A_78 = arith.constant 0 : i32
    %dma_start3A_79 = arith.constant 0 : i32
    %dma_start3A_80 = tpu.memref_slice %arg2[%dma_start3A_78, %dma_start3A_79] : memref<32768x16xf32, #tpu.memory_space<hbm>> -> memref<32768x16xf32, #tpu.memory_space<hbm>>
    tpu.enqueue_indirect_dma source(%dma_start3A_80 : memref<32768x16xf32, #tpu.memory_space<hbm>>) target(%dma_start3A_74 : memref<128x16xf32, #tpu.memory_space<vmem>>) offsets(%dma_start3A_77 : memref<128xi32, #tpu.memory_space<vmem>>) semaphore(%arg18 : memref<!tpu.dma_semaphore, #tpu.memory_space<semaphore_mem>>)
    %dma_start3A_81 = arith.constant 5 : i32
    %dma_start3A_82 = arith.constant 5 : i32
    %dma_start3A_83 = arith.constant 0 : i32
    %dma_start3A_84 = arith.constant 0 : i32
    %dma_start3A_85 = tpu.memref_slice %arg8[%dma_start3A_82, %dma_start3A_83, %dma_start3A_84] : memref<8x128x16xf32, #tpu.memory_space<vmem>> -> memref<1x128x16xf32, #tpu.memory_space<vmem>>
    %dma_start3A_86 = tpu.memref_squeeze %dma_start3A_85 : memref<1x128x16xf32, #tpu.memory_space<vmem>> -> memref<128x16xf32, #tpu.memory_space<vmem>>
    %dma_start3A_87 = arith.constant 0 : i32
    %dma_start3A_88 = tpu.memref_slice %arg6[%dma_start3A_81, %dma_start3A_87] : memref<64x128xi32, #tpu.memory_space<vmem>> -> memref<1x128xi32, #tpu.memory_space<vmem>>
    %dma_start3A_89 = tpu.memref_squeeze %dma_start3A_88 : memref<1x128xi32, #tpu.memory_space<vmem>> -> memref<128xi32, #tpu.memory_space<vmem>>
    %dma_start3A_90 = arith.constant 0 : i32
    %dma_start3A_91 = arith.constant 0 : i32
    %dma_start3A_92 = tpu.memref_slice %arg2[%dma_start3A_90, %dma_start3A_91] : memref<32768x16xf32, #tpu.memory_space<hbm>> -> memref<32768x16xf32, #tpu.memory_space<hbm>>
    tpu.enqueue_indirect_dma source(%dma_start3A_92 : memref<32768x16xf32, #tpu.memory_space<hbm>>) target(%dma_start3A_86 : memref<128x16xf32, #tpu.memory_space<vmem>>) offsets(%dma_start3A_89 : memref<128xi32, #tpu.memory_space<vmem>>) semaphore(%arg19 : memref<!tpu.dma_semaphore, #tpu.memory_space<semaphore_mem>>)
    %dma_start3A_93 = arith.constant 6 : i32
    %dma_start3A_94 = arith.constant 6 : i32
    %dma_start3A_95 = arith.constant 0 : i32
    %dma_start3A_96 = arith.constant 0 : i32
    %dma_start3A_97 = tpu.memref_slice %arg8[%dma_start3A_94, %dma_start3A_95, %dma_start3A_96] : memref<8x128x16xf32, #tpu.memory_space<vmem>> -> memref<1x128x16xf32, #tpu.memory_space<vmem>>
    %dma_start3A_98 = tpu.memref_squeeze %dma_start3A_97 : memref<1x128x16xf32, #tpu.memory_space<vmem>> -> memref<128x16xf32, #tpu.memory_space<vmem>>
    %dma_start3A_99 = arith.constant 0 : i32
    %dma_start3A_100 = tpu.memref_slice %arg6[%dma_start3A_93, %dma_start3A_99] : memref<64x128xi32, #tpu.memory_space<vmem>> -> memref<1x128xi32, #tpu.memory_space<vmem>>
    %dma_start3A_101 = tpu.memref_squeeze %dma_start3A_100 : memref<1x128xi32, #tpu.memory_space<vmem>> -> memref<128xi32, #tpu.memory_space<vmem>>
    %dma_start3A_102 = arith.constant 0 : i32
    %dma_start3A_103 = arith.constant 0 : i32
    %dma_start3A_104 = tpu.memref_slice %arg2[%dma_start3A_102, %dma_start3A_103] : memref<32768x16xf32, #tpu.memory_space<hbm>> -> memref<32768x16xf32, #tpu.memory_space<hbm>>
    tpu.enqueue_indirect_dma source(%dma_start3A_104 : memref<32768x16xf32, #tpu.memory_space<hbm>>) target(%dma_start3A_98 : memref<128x16xf32, #tpu.memory_space<vmem>>) offsets(%dma_start3A_101 : memref<128xi32, #tpu.memory_space<vmem>>) semaphore(%arg20 : memref<!tpu.dma_semaphore, #tpu.memory_space<semaphore_mem>>)
    %dma_start3A_105 = arith.constant 0 : i32
    %dma_start3A_106 = arith.constant 0 : i32
    %dma_start3A_107 = tpu.memref_slice %arg7[%dma_start3A_105, %dma_start3A_106] : memref<64x128xi32, #tpu.memory_space<vmem>> -> memref<1x128xi32, #tpu.memory_space<vmem>>
    %dma_start3A_108 = tpu.memref_squeeze %dma_start3A_107 : memref<1x128xi32, #tpu.memory_space<vmem>> -> memref<128xi32, #tpu.memory_space<vmem>>
    %dma_start3A_109 = arith.constant 0 : i32
    %dma_start3A_110 = tpu.memref_slice %arg13[%dma_start3A_109] : memref<32768xf32, #tpu.memory_space<vmem_shared>> -> memref<32768xf32, #tpu.memory_space<vmem_shared>>
    tpu.enqueue_indirect_dma source(%arg9 : memref<128xf32, #tpu.memory_space<vmem>>) target(%dma_start3A_110 : memref<32768xf32, #tpu.memory_space<vmem_shared>>) offsets(%dma_start3A_108 : memref<128xi32, #tpu.memory_space<vmem>>) semaphore(%arg30 : memref<!tpu.dma_semaphore, #tpu.memory_space<semaphore_mem>>) {add = true}
    %scan3A_111 = arith.constant 0 : i32
    %scan3A_112 = arith.constant 0 : i32
    %scan3A_113 = arith.constant 8 : i32
    %scan3A_114 = arith.addi %scan3A_112, %scan3A_113 : i32
    %scan3A_115 = arith.constant 1 : i32
    %scan3A_116 = scf.for %scan3A_226 = %scan3A_112 to %scan3A_114 step %scan3A_115 iter_args(%scan3A_227 = %scan3A_111) -> (i32)  : i32 {
      %mul3A_228 = arith.constant 8 : i32
      %mul3A_229 = arith.muli %scan3A_226, %mul3A_228 : i32
      %add3A_230 = arith.constant 0 : i32
      %add3A_231 = arith.addi %mul3A_229, %add3A_230 : i32
      %dma_wait3A_232 = arith.constant 0 : i32
      %dma_wait3A_233 = arith.constant 0 : i32
      %dma_wait3A_234 = arith.constant 0 : i32
      %dma_wait3A_235 = tpu.memref_slice %arg8[%dma_wait3A_232, %dma_wait3A_233, %dma_wait3A_234] : memref<8x128x16xf32, #tpu.memory_space<vmem>> -> memref<1x128x16xf32, #tpu.memory_space<vmem>>
      %dma_wait3A_236 = tpu.memref_squeeze %dma_wait3A_235 : memref<1x128x16xf32, #tpu.memory_space<vmem>> -> memref<128x16xf32, #tpu.memory_space<vmem>>
      %dma_wait3A_237 = arith.constant 0 : i32
      %dma_wait3A_238 = tpu.memref_slice %arg6[%add3A_231, %dma_wait3A_237] : memref<64x128xi32, #tpu.memory_space<vmem>> -> memref<1x128xi32, #tpu.memory_space<vmem>>
      %dma_wait3A_239 = tpu.memref_squeeze %dma_wait3A_238 : memref<1x128xi32, #tpu.memory_space<vmem>> -> memref<128xi32, #tpu.memory_space<vmem>>
      %dma_wait3A_240 = arith.constant 0 : i32
      %dma_wait3A_241 = arith.constant 0 : i32
      %dma_wait3A_242 = tpu.memref_slice %arg2[%dma_wait3A_240, %dma_wait3A_241] : memref<32768x16xf32, #tpu.memory_space<hbm>> -> memref<32768x16xf32, #tpu.memory_space<hbm>>
      tpu.wait_indirect_dma semaphore(%arg14 : memref<!tpu.dma_semaphore, #tpu.memory_space<semaphore_mem>>) src(%dma_wait3A_242 : memref<32768x16xf32, #tpu.memory_space<hbm>>) dst(%dma_wait3A_236 : memref<128x16xf32, #tpu.memory_space<vmem>>)
      %dma_start3A_243 = arith.constant 0 : i32
      %dma_start3A_244 = arith.constant 0 : i32
      %dma_start3A_245 = arith.constant 0 : i32
      %dma_start3A_246 = tpu.memref_slice %arg8[%dma_start3A_243, %dma_start3A_244, %dma_start3A_245] : memref<8x128x16xf32, #tpu.memory_space<vmem>> -> memref<1x128x16xf32, #tpu.memory_space<vmem>>
      %dma_start3A_247 = tpu.memref_squeeze %dma_start3A_246 : memref<1x128x16xf32, #tpu.memory_space<vmem>> -> memref<128x16xf32, #tpu.memory_space<vmem>>
      %dma_start3A_248 = arith.constant 0 : i32
      %dma_start3A_249 = tpu.memref_slice %arg7[%add3A_231, %dma_start3A_248] : memref<64x128xi32, #tpu.memory_space<vmem>> -> memref<1x128xi32, #tpu.memory_space<vmem>>
      %dma_start3A_250 = tpu.memref_squeeze %dma_start3A_249 : memref<1x128xi32, #tpu.memory_space<vmem>> -> memref<128xi32, #tpu.memory_space<vmem>>
      %dma_start3A_251 = arith.constant 0 : i32
      %dma_start3A_252 = arith.constant 0 : i32
      %dma_start3A_253 = tpu.memref_slice %arg12[%dma_start3A_251, %dma_start3A_252] : memref<32768x16xf32, #tpu.memory_space<vmem_shared>> -> memref<32768x16xf32, #tpu.memory_space<vmem_shared>>
      tpu.enqueue_indirect_dma source(%dma_start3A_247 : memref<128x16xf32, #tpu.memory_space<vmem>>) target(%dma_start3A_253 : memref<32768x16xf32, #tpu.memory_space<vmem_shared>>) offsets(%dma_start3A_250 : memref<128xi32, #tpu.memory_space<vmem>>) semaphore(%arg22 : memref<!tpu.dma_semaphore, #tpu.memory_space<semaphore_mem>>) {add = true}
      %add3A_254 = arith.constant 1 : i32
      %add3A_255 = arith.addi %add3A_231, %add3A_254 : i32
      %lt3A = arith.constant 64 : i32
      %lt3A_256 = arith.cmpi slt, %add3A_255, %lt3A : i32
      %convert_element_type3A = arith.extui %lt3A_256 : i1 to i32
      %cond3A = arith.constant 0 : i32
      %cond3A_257 = arith.cmpi ne, %convert_element_type3A, %cond3A : i32
      scf.if %cond3A_257 {
        %dma_wait3A_547 = arith.constant 0 : i32
        %dma_wait3A_548 = tpu.memref_slice %arg7[%add3A_231, %dma_wait3A_547] : memref<64x128xi32, #tpu.memory_space<vmem>> -> memref<1x128xi32, #tpu.memory_space<vmem>>
        %dma_wait3A_549 = tpu.memref_squeeze %dma_wait3A_548 : memref<1x128xi32, #tpu.memory_space<vmem>> -> memref<128xi32, #tpu.memory_space<vmem>>
        %dma_wait3A_550 = arith.constant 0 : i32
        %dma_wait3A_551 = tpu.memref_slice %arg13[%dma_wait3A_550] : memref<32768xf32, #tpu.memory_space<vmem_shared>> -> memref<32768xf32, #tpu.memory_space<vmem_shared>>
        tpu.wait_indirect_dma semaphore(%arg30 : memref<!tpu.dma_semaphore, #tpu.memory_space<semaphore_mem>>) src(%arg9 : memref<128xf32, #tpu.memory_space<vmem>>) dst(%dma_wait3A_551 : memref<32768xf32, #tpu.memory_space<vmem_shared>>)
        %add3A_552 = arith.constant 1 : i32
        %add3A_553 = arith.addi %add3A_231, %add3A_552 : i32
        %dma_start3A_554 = arith.constant 0 : i32
        %dma_start3A_555 = tpu.memref_slice %arg7[%add3A_553, %dma_start3A_554] : memref<64x128xi32, #tpu.memory_space<vmem>> -> memref<1x128xi32, #tpu.memory_space<vmem>>
        %dma_start3A_556 = tpu.memref_squeeze %dma_start3A_555 : memref<1x128xi32, #tpu.memory_space<vmem>> -> memref<128xi32, #tpu.memory_space<vmem>>
        %dma_start3A_557 = arith.constant 0 : i32
        %dma_start3A_558 = tpu.memref_slice %arg13[%dma_start3A_557] : memref<32768xf32, #tpu.memory_space<vmem_shared>> -> memref<32768xf32, #tpu.memory_space<vmem_shared>>
        tpu.enqueue_indirect_dma source(%arg9 : memref<128xf32, #tpu.memory_space<vmem>>) target(%dma_start3A_558 : memref<32768xf32, #tpu.memory_space<vmem_shared>>) offsets(%dma_start3A_556 : memref<128xi32, #tpu.memory_space<vmem>>) semaphore(%arg30 : memref<!tpu.dma_semaphore, #tpu.memory_space<semaphore_mem>>) {add = true}
      } else {
      }
      %add3A_258 = arith.constant 8 : i32
      %add3A_259 = arith.addi %add3A_231, %add3A_258 : i32
      %sub3A = arith.constant 1 : i32
      %sub3A_260 = arith.subi %add3A_259, %sub3A : i32
      %lt3A_261 = arith.constant 64 : i32
      %lt3A_262 = arith.cmpi slt, %sub3A_260, %lt3A_261 : i32
      %convert_element_type3A_263 = arith.extui %lt3A_262 : i1 to i32
      %cond3A_264 = arith.constant 0 : i32
      %cond3A_265 = arith.cmpi ne, %convert_element_type3A_263, %cond3A_264 : i32
      scf.if %cond3A_265 {
        %ge3A = arith.constant 1 : i32
        %ge3A_547 = arith.cmpi sge, %add3A_231, %ge3A : i32
        %convert_element_type3A_548 = arith.extui %ge3A_547 : i1 to i32
        %cond3A_549 = arith.constant 0 : i32
        %cond3A_550 = arith.cmpi ne, %convert_element_type3A_548, %cond3A_549 : i32
        scf.if %cond3A_550 {
          %sub3A_566 = arith.constant 1 : i32
          %sub3A_567 = arith.subi %add3A_231, %sub3A_566 : i32
          %dma_wait3A_568 = arith.constant 7 : i32
          %dma_wait3A_569 = arith.constant 0 : i32
          %dma_wait3A_570 = arith.constant 0 : i32
          %dma_wait3A_571 = tpu.memref_slice %arg8[%dma_wait3A_568, %dma_wait3A_569, %dma_wait3A_570] : memref<8x128x16xf32, #tpu.memory_space<vmem>> -> memref<1x128x16xf32, #tpu.memory_space<vmem>>
          %dma_wait3A_572 = tpu.memref_squeeze %dma_wait3A_571 : memref<1x128x16xf32, #tpu.memory_space<vmem>> -> memref<128x16xf32, #tpu.memory_space<vmem>>
          %dma_wait3A_573 = arith.constant 0 : i32
          %dma_wait3A_574 = tpu.memref_slice %arg7[%sub3A_567, %dma_wait3A_573] : memref<64x128xi32, #tpu.memory_space<vmem>> -> memref<1x128xi32, #tpu.memory_space<vmem>>
          %dma_wait3A_575 = tpu.memref_squeeze %dma_wait3A_574 : memref<1x128xi32, #tpu.memory_space<vmem>> -> memref<128xi32, #tpu.memory_space<vmem>>
          %dma_wait3A_576 = arith.constant 0 : i32
          %dma_wait3A_577 = arith.constant 0 : i32
          %dma_wait3A_578 = tpu.memref_slice %arg12[%dma_wait3A_576, %dma_wait3A_577] : memref<32768x16xf32, #tpu.memory_space<vmem_shared>> -> memref<32768x16xf32, #tpu.memory_space<vmem_shared>>
          tpu.wait_indirect_dma semaphore(%arg29 : memref<!tpu.dma_semaphore, #tpu.memory_space<semaphore_mem>>) src(%dma_wait3A_572 : memref<128x16xf32, #tpu.memory_space<vmem>>) dst(%dma_wait3A_578 : memref<32768x16xf32, #tpu.memory_space<vmem_shared>>)
        } else {
        }
        %add3A_551 = arith.constant 8 : i32
        %add3A_552 = arith.addi %add3A_231, %add3A_551 : i32
        %sub3A_553 = arith.constant 1 : i32
        %sub3A_554 = arith.subi %add3A_552, %sub3A_553 : i32
        %dma_start3A_555 = arith.constant 7 : i32
        %dma_start3A_556 = arith.constant 0 : i32
        %dma_start3A_557 = arith.constant 0 : i32
        %dma_start3A_558 = tpu.memref_slice %arg8[%dma_start3A_555, %dma_start3A_556, %dma_start3A_557] : memref<8x128x16xf32, #tpu.memory_space<vmem>> -> memref<1x128x16xf32, #tpu.memory_space<vmem>>
        %dma_start3A_559 = tpu.memref_squeeze %dma_start3A_558 : memref<1x128x16xf32, #tpu.memory_space<vmem>> -> memref<128x16xf32, #tpu.memory_space<vmem>>
        %dma_start3A_560 = arith.constant 0 : i32
        %dma_start3A_561 = tpu.memref_slice %arg6[%sub3A_554, %dma_start3A_560] : memref<64x128xi32, #tpu.memory_space<vmem>> -> memref<1x128xi32, #tpu.memory_space<vmem>>
        %dma_start3A_562 = tpu.memref_squeeze %dma_start3A_561 : memref<1x128xi32, #tpu.memory_space<vmem>> -> memref<128xi32, #tpu.memory_space<vmem>>
        %dma_start3A_563 = arith.constant 0 : i32
        %dma_start3A_564 = arith.constant 0 : i32
        %dma_start3A_565 = tpu.memref_slice %arg2[%dma_start3A_563, %dma_start3A_564] : memref<32768x16xf32, #tpu.memory_space<hbm>> -> memref<32768x16xf32, #tpu.memory_space<hbm>>
        tpu.enqueue_indirect_dma source(%dma_start3A_565 : memref<32768x16xf32, #tpu.memory_space<hbm>>) target(%dma_start3A_559 : memref<128x16xf32, #tpu.memory_space<vmem>>) offsets(%dma_start3A_562 : memref<128xi32, #tpu.memory_space<vmem>>) semaphore(%arg21 : memref<!tpu.dma_semaphore, #tpu.memory_space<semaphore_mem>>)
      } else {
      }
      %add3A_266 = arith.constant 1 : i32
      %add3A_267 = arith.addi %mul3A_229, %add3A_266 : i32
      %dma_wait3A_268 = arith.constant 1 : i32
      %dma_wait3A_269 = arith.constant 0 : i32
      %dma_wait3A_270 = arith.constant 0 : i32
      %dma_wait3A_271 = tpu.memref_slice %arg8[%dma_wait3A_268, %dma_wait3A_269, %dma_wait3A_270] : memref<8x128x16xf32, #tpu.memory_space<vmem>> -> memref<1x128x16xf32, #tpu.memory_space<vmem>>
      %dma_wait3A_272 = tpu.memref_squeeze %dma_wait3A_271 : memref<1x128x16xf32, #tpu.memory_space<vmem>> -> memref<128x16xf32, #tpu.memory_space<vmem>>
      %dma_wait3A_273 = arith.constant 0 : i32
      %dma_wait3A_274 = tpu.memref_slice %arg6[%add3A_267, %dma_wait3A_273] : memref<64x128xi32, #tpu.memory_space<vmem>> -> memref<1x128xi32, #tpu.memory_space<vmem>>
      %dma_wait3A_275 = tpu.memref_squeeze %dma_wait3A_274 : memref<1x128xi32, #tpu.memory_space<vmem>> -> memref<128xi32, #tpu.memory_space<vmem>>
      %dma_wait3A_276 = arith.constant 0 : i32
      %dma_wait3A_277 = arith.constant 0 : i32
      %dma_wait3A_278 = tpu.memref_slice %arg2[%dma_wait3A_276, %dma_wait3A_277] : memref<32768x16xf32, #tpu.memory_space<hbm>> -> memref<32768x16xf32, #tpu.memory_space<hbm>>
      tpu.wait_indirect_dma semaphore(%arg15 : memref<!tpu.dma_semaphore, #tpu.memory_space<semaphore_mem>>) src(%dma_wait3A_278 : memref<32768x16xf32, #tpu.memory_space<hbm>>) dst(%dma_wait3A_272 : memref<128x16xf32, #tpu.memory_space<vmem>>)
      %dma_start3A_279 = arith.constant 1 : i32
      %dma_start3A_280 = arith.constant 0 : i32
      %dma_start3A_281 = arith.constant 0 : i32
      %dma_start3A_282 = tpu.memref_slice %arg8[%dma_start3A_279, %dma_start3A_280, %dma_start3A_281] : memref<8x128x16xf32, #tpu.memory_space<vmem>> -> memref<1x128x16xf32, #tpu.memory_space<vmem>>
      %dma_start3A_283 = tpu.memref_squeeze %dma_start3A_282 : memref<1x128x16xf32, #tpu.memory_space<vmem>> -> memref<128x16xf32, #tpu.memory_space<vmem>>
      %dma_start3A_284 = arith.constant 0 : i32
      %dma_start3A_285 = tpu.memref_slice %arg7[%add3A_267, %dma_start3A_284] : memref<64x128xi32, #tpu.memory_space<vmem>> -> memref<1x128xi32, #tpu.memory_space<vmem>>
      %dma_start3A_286 = tpu.memref_squeeze %dma_start3A_285 : memref<1x128xi32, #tpu.memory_space<vmem>> -> memref<128xi32, #tpu.memory_space<vmem>>
      %dma_start3A_287 = arith.constant 0 : i32
      %dma_start3A_288 = arith.constant 0 : i32
      %dma_start3A_289 = tpu.memref_slice %arg12[%dma_start3A_287, %dma_start3A_288] : memref<32768x16xf32, #tpu.memory_space<vmem_shared>> -> memref<32768x16xf32, #tpu.memory_space<vmem_shared>>
      tpu.enqueue_indirect_dma source(%dma_start3A_283 : memref<128x16xf32, #tpu.memory_space<vmem>>) target(%dma_start3A_289 : memref<32768x16xf32, #tpu.memory_space<vmem_shared>>) offsets(%dma_start3A_286 : memref<128xi32, #tpu.memory_space<vmem>>) semaphore(%arg23 : memref<!tpu.dma_semaphore, #tpu.memory_space<semaphore_mem>>) {add = true}
      %add3A_290 = arith.constant 1 : i32
      %add3A_291 = arith.addi %add3A_267, %add3A_290 : i32
      %lt3A_292 = arith.constant 64 : i32
      %lt3A_293 = arith.cmpi slt, %add3A_291, %lt3A_292 : i32
      %convert_element_type3A_294 = arith.extui %lt3A_293 : i1 to i32
      %cond3A_295 = arith.constant 0 : i32
      %cond3A_296 = arith.cmpi ne, %convert_element_type3A_294, %cond3A_295 : i32
      scf.if %cond3A_296 {
        %dma_wait3A_547 = arith.constant 0 : i32
        %dma_wait3A_548 = tpu.memref_slice %arg7[%add3A_267, %dma_wait3A_547] : memref<64x128xi32, #tpu.memory_space<vmem>> -> memref<1x128xi32, #tpu.memory_space<vmem>>
        %dma_wait3A_549 = tpu.memref_squeeze %dma_wait3A_548 : memref<1x128xi32, #tpu.memory_space<vmem>> -> memref<128xi32, #tpu.memory_space<vmem>>
        %dma_wait3A_550 = arith.constant 0 : i32
        %dma_wait3A_551 = tpu.memref_slice %arg13[%dma_wait3A_550] : memref<32768xf32, #tpu.memory_space<vmem_shared>> -> memref<32768xf32, #tpu.memory_space<vmem_shared>>
        tpu.wait_indirect_dma semaphore(%arg30 : memref<!tpu.dma_semaphore, #tpu.memory_space<semaphore_mem>>) src(%arg9 : memref<128xf32, #tpu.memory_space<vmem>>) dst(%dma_wait3A_551 : memref<32768xf32, #tpu.memory_space<vmem_shared>>)
        %add3A_552 = arith.constant 1 : i32
        %add3A_553 = arith.addi %add3A_267, %add3A_552 : i32
        %dma_start3A_554 = arith.constant 0 : i32
        %dma_start3A_555 = tpu.memref_slice %arg7[%add3A_553, %dma_start3A_554] : memref<64x128xi32, #tpu.memory_space<vmem>> -> memref<1x128xi32, #tpu.memory_space<vmem>>
        %dma_start3A_556 = tpu.memref_squeeze %dma_start3A_555 : memref<1x128xi32, #tpu.memory_space<vmem>> -> memref<128xi32, #tpu.memory_space<vmem>>
        %dma_start3A_557 = arith.constant 0 : i32
        %dma_start3A_558 = tpu.memref_slice %arg13[%dma_start3A_557] : memref<32768xf32, #tpu.memory_space<vmem_shared>> -> memref<32768xf32, #tpu.memory_space<vmem_shared>>
        tpu.enqueue_indirect_dma source(%arg9 : memref<128xf32, #tpu.memory_space<vmem>>) target(%dma_start3A_558 : memref<32768xf32, #tpu.memory_space<vmem_shared>>) offsets(%dma_start3A_556 : memref<128xi32, #tpu.memory_space<vmem>>) semaphore(%arg30 : memref<!tpu.dma_semaphore, #tpu.memory_space<semaphore_mem>>) {add = true}
      } else {
      }
      %add3A_297 = arith.constant 8 : i32
      %add3A_298 = arith.addi %add3A_267, %add3A_297 : i32
      %sub3A_299 = arith.constant 1 : i32
      %sub3A_300 = arith.subi %add3A_298, %sub3A_299 : i32
      %lt3A_301 = arith.constant 64 : i32
      %lt3A_302 = arith.cmpi slt, %sub3A_300, %lt3A_301 : i32
      %convert_element_type3A_303 = arith.extui %lt3A_302 : i1 to i32
      %cond3A_304 = arith.constant 0 : i32
      %cond3A_305 = arith.cmpi ne, %convert_element_type3A_303, %cond3A_304 : i32
      scf.if %cond3A_305 {
        %ge3A = arith.constant 1 : i32
        %ge3A_547 = arith.cmpi sge, %add3A_267, %ge3A : i32
        %convert_element_type3A_548 = arith.extui %ge3A_547 : i1 to i32
        %cond3A_549 = arith.constant 0 : i32
        %cond3A_550 = arith.cmpi ne, %convert_element_type3A_548, %cond3A_549 : i32
        scf.if %cond3A_550 {
          %sub3A_566 = arith.constant 1 : i32
          %sub3A_567 = arith.subi %add3A_267, %sub3A_566 : i32
          %dma_wait3A_568 = arith.constant 0 : i32
          %dma_wait3A_569 = arith.constant 0 : i32
          %dma_wait3A_570 = arith.constant 0 : i32
          %dma_wait3A_571 = tpu.memref_slice %arg8[%dma_wait3A_568, %dma_wait3A_569, %dma_wait3A_570] : memref<8x128x16xf32, #tpu.memory_space<vmem>> -> memref<1x128x16xf32, #tpu.memory_space<vmem>>
          %dma_wait3A_572 = tpu.memref_squeeze %dma_wait3A_571 : memref<1x128x16xf32, #tpu.memory_space<vmem>> -> memref<128x16xf32, #tpu.memory_space<vmem>>
          %dma_wait3A_573 = arith.constant 0 : i32
          %dma_wait3A_574 = tpu.memref_slice %arg7[%sub3A_567, %dma_wait3A_573] : memref<64x128xi32, #tpu.memory_space<vmem>> -> memref<1x128xi32, #tpu.memory_space<vmem>>
          %dma_wait3A_575 = tpu.memref_squeeze %dma_wait3A_574 : memref<1x128xi32, #tpu.memory_space<vmem>> -> memref<128xi32, #tpu.memory_space<vmem>>
          %dma_wait3A_576 = arith.constant 0 : i32
          %dma_wait3A_577 = arith.constant 0 : i32
          %dma_wait3A_578 = tpu.memref_slice %arg12[%dma_wait3A_576, %dma_wait3A_577] : memref<32768x16xf32, #tpu.memory_space<vmem_shared>> -> memref<32768x16xf32, #tpu.memory_space<vmem_shared>>
          tpu.wait_indirect_dma semaphore(%arg22 : memref<!tpu.dma_semaphore, #tpu.memory_space<semaphore_mem>>) src(%dma_wait3A_572 : memref<128x16xf32, #tpu.memory_space<vmem>>) dst(%dma_wait3A_578 : memref<32768x16xf32, #tpu.memory_space<vmem_shared>>)
        } else {
        }
        %add3A_551 = arith.constant 8 : i32
        %add3A_552 = arith.addi %add3A_267, %add3A_551 : i32
        %sub3A_553 = arith.constant 1 : i32
        %sub3A_554 = arith.subi %add3A_552, %sub3A_553 : i32
        %dma_start3A_555 = arith.constant 0 : i32
        %dma_start3A_556 = arith.constant 0 : i32
        %dma_start3A_557 = arith.constant 0 : i32
        %dma_start3A_558 = tpu.memref_slice %arg8[%dma_start3A_555, %dma_start3A_556, %dma_start3A_557] : memref<8x128x16xf32, #tpu.memory_space<vmem>> -> memref<1x128x16xf32, #tpu.memory_space<vmem>>
        %dma_start3A_559 = tpu.memref_squeeze %dma_start3A_558 : memref<1x128x16xf32, #tpu.memory_space<vmem>> -> memref<128x16xf32, #tpu.memory_space<vmem>>
        %dma_start3A_560 = arith.constant 0 : i32
        %dma_start3A_561 = tpu.memref_slice %arg6[%sub3A_554, %dma_start3A_560] : memref<64x128xi32, #tpu.memory_space<vmem>> -> memref<1x128xi32, #tpu.memory_space<vmem>>
        %dma_start3A_562 = tpu.memref_squeeze %dma_start3A_561 : memref<1x128xi32, #tpu.memory_space<vmem>> -> memref<128xi32, #tpu.memory_space<vmem>>
        %dma_start3A_563 = arith.constant 0 : i32
        %dma_start3A_564 = arith.constant 0 : i32
        %dma_start3A_565 = tpu.memref_slice %arg2[%dma_start3A_563, %dma_start3A_564] : memref<32768x16xf32, #tpu.memory_space<hbm>> -> memref<32768x16xf32, #tpu.memory_space<hbm>>
        tpu.enqueue_indirect_dma source(%dma_start3A_565 : memref<32768x16xf32, #tpu.memory_space<hbm>>) target(%dma_start3A_559 : memref<128x16xf32, #tpu.memory_space<vmem>>) offsets(%dma_start3A_562 : memref<128xi32, #tpu.memory_space<vmem>>) semaphore(%arg14 : memref<!tpu.dma_semaphore, #tpu.memory_space<semaphore_mem>>)
      } else {
      }
      %add3A_306 = arith.constant 2 : i32
      %add3A_307 = arith.addi %mul3A_229, %add3A_306 : i32
      %dma_wait3A_308 = arith.constant 2 : i32
      %dma_wait3A_309 = arith.constant 0 : i32
      %dma_wait3A_310 = arith.constant 0 : i32
      %dma_wait3A_311 = tpu.memref_slice %arg8[%dma_wait3A_308, %dma_wait3A_309, %dma_wait3A_310] : memref<8x128x16xf32, #tpu.memory_space<vmem>> -> memref<1x128x16xf32, #tpu.memory_space<vmem>>
      %dma_wait3A_312 = tpu.memref_squeeze %dma_wait3A_311 : memref<1x128x16xf32, #tpu.memory_space<vmem>> -> memref<128x16xf32, #tpu.memory_space<vmem>>
      %dma_wait3A_313 = arith.constant 0 : i32
      %dma_wait3A_314 = tpu.memref_slice %arg6[%add3A_307, %dma_wait3A_313] : memref<64x128xi32, #tpu.memory_space<vmem>> -> memref<1x128xi32, #tpu.memory_space<vmem>>
      %dma_wait3A_315 = tpu.memref_squeeze %dma_wait3A_314 : memref<1x128xi32, #tpu.memory_space<vmem>> -> memref<128xi32, #tpu.memory_space<vmem>>
      %dma_wait3A_316 = arith.constant 0 : i32
      %dma_wait3A_317 = arith.constant 0 : i32
      %dma_wait3A_318 = tpu.memref_slice %arg2[%dma_wait3A_316, %dma_wait3A_317] : memref<32768x16xf32, #tpu.memory_space<hbm>> -> memref<32768x16xf32, #tpu.memory_space<hbm>>
      tpu.wait_indirect_dma semaphore(%arg16 : memref<!tpu.dma_semaphore, #tpu.memory_space<semaphore_mem>>) src(%dma_wait3A_318 : memref<32768x16xf32, #tpu.memory_space<hbm>>) dst(%dma_wait3A_312 : memref<128x16xf32, #tpu.memory_space<vmem>>)
      %dma_start3A_319 = arith.constant 2 : i32
      %dma_start3A_320 = arith.constant 0 : i32
      %dma_start3A_321 = arith.constant 0 : i32
      %dma_start3A_322 = tpu.memref_slice %arg8[%dma_start3A_319, %dma_start3A_320, %dma_start3A_321] : memref<8x128x16xf32, #tpu.memory_space<vmem>> -> memref<1x128x16xf32, #tpu.memory_space<vmem>>
      %dma_start3A_323 = tpu.memref_squeeze %dma_start3A_322 : memref<1x128x16xf32, #tpu.memory_space<vmem>> -> memref<128x16xf32, #tpu.memory_space<vmem>>
      %dma_start3A_324 = arith.constant 0 : i32
      %dma_start3A_325 = tpu.memref_slice %arg7[%add3A_307, %dma_start3A_324] : memref<64x128xi32, #tpu.memory_space<vmem>> -> memref<1x128xi32, #tpu.memory_space<vmem>>
      %dma_start3A_326 = tpu.memref_squeeze %dma_start3A_325 : memref<1x128xi32, #tpu.memory_space<vmem>> -> memref<128xi32, #tpu.memory_space<vmem>>
      %dma_start3A_327 = arith.constant 0 : i32
      %dma_start3A_328 = arith.constant 0 : i32
      %dma_start3A_329 = tpu.memref_slice %arg12[%dma_start3A_327, %dma_start3A_328] : memref<32768x16xf32, #tpu.memory_space<vmem_shared>> -> memref<32768x16xf32, #tpu.memory_space<vmem_shared>>
      tpu.enqueue_indirect_dma source(%dma_start3A_323 : memref<128x16xf32, #tpu.memory_space<vmem>>) target(%dma_start3A_329 : memref<32768x16xf32, #tpu.memory_space<vmem_shared>>) offsets(%dma_start3A_326 : memref<128xi32, #tpu.memory_space<vmem>>) semaphore(%arg24 : memref<!tpu.dma_semaphore, #tpu.memory_space<semaphore_mem>>) {add = true}
      %add3A_330 = arith.constant 1 : i32
      %add3A_331 = arith.addi %add3A_307, %add3A_330 : i32
      %lt3A_332 = arith.constant 64 : i32
      %lt3A_333 = arith.cmpi slt, %add3A_331, %lt3A_332 : i32
      %convert_element_type3A_334 = arith.extui %lt3A_333 : i1 to i32
      %cond3A_335 = arith.constant 0 : i32
      %cond3A_336 = arith.cmpi ne, %convert_element_type3A_334, %cond3A_335 : i32
      scf.if %cond3A_336 {
        %dma_wait3A_547 = arith.constant 0 : i32
        %dma_wait3A_548 = tpu.memref_slice %arg7[%add3A_307, %dma_wait3A_547] : memref<64x128xi32, #tpu.memory_space<vmem>> -> memref<1x128xi32, #tpu.memory_space<vmem>>
        %dma_wait3A_549 = tpu.memref_squeeze %dma_wait3A_548 : memref<1x128xi32, #tpu.memory_space<vmem>> -> memref<128xi32, #tpu.memory_space<vmem>>
        %dma_wait3A_550 = arith.constant 0 : i32
        %dma_wait3A_551 = tpu.memref_slice %arg13[%dma_wait3A_550] : memref<32768xf32, #tpu.memory_space<vmem_shared>> -> memref<32768xf32, #tpu.memory_space<vmem_shared>>
        tpu.wait_indirect_dma semaphore(%arg30 : memref<!tpu.dma_semaphore, #tpu.memory_space<semaphore_mem>>) src(%arg9 : memref<128xf32, #tpu.memory_space<vmem>>) dst(%dma_wait3A_551 : memref<32768xf32, #tpu.memory_space<vmem_shared>>)
        %add3A_552 = arith.constant 1 : i32
        %add3A_553 = arith.addi %add3A_307, %add3A_552 : i32
        %dma_start3A_554 = arith.constant 0 : i32
        %dma_start3A_555 = tpu.memref_slice %arg7[%add3A_553, %dma_start3A_554] : memref<64x128xi32, #tpu.memory_space<vmem>> -> memref<1x128xi32, #tpu.memory_space<vmem>>
        %dma_start3A_556 = tpu.memref_squeeze %dma_start3A_555 : memref<1x128xi32, #tpu.memory_space<vmem>> -> memref<128xi32, #tpu.memory_space<vmem>>
        %dma_start3A_557 = arith.constant 0 : i32
        %dma_start3A_558 = tpu.memref_slice %arg13[%dma_start3A_557] : memref<32768xf32, #tpu.memory_space<vmem_shared>> -> memref<32768xf32, #tpu.memory_space<vmem_shared>>
        tpu.enqueue_indirect_dma source(%arg9 : memref<128xf32, #tpu.memory_space<vmem>>) target(%dma_start3A_558 : memref<32768xf32, #tpu.memory_space<vmem_shared>>) offsets(%dma_start3A_556 : memref<128xi32, #tpu.memory_space<vmem>>) semaphore(%arg30 : memref<!tpu.dma_semaphore, #tpu.memory_space<semaphore_mem>>) {add = true}
      } else {
      }
      %add3A_337 = arith.constant 8 : i32
      %add3A_338 = arith.addi %add3A_307, %add3A_337 : i32
      %sub3A_339 = arith.constant 1 : i32
      %sub3A_340 = arith.subi %add3A_338, %sub3A_339 : i32
      %lt3A_341 = arith.constant 64 : i32
      %lt3A_342 = arith.cmpi slt, %sub3A_340, %lt3A_341 : i32
      %convert_element_type3A_343 = arith.extui %lt3A_342 : i1 to i32
      %cond3A_344 = arith.constant 0 : i32
      %cond3A_345 = arith.cmpi ne, %convert_element_type3A_343, %cond3A_344 : i32
      scf.if %cond3A_345 {
        %ge3A = arith.constant 1 : i32
        %ge3A_547 = arith.cmpi sge, %add3A_307, %ge3A : i32
        %convert_element_type3A_548 = arith.extui %ge3A_547 : i1 to i32
        %cond3A_549 = arith.constant 0 : i32
        %cond3A_550 = arith.cmpi ne, %convert_element_type3A_548, %cond3A_549 : i32
        scf.if %cond3A_550 {
          %sub3A_566 = arith.constant 1 : i32
          %sub3A_567 = arith.subi %add3A_307, %sub3A_566 : i32
          %dma_wait3A_568 = arith.constant 1 : i32
          %dma_wait3A_569 = arith.constant 0 : i32
          %dma_wait3A_570 = arith.constant 0 : i32
          %dma_wait3A_571 = tpu.memref_slice %arg8[%dma_wait3A_568, %dma_wait3A_569, %dma_wait3A_570] : memref<8x128x16xf32, #tpu.memory_space<vmem>> -> memref<1x128x16xf32, #tpu.memory_space<vmem>>
          %dma_wait3A_572 = tpu.memref_squeeze %dma_wait3A_571 : memref<1x128x16xf32, #tpu.memory_space<vmem>> -> memref<128x16xf32, #tpu.memory_space<vmem>>
          %dma_wait3A_573 = arith.constant 0 : i32
          %dma_wait3A_574 = tpu.memref_slice %arg7[%sub3A_567, %dma_wait3A_573] : memref<64x128xi32, #tpu.memory_space<vmem>> -> memref<1x128xi32, #tpu.memory_space<vmem>>
          %dma_wait3A_575 = tpu.memref_squeeze %dma_wait3A_574 : memref<1x128xi32, #tpu.memory_space<vmem>> -> memref<128xi32, #tpu.memory_space<vmem>>
          %dma_wait3A_576 = arith.constant 0 : i32
          %dma_wait3A_577 = arith.constant 0 : i32
          %dma_wait3A_578 = tpu.memref_slice %arg12[%dma_wait3A_576, %dma_wait3A_577] : memref<32768x16xf32, #tpu.memory_space<vmem_shared>> -> memref<32768x16xf32, #tpu.memory_space<vmem_shared>>
          tpu.wait_indirect_dma semaphore(%arg23 : memref<!tpu.dma_semaphore, #tpu.memory_space<semaphore_mem>>) src(%dma_wait3A_572 : memref<128x16xf32, #tpu.memory_space<vmem>>) dst(%dma_wait3A_578 : memref<32768x16xf32, #tpu.memory_space<vmem_shared>>)
        } else {
        }
        %add3A_551 = arith.constant 8 : i32
        %add3A_552 = arith.addi %add3A_307, %add3A_551 : i32
        %sub3A_553 = arith.constant 1 : i32
        %sub3A_554 = arith.subi %add3A_552, %sub3A_553 : i32
        %dma_start3A_555 = arith.constant 1 : i32
        %dma_start3A_556 = arith.constant 0 : i32
        %dma_start3A_557 = arith.constant 0 : i32
        %dma_start3A_558 = tpu.memref_slice %arg8[%dma_start3A_555, %dma_start3A_556, %dma_start3A_557] : memref<8x128x16xf32, #tpu.memory_space<vmem>> -> memref<1x128x16xf32, #tpu.memory_space<vmem>>
        %dma_start3A_559 = tpu.memref_squeeze %dma_start3A_558 : memref<1x128x16xf32, #tpu.memory_space<vmem>> -> memref<128x16xf32, #tpu.memory_space<vmem>>
        %dma_start3A_560 = arith.constant 0 : i32
        %dma_start3A_561 = tpu.memref_slice %arg6[%sub3A_554, %dma_start3A_560] : memref<64x128xi32, #tpu.memory_space<vmem>> -> memref<1x128xi32, #tpu.memory_space<vmem>>
        %dma_start3A_562 = tpu.memref_squeeze %dma_start3A_561 : memref<1x128xi32, #tpu.memory_space<vmem>> -> memref<128xi32, #tpu.memory_space<vmem>>
        %dma_start3A_563 = arith.constant 0 : i32
        %dma_start3A_564 = arith.constant 0 : i32
        %dma_start3A_565 = tpu.memref_slice %arg2[%dma_start3A_563, %dma_start3A_564] : memref<32768x16xf32, #tpu.memory_space<hbm>> -> memref<32768x16xf32, #tpu.memory_space<hbm>>
        tpu.enqueue_indirect_dma source(%dma_start3A_565 : memref<32768x16xf32, #tpu.memory_space<hbm>>) target(%dma_start3A_559 : memref<128x16xf32, #tpu.memory_space<vmem>>) offsets(%dma_start3A_562 : memref<128xi32, #tpu.memory_space<vmem>>) semaphore(%arg15 : memref<!tpu.dma_semaphore, #tpu.memory_space<semaphore_mem>>)
      } else {
      }
      %add3A_346 = arith.constant 3 : i32
      %add3A_347 = arith.addi %mul3A_229, %add3A_346 : i32
      %dma_wait3A_348 = arith.constant 3 : i32
      %dma_wait3A_349 = arith.constant 0 : i32
      %dma_wait3A_350 = arith.constant 0 : i32
      %dma_wait3A_351 = tpu.memref_slice %arg8[%dma_wait3A_348, %dma_wait3A_349, %dma_wait3A_350] : memref<8x128x16xf32, #tpu.memory_space<vmem>> -> memref<1x128x16xf32, #tpu.memory_space<vmem>>
      %dma_wait3A_352 = tpu.memref_squeeze %dma_wait3A_351 : memref<1x128x16xf32, #tpu.memory_space<vmem>> -> memref<128x16xf32, #tpu.memory_space<vmem>>
      %dma_wait3A_353 = arith.constant 0 : i32
      %dma_wait3A_354 = tpu.memref_slice %arg6[%add3A_347, %dma_wait3A_353] : memref<64x128xi32, #tpu.memory_space<vmem>> -> memref<1x128xi32, #tpu.memory_space<vmem>>
      %dma_wait3A_355 = tpu.memref_squeeze %dma_wait3A_354 : memref<1x128xi32, #tpu.memory_space<vmem>> -> memref<128xi32, #tpu.memory_space<vmem>>
      %dma_wait3A_356 = arith.constant 0 : i32
      %dma_wait3A_357 = arith.constant 0 : i32
      %dma_wait3A_358 = tpu.memref_slice %arg2[%dma_wait3A_356, %dma_wait3A_357] : memref<32768x16xf32, #tpu.memory_space<hbm>> -> memref<32768x16xf32, #tpu.memory_space<hbm>>
      tpu.wait_indirect_dma semaphore(%arg17 : memref<!tpu.dma_semaphore, #tpu.memory_space<semaphore_mem>>) src(%dma_wait3A_358 : memref<32768x16xf32, #tpu.memory_space<hbm>>) dst(%dma_wait3A_352 : memref<128x16xf32, #tpu.memory_space<vmem>>)
      %dma_start3A_359 = arith.constant 3 : i32
      %dma_start3A_360 = arith.constant 0 : i32
      %dma_start3A_361 = arith.constant 0 : i32
      %dma_start3A_362 = tpu.memref_slice %arg8[%dma_start3A_359, %dma_start3A_360, %dma_start3A_361] : memref<8x128x16xf32, #tpu.memory_space<vmem>> -> memref<1x128x16xf32, #tpu.memory_space<vmem>>
      %dma_start3A_363 = tpu.memref_squeeze %dma_start3A_362 : memref<1x128x16xf32, #tpu.memory_space<vmem>> -> memref<128x16xf32, #tpu.memory_space<vmem>>
      %dma_start3A_364 = arith.constant 0 : i32
      %dma_start3A_365 = tpu.memref_slice %arg7[%add3A_347, %dma_start3A_364] : memref<64x128xi32, #tpu.memory_space<vmem>> -> memref<1x128xi32, #tpu.memory_space<vmem>>
      %dma_start3A_366 = tpu.memref_squeeze %dma_start3A_365 : memref<1x128xi32, #tpu.memory_space<vmem>> -> memref<128xi32, #tpu.memory_space<vmem>>
      %dma_start3A_367 = arith.constant 0 : i32
      %dma_start3A_368 = arith.constant 0 : i32
      %dma_start3A_369 = tpu.memref_slice %arg12[%dma_start3A_367, %dma_start3A_368] : memref<32768x16xf32, #tpu.memory_space<vmem_shared>> -> memref<32768x16xf32, #tpu.memory_space<vmem_shared>>
      tpu.enqueue_indirect_dma source(%dma_start3A_363 : memref<128x16xf32, #tpu.memory_space<vmem>>) target(%dma_start3A_369 : memref<32768x16xf32, #tpu.memory_space<vmem_shared>>) offsets(%dma_start3A_366 : memref<128xi32, #tpu.memory_space<vmem>>) semaphore(%arg25 : memref<!tpu.dma_semaphore, #tpu.memory_space<semaphore_mem>>) {add = true}
      %add3A_370 = arith.constant 1 : i32
      %add3A_371 = arith.addi %add3A_347, %add3A_370 : i32
      %lt3A_372 = arith.constant 64 : i32
      %lt3A_373 = arith.cmpi slt, %add3A_371, %lt3A_372 : i32
      %convert_element_type3A_374 = arith.extui %lt3A_373 : i1 to i32
      %cond3A_375 = arith.constant 0 : i32
      %cond3A_376 = arith.cmpi ne, %convert_element_type3A_374, %cond3A_375 : i32
      scf.if %cond3A_376 {
        %dma_wait3A_547 = arith.constant 0 : i32
        %dma_wait3A_548 = tpu.memref_slice %arg7[%add3A_347, %dma_wait3A_547] : memref<64x128xi32, #tpu.memory_space<vmem>> -> memref<1x128xi32, #tpu.memory_space<vmem>>
        %dma_wait3A_549 = tpu.memref_squeeze %dma_wait3A_548 : memref<1x128xi32, #tpu.memory_space<vmem>> -> memref<128xi32, #tpu.memory_space<vmem>>
        %dma_wait3A_550 = arith.constant 0 : i32
        %dma_wait3A_551 = tpu.memref_slice %arg13[%dma_wait3A_550] : memref<32768xf32, #tpu.memory_space<vmem_shared>> -> memref<32768xf32, #tpu.memory_space<vmem_shared>>
        tpu.wait_indirect_dma semaphore(%arg30 : memref<!tpu.dma_semaphore, #tpu.memory_space<semaphore_mem>>) src(%arg9 : memref<128xf32, #tpu.memory_space<vmem>>) dst(%dma_wait3A_551 : memref<32768xf32, #tpu.memory_space<vmem_shared>>)
        %add3A_552 = arith.constant 1 : i32
        %add3A_553 = arith.addi %add3A_347, %add3A_552 : i32
        %dma_start3A_554 = arith.constant 0 : i32
        %dma_start3A_555 = tpu.memref_slice %arg7[%add3A_553, %dma_start3A_554] : memref<64x128xi32, #tpu.memory_space<vmem>> -> memref<1x128xi32, #tpu.memory_space<vmem>>
        %dma_start3A_556 = tpu.memref_squeeze %dma_start3A_555 : memref<1x128xi32, #tpu.memory_space<vmem>> -> memref<128xi32, #tpu.memory_space<vmem>>
        %dma_start3A_557 = arith.constant 0 : i32
        %dma_start3A_558 = tpu.memref_slice %arg13[%dma_start3A_557] : memref<32768xf32, #tpu.memory_space<vmem_shared>> -> memref<32768xf32, #tpu.memory_space<vmem_shared>>
        tpu.enqueue_indirect_dma source(%arg9 : memref<128xf32, #tpu.memory_space<vmem>>) target(%dma_start3A_558 : memref<32768xf32, #tpu.memory_space<vmem_shared>>) offsets(%dma_start3A_556 : memref<128xi32, #tpu.memory_space<vmem>>) semaphore(%arg30 : memref<!tpu.dma_semaphore, #tpu.memory_space<semaphore_mem>>) {add = true}
      } else {
      }
      %add3A_377 = arith.constant 8 : i32
      %add3A_378 = arith.addi %add3A_347, %add3A_377 : i32
      %sub3A_379 = arith.constant 1 : i32
      %sub3A_380 = arith.subi %add3A_378, %sub3A_379 : i32
      %lt3A_381 = arith.constant 64 : i32
      %lt3A_382 = arith.cmpi slt, %sub3A_380, %lt3A_381 : i32
      %convert_element_type3A_383 = arith.extui %lt3A_382 : i1 to i32
      %cond3A_384 = arith.constant 0 : i32
      %cond3A_385 = arith.cmpi ne, %convert_element_type3A_383, %cond3A_384 : i32
      scf.if %cond3A_385 {
        %ge3A = arith.constant 1 : i32
        %ge3A_547 = arith.cmpi sge, %add3A_347, %ge3A : i32
        %convert_element_type3A_548 = arith.extui %ge3A_547 : i1 to i32
        %cond3A_549 = arith.constant 0 : i32
        %cond3A_550 = arith.cmpi ne, %convert_element_type3A_548, %cond3A_549 : i32
        scf.if %cond3A_550 {
          %sub3A_566 = arith.constant 1 : i32
          %sub3A_567 = arith.subi %add3A_347, %sub3A_566 : i32
          %dma_wait3A_568 = arith.constant 2 : i32
          %dma_wait3A_569 = arith.constant 0 : i32
          %dma_wait3A_570 = arith.constant 0 : i32
          %dma_wait3A_571 = tpu.memref_slice %arg8[%dma_wait3A_568, %dma_wait3A_569, %dma_wait3A_570] : memref<8x128x16xf32, #tpu.memory_space<vmem>> -> memref<1x128x16xf32, #tpu.memory_space<vmem>>
          %dma_wait3A_572 = tpu.memref_squeeze %dma_wait3A_571 : memref<1x128x16xf32, #tpu.memory_space<vmem>> -> memref<128x16xf32, #tpu.memory_space<vmem>>
          %dma_wait3A_573 = arith.constant 0 : i32
          %dma_wait3A_574 = tpu.memref_slice %arg7[%sub3A_567, %dma_wait3A_573] : memref<64x128xi32, #tpu.memory_space<vmem>> -> memref<1x128xi32, #tpu.memory_space<vmem>>
          %dma_wait3A_575 = tpu.memref_squeeze %dma_wait3A_574 : memref<1x128xi32, #tpu.memory_space<vmem>> -> memref<128xi32, #tpu.memory_space<vmem>>
          %dma_wait3A_576 = arith.constant 0 : i32
          %dma_wait3A_577 = arith.constant 0 : i32
          %dma_wait3A_578 = tpu.memref_slice %arg12[%dma_wait3A_576, %dma_wait3A_577] : memref<32768x16xf32, #tpu.memory_space<vmem_shared>> -> memref<32768x16xf32, #tpu.memory_space<vmem_shared>>
          tpu.wait_indirect_dma semaphore(%arg24 : memref<!tpu.dma_semaphore, #tpu.memory_space<semaphore_mem>>) src(%dma_wait3A_572 : memref<128x16xf32, #tpu.memory_space<vmem>>) dst(%dma_wait3A_578 : memref<32768x16xf32, #tpu.memory_space<vmem_shared>>)
        } else {
        }
        %add3A_551 = arith.constant 8 : i32
        %add3A_552 = arith.addi %add3A_347, %add3A_551 : i32
        %sub3A_553 = arith.constant 1 : i32
        %sub3A_554 = arith.subi %add3A_552, %sub3A_553 : i32
        %dma_start3A_555 = arith.constant 2 : i32
        %dma_start3A_556 = arith.constant 0 : i32
        %dma_start3A_557 = arith.constant 0 : i32
        %dma_start3A_558 = tpu.memref_slice %arg8[%dma_start3A_555, %dma_start3A_556, %dma_start3A_557] : memref<8x128x16xf32, #tpu.memory_space<vmem>> -> memref<1x128x16xf32, #tpu.memory_space<vmem>>
        %dma_start3A_559 = tpu.memref_squeeze %dma_start3A_558 : memref<1x128x16xf32, #tpu.memory_space<vmem>> -> memref<128x16xf32, #tpu.memory_space<vmem>>
        %dma_start3A_560 = arith.constant 0 : i32
        %dma_start3A_561 = tpu.memref_slice %arg6[%sub3A_554, %dma_start3A_560] : memref<64x128xi32, #tpu.memory_space<vmem>> -> memref<1x128xi32, #tpu.memory_space<vmem>>
        %dma_start3A_562 = tpu.memref_squeeze %dma_start3A_561 : memref<1x128xi32, #tpu.memory_space<vmem>> -> memref<128xi32, #tpu.memory_space<vmem>>
        %dma_start3A_563 = arith.constant 0 : i32
        %dma_start3A_564 = arith.constant 0 : i32
        %dma_start3A_565 = tpu.memref_slice %arg2[%dma_start3A_563, %dma_start3A_564] : memref<32768x16xf32, #tpu.memory_space<hbm>> -> memref<32768x16xf32, #tpu.memory_space<hbm>>
        tpu.enqueue_indirect_dma source(%dma_start3A_565 : memref<32768x16xf32, #tpu.memory_space<hbm>>) target(%dma_start3A_559 : memref<128x16xf32, #tpu.memory_space<vmem>>) offsets(%dma_start3A_562 : memref<128xi32, #tpu.memory_space<vmem>>) semaphore(%arg16 : memref<!tpu.dma_semaphore, #tpu.memory_space<semaphore_mem>>)
      } else {
      }
      %add3A_386 = arith.constant 4 : i32
      %add3A_387 = arith.addi %mul3A_229, %add3A_386 : i32
      %dma_wait3A_388 = arith.constant 4 : i32
      %dma_wait3A_389 = arith.constant 0 : i32
      %dma_wait3A_390 = arith.constant 0 : i32
      %dma_wait3A_391 = tpu.memref_slice %arg8[%dma_wait3A_388, %dma_wait3A_389, %dma_wait3A_390] : memref<8x128x16xf32, #tpu.memory_space<vmem>> -> memref<1x128x16xf32, #tpu.memory_space<vmem>>
      %dma_wait3A_392 = tpu.memref_squeeze %dma_wait3A_391 : memref<1x128x16xf32, #tpu.memory_space<vmem>> -> memref<128x16xf32, #tpu.memory_space<vmem>>
      %dma_wait3A_393 = arith.constant 0 : i32
      %dma_wait3A_394 = tpu.memref_slice %arg6[%add3A_387, %dma_wait3A_393] : memref<64x128xi32, #tpu.memory_space<vmem>> -> memref<1x128xi32, #tpu.memory_space<vmem>>
      %dma_wait3A_395 = tpu.memref_squeeze %dma_wait3A_394 : memref<1x128xi32, #tpu.memory_space<vmem>> -> memref<128xi32, #tpu.memory_space<vmem>>
      %dma_wait3A_396 = arith.constant 0 : i32
      %dma_wait3A_397 = arith.constant 0 : i32
      %dma_wait3A_398 = tpu.memref_slice %arg2[%dma_wait3A_396, %dma_wait3A_397] : memref<32768x16xf32, #tpu.memory_space<hbm>> -> memref<32768x16xf32, #tpu.memory_space<hbm>>
      tpu.wait_indirect_dma semaphore(%arg18 : memref<!tpu.dma_semaphore, #tpu.memory_space<semaphore_mem>>) src(%dma_wait3A_398 : memref<32768x16xf32, #tpu.memory_space<hbm>>) dst(%dma_wait3A_392 : memref<128x16xf32, #tpu.memory_space<vmem>>)
      %dma_start3A_399 = arith.constant 4 : i32
      %dma_start3A_400 = arith.constant 0 : i32
      %dma_start3A_401 = arith.constant 0 : i32
      %dma_start3A_402 = tpu.memref_slice %arg8[%dma_start3A_399, %dma_start3A_400, %dma_start3A_401] : memref<8x128x16xf32, #tpu.memory_space<vmem>> -> memref<1x128x16xf32, #tpu.memory_space<vmem>>
      %dma_start3A_403 = tpu.memref_squeeze %dma_start3A_402 : memref<1x128x16xf32, #tpu.memory_space<vmem>> -> memref<128x16xf32, #tpu.memory_space<vmem>>
      %dma_start3A_404 = arith.constant 0 : i32
      %dma_start3A_405 = tpu.memref_slice %arg7[%add3A_387, %dma_start3A_404] : memref<64x128xi32, #tpu.memory_space<vmem>> -> memref<1x128xi32, #tpu.memory_space<vmem>>
      %dma_start3A_406 = tpu.memref_squeeze %dma_start3A_405 : memref<1x128xi32, #tpu.memory_space<vmem>> -> memref<128xi32, #tpu.memory_space<vmem>>
      %dma_start3A_407 = arith.constant 0 : i32
      %dma_start3A_408 = arith.constant 0 : i32
      %dma_start3A_409 = tpu.memref_slice %arg12[%dma_start3A_407, %dma_start3A_408] : memref<32768x16xf32, #tpu.memory_space<vmem_shared>> -> memref<32768x16xf32, #tpu.memory_space<vmem_shared>>
      tpu.enqueue_indirect_dma source(%dma_start3A_403 : memref<128x16xf32, #tpu.memory_space<vmem>>) target(%dma_start3A_409 : memref<32768x16xf32, #tpu.memory_space<vmem_shared>>) offsets(%dma_start3A_406 : memref<128xi32, #tpu.memory_space<vmem>>) semaphore(%arg26 : memref<!tpu.dma_semaphore, #tpu.memory_space<semaphore_mem>>) {add = true}
      %add3A_410 = arith.constant 1 : i32
      %add3A_411 = arith.addi %add3A_387, %add3A_410 : i32
      %lt3A_412 = arith.constant 64 : i32
      %lt3A_413 = arith.cmpi slt, %add3A_411, %lt3A_412 : i32
      %convert_element_type3A_414 = arith.extui %lt3A_413 : i1 to i32
      %cond3A_415 = arith.constant 0 : i32
      %cond3A_416 = arith.cmpi ne, %convert_element_type3A_414, %cond3A_415 : i32
      scf.if %cond3A_416 {
        %dma_wait3A_547 = arith.constant 0 : i32
        %dma_wait3A_548 = tpu.memref_slice %arg7[%add3A_387, %dma_wait3A_547] : memref<64x128xi32, #tpu.memory_space<vmem>> -> memref<1x128xi32, #tpu.memory_space<vmem>>
        %dma_wait3A_549 = tpu.memref_squeeze %dma_wait3A_548 : memref<1x128xi32, #tpu.memory_space<vmem>> -> memref<128xi32, #tpu.memory_space<vmem>>
        %dma_wait3A_550 = arith.constant 0 : i32
        %dma_wait3A_551 = tpu.memref_slice %arg13[%dma_wait3A_550] : memref<32768xf32, #tpu.memory_space<vmem_shared>> -> memref<32768xf32, #tpu.memory_space<vmem_shared>>
        tpu.wait_indirect_dma semaphore(%arg30 : memref<!tpu.dma_semaphore, #tpu.memory_space<semaphore_mem>>) src(%arg9 : memref<128xf32, #tpu.memory_space<vmem>>) dst(%dma_wait3A_551 : memref<32768xf32, #tpu.memory_space<vmem_shared>>)
        %add3A_552 = arith.constant 1 : i32
        %add3A_553 = arith.addi %add3A_387, %add3A_552 : i32
        %dma_start3A_554 = arith.constant 0 : i32
        %dma_start3A_555 = tpu.memref_slice %arg7[%add3A_553, %dma_start3A_554] : memref<64x128xi32, #tpu.memory_space<vmem>> -> memref<1x128xi32, #tpu.memory_space<vmem>>
        %dma_start3A_556 = tpu.memref_squeeze %dma_start3A_555 : memref<1x128xi32, #tpu.memory_space<vmem>> -> memref<128xi32, #tpu.memory_space<vmem>>
        %dma_start3A_557 = arith.constant 0 : i32
        %dma_start3A_558 = tpu.memref_slice %arg13[%dma_start3A_557] : memref<32768xf32, #tpu.memory_space<vmem_shared>> -> memref<32768xf32, #tpu.memory_space<vmem_shared>>
        tpu.enqueue_indirect_dma source(%arg9 : memref<128xf32, #tpu.memory_space<vmem>>) target(%dma_start3A_558 : memref<32768xf32, #tpu.memory_space<vmem_shared>>) offsets(%dma_start3A_556 : memref<128xi32, #tpu.memory_space<vmem>>) semaphore(%arg30 : memref<!tpu.dma_semaphore, #tpu.memory_space<semaphore_mem>>) {add = true}
      } else {
      }
      %add3A_417 = arith.constant 8 : i32
      %add3A_418 = arith.addi %add3A_387, %add3A_417 : i32
      %sub3A_419 = arith.constant 1 : i32
      %sub3A_420 = arith.subi %add3A_418, %sub3A_419 : i32
      %lt3A_421 = arith.constant 64 : i32
      %lt3A_422 = arith.cmpi slt, %sub3A_420, %lt3A_421 : i32
      %convert_element_type3A_423 = arith.extui %lt3A_422 : i1 to i32
      %cond3A_424 = arith.constant 0 : i32
      %cond3A_425 = arith.cmpi ne, %convert_element_type3A_423, %cond3A_424 : i32
      scf.if %cond3A_425 {
        %ge3A = arith.constant 1 : i32
        %ge3A_547 = arith.cmpi sge, %add3A_387, %ge3A : i32
        %convert_element_type3A_548 = arith.extui %ge3A_547 : i1 to i32
        %cond3A_549 = arith.constant 0 : i32
        %cond3A_550 = arith.cmpi ne, %convert_element_type3A_548, %cond3A_549 : i32
        scf.if %cond3A_550 {
          %sub3A_566 = arith.constant 1 : i32
          %sub3A_567 = arith.subi %add3A_387, %sub3A_566 : i32
          %dma_wait3A_568 = arith.constant 3 : i32
          %dma_wait3A_569 = arith.constant 0 : i32
          %dma_wait3A_570 = arith.constant 0 : i32
          %dma_wait3A_571 = tpu.memref_slice %arg8[%dma_wait3A_568, %dma_wait3A_569, %dma_wait3A_570] : memref<8x128x16xf32, #tpu.memory_space<vmem>> -> memref<1x128x16xf32, #tpu.memory_space<vmem>>
          %dma_wait3A_572 = tpu.memref_squeeze %dma_wait3A_571 : memref<1x128x16xf32, #tpu.memory_space<vmem>> -> memref<128x16xf32, #tpu.memory_space<vmem>>
          %dma_wait3A_573 = arith.constant 0 : i32
          %dma_wait3A_574 = tpu.memref_slice %arg7[%sub3A_567, %dma_wait3A_573] : memref<64x128xi32, #tpu.memory_space<vmem>> -> memref<1x128xi32, #tpu.memory_space<vmem>>
          %dma_wait3A_575 = tpu.memref_squeeze %dma_wait3A_574 : memref<1x128xi32, #tpu.memory_space<vmem>> -> memref<128xi32, #tpu.memory_space<vmem>>
          %dma_wait3A_576 = arith.constant 0 : i32
          %dma_wait3A_577 = arith.constant 0 : i32
          %dma_wait3A_578 = tpu.memref_slice %arg12[%dma_wait3A_576, %dma_wait3A_577] : memref<32768x16xf32, #tpu.memory_space<vmem_shared>> -> memref<32768x16xf32, #tpu.memory_space<vmem_shared>>
          tpu.wait_indirect_dma semaphore(%arg25 : memref<!tpu.dma_semaphore, #tpu.memory_space<semaphore_mem>>) src(%dma_wait3A_572 : memref<128x16xf32, #tpu.memory_space<vmem>>) dst(%dma_wait3A_578 : memref<32768x16xf32, #tpu.memory_space<vmem_shared>>)
        } else {
        }
        %add3A_551 = arith.constant 8 : i32
        %add3A_552 = arith.addi %add3A_387, %add3A_551 : i32
        %sub3A_553 = arith.constant 1 : i32
        %sub3A_554 = arith.subi %add3A_552, %sub3A_553 : i32
        %dma_start3A_555 = arith.constant 3 : i32
        %dma_start3A_556 = arith.constant 0 : i32
        %dma_start3A_557 = arith.constant 0 : i32
        %dma_start3A_558 = tpu.memref_slice %arg8[%dma_start3A_555, %dma_start3A_556, %dma_start3A_557] : memref<8x128x16xf32, #tpu.memory_space<vmem>> -> memref<1x128x16xf32, #tpu.memory_space<vmem>>
        %dma_start3A_559 = tpu.memref_squeeze %dma_start3A_558 : memref<1x128x16xf32, #tpu.memory_space<vmem>> -> memref<128x16xf32, #tpu.memory_space<vmem>>
        %dma_start3A_560 = arith.constant 0 : i32
        %dma_start3A_561 = tpu.memref_slice %arg6[%sub3A_554, %dma_start3A_560] : memref<64x128xi32, #tpu.memory_space<vmem>> -> memref<1x128xi32, #tpu.memory_space<vmem>>
        %dma_start3A_562 = tpu.memref_squeeze %dma_start3A_561 : memref<1x128xi32, #tpu.memory_space<vmem>> -> memref<128xi32, #tpu.memory_space<vmem>>
        %dma_start3A_563 = arith.constant 0 : i32
        %dma_start3A_564 = arith.constant 0 : i32
        %dma_start3A_565 = tpu.memref_slice %arg2[%dma_start3A_563, %dma_start3A_564] : memref<32768x16xf32, #tpu.memory_space<hbm>> -> memref<32768x16xf32, #tpu.memory_space<hbm>>
        tpu.enqueue_indirect_dma source(%dma_start3A_565 : memref<32768x16xf32, #tpu.memory_space<hbm>>) target(%dma_start3A_559 : memref<128x16xf32, #tpu.memory_space<vmem>>) offsets(%dma_start3A_562 : memref<128xi32, #tpu.memory_space<vmem>>) semaphore(%arg17 : memref<!tpu.dma_semaphore, #tpu.memory_space<semaphore_mem>>)
      } else {
      }
      %add3A_426 = arith.constant 5 : i32
      %add3A_427 = arith.addi %mul3A_229, %add3A_426 : i32
      %dma_wait3A_428 = arith.constant 5 : i32
      %dma_wait3A_429 = arith.constant 0 : i32
      %dma_wait3A_430 = arith.constant 0 : i32
      %dma_wait3A_431 = tpu.memref_slice %arg8[%dma_wait3A_428, %dma_wait3A_429, %dma_wait3A_430] : memref<8x128x16xf32, #tpu.memory_space<vmem>> -> memref<1x128x16xf32, #tpu.memory_space<vmem>>
      %dma_wait3A_432 = tpu.memref_squeeze %dma_wait3A_431 : memref<1x128x16xf32, #tpu.memory_space<vmem>> -> memref<128x16xf32, #tpu.memory_space<vmem>>
      %dma_wait3A_433 = arith.constant 0 : i32
      %dma_wait3A_434 = tpu.memref_slice %arg6[%add3A_427, %dma_wait3A_433] : memref<64x128xi32, #tpu.memory_space<vmem>> -> memref<1x128xi32, #tpu.memory_space<vmem>>
      %dma_wait3A_435 = tpu.memref_squeeze %dma_wait3A_434 : memref<1x128xi32, #tpu.memory_space<vmem>> -> memref<128xi32, #tpu.memory_space<vmem>>
      %dma_wait3A_436 = arith.constant 0 : i32
      %dma_wait3A_437 = arith.constant 0 : i32
      %dma_wait3A_438 = tpu.memref_slice %arg2[%dma_wait3A_436, %dma_wait3A_437] : memref<32768x16xf32, #tpu.memory_space<hbm>> -> memref<32768x16xf32, #tpu.memory_space<hbm>>
      tpu.wait_indirect_dma semaphore(%arg19 : memref<!tpu.dma_semaphore, #tpu.memory_space<semaphore_mem>>) src(%dma_wait3A_438 : memref<32768x16xf32, #tpu.memory_space<hbm>>) dst(%dma_wait3A_432 : memref<128x16xf32, #tpu.memory_space<vmem>>)
      %dma_start3A_439 = arith.constant 5 : i32
      %dma_start3A_440 = arith.constant 0 : i32
      %dma_start3A_441 = arith.constant 0 : i32
      %dma_start3A_442 = tpu.memref_slice %arg8[%dma_start3A_439, %dma_start3A_440, %dma_start3A_441] : memref<8x128x16xf32, #tpu.memory_space<vmem>> -> memref<1x128x16xf32, #tpu.memory_space<vmem>>
      %dma_start3A_443 = tpu.memref_squeeze %dma_start3A_442 : memref<1x128x16xf32, #tpu.memory_space<vmem>> -> memref<128x16xf32, #tpu.memory_space<vmem>>
      %dma_start3A_444 = arith.constant 0 : i32
      %dma_start3A_445 = tpu.memref_slice %arg7[%add3A_427, %dma_start3A_444] : memref<64x128xi32, #tpu.memory_space<vmem>> -> memref<1x128xi32, #tpu.memory_space<vmem>>
      %dma_start3A_446 = tpu.memref_squeeze %dma_start3A_445 : memref<1x128xi32, #tpu.memory_space<vmem>> -> memref<128xi32, #tpu.memory_space<vmem>>
      %dma_start3A_447 = arith.constant 0 : i32
      %dma_start3A_448 = arith.constant 0 : i32
      %dma_start3A_449 = tpu.memref_slice %arg12[%dma_start3A_447, %dma_start3A_448] : memref<32768x16xf32, #tpu.memory_space<vmem_shared>> -> memref<32768x16xf32, #tpu.memory_space<vmem_shared>>
      tpu.enqueue_indirect_dma source(%dma_start3A_443 : memref<128x16xf32, #tpu.memory_space<vmem>>) target(%dma_start3A_449 : memref<32768x16xf32, #tpu.memory_space<vmem_shared>>) offsets(%dma_start3A_446 : memref<128xi32, #tpu.memory_space<vmem>>) semaphore(%arg27 : memref<!tpu.dma_semaphore, #tpu.memory_space<semaphore_mem>>) {add = true}
      %add3A_450 = arith.constant 1 : i32
      %add3A_451 = arith.addi %add3A_427, %add3A_450 : i32
      %lt3A_452 = arith.constant 64 : i32
      %lt3A_453 = arith.cmpi slt, %add3A_451, %lt3A_452 : i32
      %convert_element_type3A_454 = arith.extui %lt3A_453 : i1 to i32
      %cond3A_455 = arith.constant 0 : i32
      %cond3A_456 = arith.cmpi ne, %convert_element_type3A_454, %cond3A_455 : i32
      scf.if %cond3A_456 {
        %dma_wait3A_547 = arith.constant 0 : i32
        %dma_wait3A_548 = tpu.memref_slice %arg7[%add3A_427, %dma_wait3A_547] : memref<64x128xi32, #tpu.memory_space<vmem>> -> memref<1x128xi32, #tpu.memory_space<vmem>>
        %dma_wait3A_549 = tpu.memref_squeeze %dma_wait3A_548 : memref<1x128xi32, #tpu.memory_space<vmem>> -> memref<128xi32, #tpu.memory_space<vmem>>
        %dma_wait3A_550 = arith.constant 0 : i32
        %dma_wait3A_551 = tpu.memref_slice %arg13[%dma_wait3A_550] : memref<32768xf32, #tpu.memory_space<vmem_shared>> -> memref<32768xf32, #tpu.memory_space<vmem_shared>>
        tpu.wait_indirect_dma semaphore(%arg30 : memref<!tpu.dma_semaphore, #tpu.memory_space<semaphore_mem>>) src(%arg9 : memref<128xf32, #tpu.memory_space<vmem>>) dst(%dma_wait3A_551 : memref<32768xf32, #tpu.memory_space<vmem_shared>>)
        %add3A_552 = arith.constant 1 : i32
        %add3A_553 = arith.addi %add3A_427, %add3A_552 : i32
        %dma_start3A_554 = arith.constant 0 : i32
        %dma_start3A_555 = tpu.memref_slice %arg7[%add3A_553, %dma_start3A_554] : memref<64x128xi32, #tpu.memory_space<vmem>> -> memref<1x128xi32, #tpu.memory_space<vmem>>
        %dma_start3A_556 = tpu.memref_squeeze %dma_start3A_555 : memref<1x128xi32, #tpu.memory_space<vmem>> -> memref<128xi32, #tpu.memory_space<vmem>>
        %dma_start3A_557 = arith.constant 0 : i32
        %dma_start3A_558 = tpu.memref_slice %arg13[%dma_start3A_557] : memref<32768xf32, #tpu.memory_space<vmem_shared>> -> memref<32768xf32, #tpu.memory_space<vmem_shared>>
        tpu.enqueue_indirect_dma source(%arg9 : memref<128xf32, #tpu.memory_space<vmem>>) target(%dma_start3A_558 : memref<32768xf32, #tpu.memory_space<vmem_shared>>) offsets(%dma_start3A_556 : memref<128xi32, #tpu.memory_space<vmem>>) semaphore(%arg30 : memref<!tpu.dma_semaphore, #tpu.memory_space<semaphore_mem>>) {add = true}
      } else {
      }
      %add3A_457 = arith.constant 8 : i32
      %add3A_458 = arith.addi %add3A_427, %add3A_457 : i32
      %sub3A_459 = arith.constant 1 : i32
      %sub3A_460 = arith.subi %add3A_458, %sub3A_459 : i32
      %lt3A_461 = arith.constant 64 : i32
      %lt3A_462 = arith.cmpi slt, %sub3A_460, %lt3A_461 : i32
      %convert_element_type3A_463 = arith.extui %lt3A_462 : i1 to i32
      %cond3A_464 = arith.constant 0 : i32
      %cond3A_465 = arith.cmpi ne, %convert_element_type3A_463, %cond3A_464 : i32
      scf.if %cond3A_465 {
        %ge3A = arith.constant 1 : i32
        %ge3A_547 = arith.cmpi sge, %add3A_427, %ge3A : i32
        %convert_element_type3A_548 = arith.extui %ge3A_547 : i1 to i32
        %cond3A_549 = arith.constant 0 : i32
        %cond3A_550 = arith.cmpi ne, %convert_element_type3A_548, %cond3A_549 : i32
        scf.if %cond3A_550 {
          %sub3A_566 = arith.constant 1 : i32
          %sub3A_567 = arith.subi %add3A_427, %sub3A_566 : i32
          %dma_wait3A_568 = arith.constant 4 : i32
          %dma_wait3A_569 = arith.constant 0 : i32
          %dma_wait3A_570 = arith.constant 0 : i32
          %dma_wait3A_571 = tpu.memref_slice %arg8[%dma_wait3A_568, %dma_wait3A_569, %dma_wait3A_570] : memref<8x128x16xf32, #tpu.memory_space<vmem>> -> memref<1x128x16xf32, #tpu.memory_space<vmem>>
          %dma_wait3A_572 = tpu.memref_squeeze %dma_wait3A_571 : memref<1x128x16xf32, #tpu.memory_space<vmem>> -> memref<128x16xf32, #tpu.memory_space<vmem>>
          %dma_wait3A_573 = arith.constant 0 : i32
          %dma_wait3A_574 = tpu.memref_slice %arg7[%sub3A_567, %dma_wait3A_573] : memref<64x128xi32, #tpu.memory_space<vmem>> -> memref<1x128xi32, #tpu.memory_space<vmem>>
          %dma_wait3A_575 = tpu.memref_squeeze %dma_wait3A_574 : memref<1x128xi32, #tpu.memory_space<vmem>> -> memref<128xi32, #tpu.memory_space<vmem>>
          %dma_wait3A_576 = arith.constant 0 : i32
          %dma_wait3A_577 = arith.constant 0 : i32
          %dma_wait3A_578 = tpu.memref_slice %arg12[%dma_wait3A_576, %dma_wait3A_577] : memref<32768x16xf32, #tpu.memory_space<vmem_shared>> -> memref<32768x16xf32, #tpu.memory_space<vmem_shared>>
          tpu.wait_indirect_dma semaphore(%arg26 : memref<!tpu.dma_semaphore, #tpu.memory_space<semaphore_mem>>) src(%dma_wait3A_572 : memref<128x16xf32, #tpu.memory_space<vmem>>) dst(%dma_wait3A_578 : memref<32768x16xf32, #tpu.memory_space<vmem_shared>>)
        } else {
        }
        %add3A_551 = arith.constant 8 : i32
        %add3A_552 = arith.addi %add3A_427, %add3A_551 : i32
        %sub3A_553 = arith.constant 1 : i32
        %sub3A_554 = arith.subi %add3A_552, %sub3A_553 : i32
        %dma_start3A_555 = arith.constant 4 : i32
        %dma_start3A_556 = arith.constant 0 : i32
        %dma_start3A_557 = arith.constant 0 : i32
        %dma_start3A_558 = tpu.memref_slice %arg8[%dma_start3A_555, %dma_start3A_556, %dma_start3A_557] : memref<8x128x16xf32, #tpu.memory_space<vmem>> -> memref<1x128x16xf32, #tpu.memory_space<vmem>>
        %dma_start3A_559 = tpu.memref_squeeze %dma_start3A_558 : memref<1x128x16xf32, #tpu.memory_space<vmem>> -> memref<128x16xf32, #tpu.memory_space<vmem>>
        %dma_start3A_560 = arith.constant 0 : i32
        %dma_start3A_561 = tpu.memref_slice %arg6[%sub3A_554, %dma_start3A_560] : memref<64x128xi32, #tpu.memory_space<vmem>> -> memref<1x128xi32, #tpu.memory_space<vmem>>
        %dma_start3A_562 = tpu.memref_squeeze %dma_start3A_561 : memref<1x128xi32, #tpu.memory_space<vmem>> -> memref<128xi32, #tpu.memory_space<vmem>>
        %dma_start3A_563 = arith.constant 0 : i32
        %dma_start3A_564 = arith.constant 0 : i32
        %dma_start3A_565 = tpu.memref_slice %arg2[%dma_start3A_563, %dma_start3A_564] : memref<32768x16xf32, #tpu.memory_space<hbm>> -> memref<32768x16xf32, #tpu.memory_space<hbm>>
        tpu.enqueue_indirect_dma source(%dma_start3A_565 : memref<32768x16xf32, #tpu.memory_space<hbm>>) target(%dma_start3A_559 : memref<128x16xf32, #tpu.memory_space<vmem>>) offsets(%dma_start3A_562 : memref<128xi32, #tpu.memory_space<vmem>>) semaphore(%arg18 : memref<!tpu.dma_semaphore, #tpu.memory_space<semaphore_mem>>)
      } else {
      }
      %add3A_466 = arith.constant 6 : i32
      %add3A_467 = arith.addi %mul3A_229, %add3A_466 : i32
      %dma_wait3A_468 = arith.constant 6 : i32
      %dma_wait3A_469 = arith.constant 0 : i32
      %dma_wait3A_470 = arith.constant 0 : i32
      %dma_wait3A_471 = tpu.memref_slice %arg8[%dma_wait3A_468, %dma_wait3A_469, %dma_wait3A_470] : memref<8x128x16xf32, #tpu.memory_space<vmem>> -> memref<1x128x16xf32, #tpu.memory_space<vmem>>
      %dma_wait3A_472 = tpu.memref_squeeze %dma_wait3A_471 : memref<1x128x16xf32, #tpu.memory_space<vmem>> -> memref<128x16xf32, #tpu.memory_space<vmem>>
      %dma_wait3A_473 = arith.constant 0 : i32
      %dma_wait3A_474 = tpu.memref_slice %arg6[%add3A_467, %dma_wait3A_473] : memref<64x128xi32, #tpu.memory_space<vmem>> -> memref<1x128xi32, #tpu.memory_space<vmem>>
      %dma_wait3A_475 = tpu.memref_squeeze %dma_wait3A_474 : memref<1x128xi32, #tpu.memory_space<vmem>> -> memref<128xi32, #tpu.memory_space<vmem>>
      %dma_wait3A_476 = arith.constant 0 : i32
      %dma_wait3A_477 = arith.constant 0 : i32
      %dma_wait3A_478 = tpu.memref_slice %arg2[%dma_wait3A_476, %dma_wait3A_477] : memref<32768x16xf32, #tpu.memory_space<hbm>> -> memref<32768x16xf32, #tpu.memory_space<hbm>>
      tpu.wait_indirect_dma semaphore(%arg20 : memref<!tpu.dma_semaphore, #tpu.memory_space<semaphore_mem>>) src(%dma_wait3A_478 : memref<32768x16xf32, #tpu.memory_space<hbm>>) dst(%dma_wait3A_472 : memref<128x16xf32, #tpu.memory_space<vmem>>)
      %dma_start3A_479 = arith.constant 6 : i32
      %dma_start3A_480 = arith.constant 0 : i32
      %dma_start3A_481 = arith.constant 0 : i32
      %dma_start3A_482 = tpu.memref_slice %arg8[%dma_start3A_479, %dma_start3A_480, %dma_start3A_481] : memref<8x128x16xf32, #tpu.memory_space<vmem>> -> memref<1x128x16xf32, #tpu.memory_space<vmem>>
      %dma_start3A_483 = tpu.memref_squeeze %dma_start3A_482 : memref<1x128x16xf32, #tpu.memory_space<vmem>> -> memref<128x16xf32, #tpu.memory_space<vmem>>
      %dma_start3A_484 = arith.constant 0 : i32
      %dma_start3A_485 = tpu.memref_slice %arg7[%add3A_467, %dma_start3A_484] : memref<64x128xi32, #tpu.memory_space<vmem>> -> memref<1x128xi32, #tpu.memory_space<vmem>>
      %dma_start3A_486 = tpu.memref_squeeze %dma_start3A_485 : memref<1x128xi32, #tpu.memory_space<vmem>> -> memref<128xi32, #tpu.memory_space<vmem>>
      %dma_start3A_487 = arith.constant 0 : i32
      %dma_start3A_488 = arith.constant 0 : i32
      %dma_start3A_489 = tpu.memref_slice %arg12[%dma_start3A_487, %dma_start3A_488] : memref<32768x16xf32, #tpu.memory_space<vmem_shared>> -> memref<32768x16xf32, #tpu.memory_space<vmem_shared>>
      tpu.enqueue_indirect_dma source(%dma_start3A_483 : memref<128x16xf32, #tpu.memory_space<vmem>>) target(%dma_start3A_489 : memref<32768x16xf32, #tpu.memory_space<vmem_shared>>) offsets(%dma_start3A_486 : memref<128xi32, #tpu.memory_space<vmem>>) semaphore(%arg28 : memref<!tpu.dma_semaphore, #tpu.memory_space<semaphore_mem>>) {add = true}
      %add3A_490 = arith.constant 1 : i32
      %add3A_491 = arith.addi %add3A_467, %add3A_490 : i32
      %lt3A_492 = arith.constant 64 : i32
      %lt3A_493 = arith.cmpi slt, %add3A_491, %lt3A_492 : i32
      %convert_element_type3A_494 = arith.extui %lt3A_493 : i1 to i32
      %cond3A_495 = arith.constant 0 : i32
      %cond3A_496 = arith.cmpi ne, %convert_element_type3A_494, %cond3A_495 : i32
      scf.if %cond3A_496 {
        %dma_wait3A_547 = arith.constant 0 : i32
        %dma_wait3A_548 = tpu.memref_slice %arg7[%add3A_467, %dma_wait3A_547] : memref<64x128xi32, #tpu.memory_space<vmem>> -> memref<1x128xi32, #tpu.memory_space<vmem>>
        %dma_wait3A_549 = tpu.memref_squeeze %dma_wait3A_548 : memref<1x128xi32, #tpu.memory_space<vmem>> -> memref<128xi32, #tpu.memory_space<vmem>>
        %dma_wait3A_550 = arith.constant 0 : i32
        %dma_wait3A_551 = tpu.memref_slice %arg13[%dma_wait3A_550] : memref<32768xf32, #tpu.memory_space<vmem_shared>> -> memref<32768xf32, #tpu.memory_space<vmem_shared>>
        tpu.wait_indirect_dma semaphore(%arg30 : memref<!tpu.dma_semaphore, #tpu.memory_space<semaphore_mem>>) src(%arg9 : memref<128xf32, #tpu.memory_space<vmem>>) dst(%dma_wait3A_551 : memref<32768xf32, #tpu.memory_space<vmem_shared>>)
        %add3A_552 = arith.constant 1 : i32
        %add3A_553 = arith.addi %add3A_467, %add3A_552 : i32
        %dma_start3A_554 = arith.constant 0 : i32
        %dma_start3A_555 = tpu.memref_slice %arg7[%add3A_553, %dma_start3A_554] : memref<64x128xi32, #tpu.memory_space<vmem>> -> memref<1x128xi32, #tpu.memory_space<vmem>>
        %dma_start3A_556 = tpu.memref_squeeze %dma_start3A_555 : memref<1x128xi32, #tpu.memory_space<vmem>> -> memref<128xi32, #tpu.memory_space<vmem>>
        %dma_start3A_557 = arith.constant 0 : i32
        %dma_start3A_558 = tpu.memref_slice %arg13[%dma_start3A_557] : memref<32768xf32, #tpu.memory_space<vmem_shared>> -> memref<32768xf32, #tpu.memory_space<vmem_shared>>
        tpu.enqueue_indirect_dma source(%arg9 : memref<128xf32, #tpu.memory_space<vmem>>) target(%dma_start3A_558 : memref<32768xf32, #tpu.memory_space<vmem_shared>>) offsets(%dma_start3A_556 : memref<128xi32, #tpu.memory_space<vmem>>) semaphore(%arg30 : memref<!tpu.dma_semaphore, #tpu.memory_space<semaphore_mem>>) {add = true}
      } else {
      }
      %add3A_497 = arith.constant 8 : i32
      %add3A_498 = arith.addi %add3A_467, %add3A_497 : i32
      %sub3A_499 = arith.constant 1 : i32
      %sub3A_500 = arith.subi %add3A_498, %sub3A_499 : i32
      %lt3A_501 = arith.constant 64 : i32
      %lt3A_502 = arith.cmpi slt, %sub3A_500, %lt3A_501 : i32
      %convert_element_type3A_503 = arith.extui %lt3A_502 : i1 to i32
      %cond3A_504 = arith.constant 0 : i32
      %cond3A_505 = arith.cmpi ne, %convert_element_type3A_503, %cond3A_504 : i32
      scf.if %cond3A_505 {
        %ge3A = arith.constant 1 : i32
        %ge3A_547 = arith.cmpi sge, %add3A_467, %ge3A : i32
        %convert_element_type3A_548 = arith.extui %ge3A_547 : i1 to i32
        %cond3A_549 = arith.constant 0 : i32
        %cond3A_550 = arith.cmpi ne, %convert_element_type3A_548, %cond3A_549 : i32
        scf.if %cond3A_550 {
          %sub3A_566 = arith.constant 1 : i32
          %sub3A_567 = arith.subi %add3A_467, %sub3A_566 : i32
          %dma_wait3A_568 = arith.constant 5 : i32
          %dma_wait3A_569 = arith.constant 0 : i32
          %dma_wait3A_570 = arith.constant 0 : i32
          %dma_wait3A_571 = tpu.memref_slice %arg8[%dma_wait3A_568, %dma_wait3A_569, %dma_wait3A_570] : memref<8x128x16xf32, #tpu.memory_space<vmem>> -> memref<1x128x16xf32, #tpu.memory_space<vmem>>
          %dma_wait3A_572 = tpu.memref_squeeze %dma_wait3A_571 : memref<1x128x16xf32, #tpu.memory_space<vmem>> -> memref<128x16xf32, #tpu.memory_space<vmem>>
          %dma_wait3A_573 = arith.constant 0 : i32
          %dma_wait3A_574 = tpu.memref_slice %arg7[%sub3A_567, %dma_wait3A_573] : memref<64x128xi32, #tpu.memory_space<vmem>> -> memref<1x128xi32, #tpu.memory_space<vmem>>
          %dma_wait3A_575 = tpu.memref_squeeze %dma_wait3A_574 : memref<1x128xi32, #tpu.memory_space<vmem>> -> memref<128xi32, #tpu.memory_space<vmem>>
          %dma_wait3A_576 = arith.constant 0 : i32
          %dma_wait3A_577 = arith.constant 0 : i32
          %dma_wait3A_578 = tpu.memref_slice %arg12[%dma_wait3A_576, %dma_wait3A_577] : memref<32768x16xf32, #tpu.memory_space<vmem_shared>> -> memref<32768x16xf32, #tpu.memory_space<vmem_shared>>
          tpu.wait_indirect_dma semaphore(%arg27 : memref<!tpu.dma_semaphore, #tpu.memory_space<semaphore_mem>>) src(%dma_wait3A_572 : memref<128x16xf32, #tpu.memory_space<vmem>>) dst(%dma_wait3A_578 : memref<32768x16xf32, #tpu.memory_space<vmem_shared>>)
        } else {
        }
        %add3A_551 = arith.constant 8 : i32
        %add3A_552 = arith.addi %add3A_467, %add3A_551 : i32
        %sub3A_553 = arith.constant 1 : i32
        %sub3A_554 = arith.subi %add3A_552, %sub3A_553 : i32
        %dma_start3A_555 = arith.constant 5 : i32
        %dma_start3A_556 = arith.constant 0 : i32
        %dma_start3A_557 = arith.constant 0 : i32
        %dma_start3A_558 = tpu.memref_slice %arg8[%dma_start3A_555, %dma_start3A_556, %dma_start3A_557] : memref<8x128x16xf32, #tpu.memory_space<vmem>> -> memref<1x128x16xf32, #tpu.memory_space<vmem>>
        %dma_start3A_559 = tpu.memref_squeeze %dma_start3A_558 : memref<1x128x16xf32, #tpu.memory_space<vmem>> -> memref<128x16xf32, #tpu.memory_space<vmem>>
        %dma_start3A_560 = arith.constant 0 : i32
        %dma_start3A_561 = tpu.memref_slice %arg6[%sub3A_554, %dma_start3A_560] : memref<64x128xi32, #tpu.memory_space<vmem>> -> memref<1x128xi32, #tpu.memory_space<vmem>>
        %dma_start3A_562 = tpu.memref_squeeze %dma_start3A_561 : memref<1x128xi32, #tpu.memory_space<vmem>> -> memref<128xi32, #tpu.memory_space<vmem>>
        %dma_start3A_563 = arith.constant 0 : i32
        %dma_start3A_564 = arith.constant 0 : i32
        %dma_start3A_565 = tpu.memref_slice %arg2[%dma_start3A_563, %dma_start3A_564] : memref<32768x16xf32, #tpu.memory_space<hbm>> -> memref<32768x16xf32, #tpu.memory_space<hbm>>
        tpu.enqueue_indirect_dma source(%dma_start3A_565 : memref<32768x16xf32, #tpu.memory_space<hbm>>) target(%dma_start3A_559 : memref<128x16xf32, #tpu.memory_space<vmem>>) offsets(%dma_start3A_562 : memref<128xi32, #tpu.memory_space<vmem>>) semaphore(%arg19 : memref<!tpu.dma_semaphore, #tpu.memory_space<semaphore_mem>>)
      } else {
      }
      %add3A_506 = arith.constant 7 : i32
      %add3A_507 = arith.addi %mul3A_229, %add3A_506 : i32
      %dma_wait3A_508 = arith.constant 7 : i32
      %dma_wait3A_509 = arith.constant 0 : i32
      %dma_wait3A_510 = arith.constant 0 : i32
      %dma_wait3A_511 = tpu.memref_slice %arg8[%dma_wait3A_508, %dma_wait3A_509, %dma_wait3A_510] : memref<8x128x16xf32, #tpu.memory_space<vmem>> -> memref<1x128x16xf32, #tpu.memory_space<vmem>>
      %dma_wait3A_512 = tpu.memref_squeeze %dma_wait3A_511 : memref<1x128x16xf32, #tpu.memory_space<vmem>> -> memref<128x16xf32, #tpu.memory_space<vmem>>
      %dma_wait3A_513 = arith.constant 0 : i32
      %dma_wait3A_514 = tpu.memref_slice %arg6[%add3A_507, %dma_wait3A_513] : memref<64x128xi32, #tpu.memory_space<vmem>> -> memref<1x128xi32, #tpu.memory_space<vmem>>
      %dma_wait3A_515 = tpu.memref_squeeze %dma_wait3A_514 : memref<1x128xi32, #tpu.memory_space<vmem>> -> memref<128xi32, #tpu.memory_space<vmem>>
      %dma_wait3A_516 = arith.constant 0 : i32
      %dma_wait3A_517 = arith.constant 0 : i32
      %dma_wait3A_518 = tpu.memref_slice %arg2[%dma_wait3A_516, %dma_wait3A_517] : memref<32768x16xf32, #tpu.memory_space<hbm>> -> memref<32768x16xf32, #tpu.memory_space<hbm>>
      tpu.wait_indirect_dma semaphore(%arg21 : memref<!tpu.dma_semaphore, #tpu.memory_space<semaphore_mem>>) src(%dma_wait3A_518 : memref<32768x16xf32, #tpu.memory_space<hbm>>) dst(%dma_wait3A_512 : memref<128x16xf32, #tpu.memory_space<vmem>>)
      %dma_start3A_519 = arith.constant 7 : i32
      %dma_start3A_520 = arith.constant 0 : i32
      %dma_start3A_521 = arith.constant 0 : i32
      %dma_start3A_522 = tpu.memref_slice %arg8[%dma_start3A_519, %dma_start3A_520, %dma_start3A_521] : memref<8x128x16xf32, #tpu.memory_space<vmem>> -> memref<1x128x16xf32, #tpu.memory_space<vmem>>
      %dma_start3A_523 = tpu.memref_squeeze %dma_start3A_522 : memref<1x128x16xf32, #tpu.memory_space<vmem>> -> memref<128x16xf32, #tpu.memory_space<vmem>>
      %dma_start3A_524 = arith.constant 0 : i32
      %dma_start3A_525 = tpu.memref_slice %arg7[%add3A_507, %dma_start3A_524] : memref<64x128xi32, #tpu.memory_space<vmem>> -> memref<1x128xi32, #tpu.memory_space<vmem>>
      %dma_start3A_526 = tpu.memref_squeeze %dma_start3A_525 : memref<1x128xi32, #tpu.memory_space<vmem>> -> memref<128xi32, #tpu.memory_space<vmem>>
      %dma_start3A_527 = arith.constant 0 : i32
      %dma_start3A_528 = arith.constant 0 : i32
      %dma_start3A_529 = tpu.memref_slice %arg12[%dma_start3A_527, %dma_start3A_528] : memref<32768x16xf32, #tpu.memory_space<vmem_shared>> -> memref<32768x16xf32, #tpu.memory_space<vmem_shared>>
      tpu.enqueue_indirect_dma source(%dma_start3A_523 : memref<128x16xf32, #tpu.memory_space<vmem>>) target(%dma_start3A_529 : memref<32768x16xf32, #tpu.memory_space<vmem_shared>>) offsets(%dma_start3A_526 : memref<128xi32, #tpu.memory_space<vmem>>) semaphore(%arg29 : memref<!tpu.dma_semaphore, #tpu.memory_space<semaphore_mem>>) {add = true}
      %add3A_530 = arith.constant 1 : i32
      %add3A_531 = arith.addi %add3A_507, %add3A_530 : i32
      %lt3A_532 = arith.constant 64 : i32
      %lt3A_533 = arith.cmpi slt, %add3A_531, %lt3A_532 : i32
      %convert_element_type3A_534 = arith.extui %lt3A_533 : i1 to i32
      %cond3A_535 = arith.constant 0 : i32
      %cond3A_536 = arith.cmpi ne, %convert_element_type3A_534, %cond3A_535 : i32
      scf.if %cond3A_536 {
        %dma_wait3A_547 = arith.constant 0 : i32
        %dma_wait3A_548 = tpu.memref_slice %arg7[%add3A_507, %dma_wait3A_547] : memref<64x128xi32, #tpu.memory_space<vmem>> -> memref<1x128xi32, #tpu.memory_space<vmem>>
        %dma_wait3A_549 = tpu.memref_squeeze %dma_wait3A_548 : memref<1x128xi32, #tpu.memory_space<vmem>> -> memref<128xi32, #tpu.memory_space<vmem>>
        %dma_wait3A_550 = arith.constant 0 : i32
        %dma_wait3A_551 = tpu.memref_slice %arg13[%dma_wait3A_550] : memref<32768xf32, #tpu.memory_space<vmem_shared>> -> memref<32768xf32, #tpu.memory_space<vmem_shared>>
        tpu.wait_indirect_dma semaphore(%arg30 : memref<!tpu.dma_semaphore, #tpu.memory_space<semaphore_mem>>) src(%arg9 : memref<128xf32, #tpu.memory_space<vmem>>) dst(%dma_wait3A_551 : memref<32768xf32, #tpu.memory_space<vmem_shared>>)
        %add3A_552 = arith.constant 1 : i32
        %add3A_553 = arith.addi %add3A_507, %add3A_552 : i32
        %dma_start3A_554 = arith.constant 0 : i32
        %dma_start3A_555 = tpu.memref_slice %arg7[%add3A_553, %dma_start3A_554] : memref<64x128xi32, #tpu.memory_space<vmem>> -> memref<1x128xi32, #tpu.memory_space<vmem>>
        %dma_start3A_556 = tpu.memref_squeeze %dma_start3A_555 : memref<1x128xi32, #tpu.memory_space<vmem>> -> memref<128xi32, #tpu.memory_space<vmem>>
        %dma_start3A_557 = arith.constant 0 : i32
        %dma_start3A_558 = tpu.memref_slice %arg13[%dma_start3A_557] : memref<32768xf32, #tpu.memory_space<vmem_shared>> -> memref<32768xf32, #tpu.memory_space<vmem_shared>>
        tpu.enqueue_indirect_dma source(%arg9 : memref<128xf32, #tpu.memory_space<vmem>>) target(%dma_start3A_558 : memref<32768xf32, #tpu.memory_space<vmem_shared>>) offsets(%dma_start3A_556 : memref<128xi32, #tpu.memory_space<vmem>>) semaphore(%arg30 : memref<!tpu.dma_semaphore, #tpu.memory_space<semaphore_mem>>) {add = true}
      } else {
      }
      %add3A_537 = arith.constant 8 : i32
      %add3A_538 = arith.addi %add3A_507, %add3A_537 : i32
      %sub3A_539 = arith.constant 1 : i32
      %sub3A_540 = arith.subi %add3A_538, %sub3A_539 : i32
      %lt3A_541 = arith.constant 64 : i32
      %lt3A_542 = arith.cmpi slt, %sub3A_540, %lt3A_541 : i32
      %convert_element_type3A_543 = arith.extui %lt3A_542 : i1 to i32
      %cond3A_544 = arith.constant 0 : i32
      %cond3A_545 = arith.cmpi ne, %convert_element_type3A_543, %cond3A_544 : i32
      scf.if %cond3A_545 {
        %ge3A = arith.constant 1 : i32
        %ge3A_547 = arith.cmpi sge, %add3A_507, %ge3A : i32
        %convert_element_type3A_548 = arith.extui %ge3A_547 : i1 to i32
        %cond3A_549 = arith.constant 0 : i32
        %cond3A_550 = arith.cmpi ne, %convert_element_type3A_548, %cond3A_549 : i32
        scf.if %cond3A_550 {
          %sub3A_566 = arith.constant 1 : i32
          %sub3A_567 = arith.subi %add3A_507, %sub3A_566 : i32
          %dma_wait3A_568 = arith.constant 6 : i32
          %dma_wait3A_569 = arith.constant 0 : i32
          %dma_wait3A_570 = arith.constant 0 : i32
          %dma_wait3A_571 = tpu.memref_slice %arg8[%dma_wait3A_568, %dma_wait3A_569, %dma_wait3A_570] : memref<8x128x16xf32, #tpu.memory_space<vmem>> -> memref<1x128x16xf32, #tpu.memory_space<vmem>>
          %dma_wait3A_572 = tpu.memref_squeeze %dma_wait3A_571 : memref<1x128x16xf32, #tpu.memory_space<vmem>> -> memref<128x16xf32, #tpu.memory_space<vmem>>
          %dma_wait3A_573 = arith.constant 0 : i32
          %dma_wait3A_574 = tpu.memref_slice %arg7[%sub3A_567, %dma_wait3A_573] : memref<64x128xi32, #tpu.memory_space<vmem>> -> memref<1x128xi32, #tpu.memory_space<vmem>>
          %dma_wait3A_575 = tpu.memref_squeeze %dma_wait3A_574 : memref<1x128xi32, #tpu.memory_space<vmem>> -> memref<128xi32, #tpu.memory_space<vmem>>
          %dma_wait3A_576 = arith.constant 0 : i32
          %dma_wait3A_577 = arith.constant 0 : i32
          %dma_wait3A_578 = tpu.memref_slice %arg12[%dma_wait3A_576, %dma_wait3A_577] : memref<32768x16xf32, #tpu.memory_space<vmem_shared>> -> memref<32768x16xf32, #tpu.memory_space<vmem_shared>>
          tpu.wait_indirect_dma semaphore(%arg28 : memref<!tpu.dma_semaphore, #tpu.memory_space<semaphore_mem>>) src(%dma_wait3A_572 : memref<128x16xf32, #tpu.memory_space<vmem>>) dst(%dma_wait3A_578 : memref<32768x16xf32, #tpu.memory_space<vmem_shared>>)
        } else {
        }
        %add3A_551 = arith.constant 8 : i32
        %add3A_552 = arith.addi %add3A_507, %add3A_551 : i32
        %sub3A_553 = arith.constant 1 : i32
        %sub3A_554 = arith.subi %add3A_552, %sub3A_553 : i32
        %dma_start3A_555 = arith.constant 6 : i32
        %dma_start3A_556 = arith.constant 0 : i32
        %dma_start3A_557 = arith.constant 0 : i32
        %dma_start3A_558 = tpu.memref_slice %arg8[%dma_start3A_555, %dma_start3A_556, %dma_start3A_557] : memref<8x128x16xf32, #tpu.memory_space<vmem>> -> memref<1x128x16xf32, #tpu.memory_space<vmem>>
        %dma_start3A_559 = tpu.memref_squeeze %dma_start3A_558 : memref<1x128x16xf32, #tpu.memory_space<vmem>> -> memref<128x16xf32, #tpu.memory_space<vmem>>
        %dma_start3A_560 = arith.constant 0 : i32
        %dma_start3A_561 = tpu.memref_slice %arg6[%sub3A_554, %dma_start3A_560] : memref<64x128xi32, #tpu.memory_space<vmem>> -> memref<1x128xi32, #tpu.memory_space<vmem>>
        %dma_start3A_562 = tpu.memref_squeeze %dma_start3A_561 : memref<1x128xi32, #tpu.memory_space<vmem>> -> memref<128xi32, #tpu.memory_space<vmem>>
        %dma_start3A_563 = arith.constant 0 : i32
        %dma_start3A_564 = arith.constant 0 : i32
        %dma_start3A_565 = tpu.memref_slice %arg2[%dma_start3A_563, %dma_start3A_564] : memref<32768x16xf32, #tpu.memory_space<hbm>> -> memref<32768x16xf32, #tpu.memory_space<hbm>>
        tpu.enqueue_indirect_dma source(%dma_start3A_565 : memref<32768x16xf32, #tpu.memory_space<hbm>>) target(%dma_start3A_559 : memref<128x16xf32, #tpu.memory_space<vmem>>) offsets(%dma_start3A_562 : memref<128xi32, #tpu.memory_space<vmem>>) semaphore(%arg20 : memref<!tpu.dma_semaphore, #tpu.memory_space<semaphore_mem>>)
      } else {
      }
      %scan3A_546 = arith.constant 0 : i32
      scf.yield %scan3A_546 : i32
    }
    %scan3A_117 = arith.constant 8 : i32
    %dma_wait3A = arith.constant 0 : i32
    %dma_wait3A_118 = arith.constant 56 : i32
    %dma_wait3A_119 = arith.constant 0 : i32
    %dma_wait3A_120 = arith.constant 0 : i32
    %dma_wait3A_121 = tpu.memref_slice %arg8[%dma_wait3A, %dma_wait3A_119, %dma_wait3A_120] : memref<8x128x16xf32, #tpu.memory_space<vmem>> -> memref<1x128x16xf32, #tpu.memory_space<vmem>>
    %dma_wait3A_122 = tpu.memref_squeeze %dma_wait3A_121 : memref<1x128x16xf32, #tpu.memory_space<vmem>> -> memref<128x16xf32, #tpu.memory_space<vmem>>
    %dma_wait3A_123 = arith.constant 0 : i32
    %dma_wait3A_124 = tpu.memref_slice %arg7[%dma_wait3A_118, %dma_wait3A_123] : memref<64x128xi32, #tpu.memory_space<vmem>> -> memref<1x128xi32, #tpu.memory_space<vmem>>
    %dma_wait3A_125 = tpu.memref_squeeze %dma_wait3A_124 : memref<1x128xi32, #tpu.memory_space<vmem>> -> memref<128xi32, #tpu.memory_space<vmem>>
    %dma_wait3A_126 = arith.constant 0 : i32
    %dma_wait3A_127 = arith.constant 0 : i32
    %dma_wait3A_128 = tpu.memref_slice %arg12[%dma_wait3A_126, %dma_wait3A_127] : memref<32768x16xf32, #tpu.memory_space<vmem_shared>> -> memref<32768x16xf32, #tpu.memory_space<vmem_shared>>
    tpu.wait_indirect_dma semaphore(%arg22 : memref<!tpu.dma_semaphore, #tpu.memory_space<semaphore_mem>>) src(%dma_wait3A_122 : memref<128x16xf32, #tpu.memory_space<vmem>>) dst(%dma_wait3A_128 : memref<32768x16xf32, #tpu.memory_space<vmem_shared>>)
    %dma_wait3A_129 = arith.constant 1 : i32
    %dma_wait3A_130 = arith.constant 57 : i32
    %dma_wait3A_131 = arith.constant 0 : i32
    %dma_wait3A_132 = arith.constant 0 : i32
    %dma_wait3A_133 = tpu.memref_slice %arg8[%dma_wait3A_129, %dma_wait3A_131, %dma_wait3A_132] : memref<8x128x16xf32, #tpu.memory_space<vmem>> -> memref<1x128x16xf32, #tpu.memory_space<vmem>>
    %dma_wait3A_134 = tpu.memref_squeeze %dma_wait3A_133 : memref<1x128x16xf32, #tpu.memory_space<vmem>> -> memref<128x16xf32, #tpu.memory_space<vmem>>
    %dma_wait3A_135 = arith.constant 0 : i32
    %dma_wait3A_136 = tpu.memref_slice %arg7[%dma_wait3A_130, %dma_wait3A_135] : memref<64x128xi32, #tpu.memory_space<vmem>> -> memref<1x128xi32, #tpu.memory_space<vmem>>
    %dma_wait3A_137 = tpu.memref_squeeze %dma_wait3A_136 : memref<1x128xi32, #tpu.memory_space<vmem>> -> memref<128xi32, #tpu.memory_space<vmem>>
    %dma_wait3A_138 = arith.constant 0 : i32
    %dma_wait3A_139 = arith.constant 0 : i32
    %dma_wait3A_140 = tpu.memref_slice %arg12[%dma_wait3A_138, %dma_wait3A_139] : memref<32768x16xf32, #tpu.memory_space<vmem_shared>> -> memref<32768x16xf32, #tpu.memory_space<vmem_shared>>
    tpu.wait_indirect_dma semaphore(%arg23 : memref<!tpu.dma_semaphore, #tpu.memory_space<semaphore_mem>>) src(%dma_wait3A_134 : memref<128x16xf32, #tpu.memory_space<vmem>>) dst(%dma_wait3A_140 : memref<32768x16xf32, #tpu.memory_space<vmem_shared>>)
    %dma_wait3A_141 = arith.constant 2 : i32
    %dma_wait3A_142 = arith.constant 58 : i32
    %dma_wait3A_143 = arith.constant 0 : i32
    %dma_wait3A_144 = arith.constant 0 : i32
    %dma_wait3A_145 = tpu.memref_slice %arg8[%dma_wait3A_141, %dma_wait3A_143, %dma_wait3A_144] : memref<8x128x16xf32, #tpu.memory_space<vmem>> -> memref<1x128x16xf32, #tpu.memory_space<vmem>>
    %dma_wait3A_146 = tpu.memref_squeeze %dma_wait3A_145 : memref<1x128x16xf32, #tpu.memory_space<vmem>> -> memref<128x16xf32, #tpu.memory_space<vmem>>
    %dma_wait3A_147 = arith.constant 0 : i32
    %dma_wait3A_148 = tpu.memref_slice %arg7[%dma_wait3A_142, %dma_wait3A_147] : memref<64x128xi32, #tpu.memory_space<vmem>> -> memref<1x128xi32, #tpu.memory_space<vmem>>
    %dma_wait3A_149 = tpu.memref_squeeze %dma_wait3A_148 : memref<1x128xi32, #tpu.memory_space<vmem>> -> memref<128xi32, #tpu.memory_space<vmem>>
    %dma_wait3A_150 = arith.constant 0 : i32
    %dma_wait3A_151 = arith.constant 0 : i32
    %dma_wait3A_152 = tpu.memref_slice %arg12[%dma_wait3A_150, %dma_wait3A_151] : memref<32768x16xf32, #tpu.memory_space<vmem_shared>> -> memref<32768x16xf32, #tpu.memory_space<vmem_shared>>
    tpu.wait_indirect_dma semaphore(%arg24 : memref<!tpu.dma_semaphore, #tpu.memory_space<semaphore_mem>>) src(%dma_wait3A_146 : memref<128x16xf32, #tpu.memory_space<vmem>>) dst(%dma_wait3A_152 : memref<32768x16xf32, #tpu.memory_space<vmem_shared>>)
    %dma_wait3A_153 = arith.constant 3 : i32
    %dma_wait3A_154 = arith.constant 59 : i32
    %dma_wait3A_155 = arith.constant 0 : i32
    %dma_wait3A_156 = arith.constant 0 : i32
    %dma_wait3A_157 = tpu.memref_slice %arg8[%dma_wait3A_153, %dma_wait3A_155, %dma_wait3A_156] : memref<8x128x16xf32, #tpu.memory_space<vmem>> -> memref<1x128x16xf32, #tpu.memory_space<vmem>>
    %dma_wait3A_158 = tpu.memref_squeeze %dma_wait3A_157 : memref<1x128x16xf32, #tpu.memory_space<vmem>> -> memref<128x16xf32, #tpu.memory_space<vmem>>
    %dma_wait3A_159 = arith.constant 0 : i32
    %dma_wait3A_160 = tpu.memref_slice %arg7[%dma_wait3A_154, %dma_wait3A_159] : memref<64x128xi32, #tpu.memory_space<vmem>> -> memref<1x128xi32, #tpu.memory_space<vmem>>
    %dma_wait3A_161 = tpu.memref_squeeze %dma_wait3A_160 : memref<1x128xi32, #tpu.memory_space<vmem>> -> memref<128xi32, #tpu.memory_space<vmem>>
    %dma_wait3A_162 = arith.constant 0 : i32
    %dma_wait3A_163 = arith.constant 0 : i32
    %dma_wait3A_164 = tpu.memref_slice %arg12[%dma_wait3A_162, %dma_wait3A_163] : memref<32768x16xf32, #tpu.memory_space<vmem_shared>> -> memref<32768x16xf32, #tpu.memory_space<vmem_shared>>
    tpu.wait_indirect_dma semaphore(%arg25 : memref<!tpu.dma_semaphore, #tpu.memory_space<semaphore_mem>>) src(%dma_wait3A_158 : memref<128x16xf32, #tpu.memory_space<vmem>>) dst(%dma_wait3A_164 : memref<32768x16xf32, #tpu.memory_space<vmem_shared>>)
    %dma_wait3A_165 = arith.constant 4 : i32
    %dma_wait3A_166 = arith.constant 60 : i32
    %dma_wait3A_167 = arith.constant 0 : i32
    %dma_wait3A_168 = arith.constant 0 : i32
    %dma_wait3A_169 = tpu.memref_slice %arg8[%dma_wait3A_165, %dma_wait3A_167, %dma_wait3A_168] : memref<8x128x16xf32, #tpu.memory_space<vmem>> -> memref<1x128x16xf32, #tpu.memory_space<vmem>>
    %dma_wait3A_170 = tpu.memref_squeeze %dma_wait3A_169 : memref<1x128x16xf32, #tpu.memory_space<vmem>> -> memref<128x16xf32, #tpu.memory_space<vmem>>
    %dma_wait3A_171 = arith.constant 0 : i32
    %dma_wait3A_172 = tpu.memref_slice %arg7[%dma_wait3A_166, %dma_wait3A_171] : memref<64x128xi32, #tpu.memory_space<vmem>> -> memref<1x128xi32, #tpu.memory_space<vmem>>
    %dma_wait3A_173 = tpu.memref_squeeze %dma_wait3A_172 : memref<1x128xi32, #tpu.memory_space<vmem>> -> memref<128xi32, #tpu.memory_space<vmem>>
    %dma_wait3A_174 = arith.constant 0 : i32
    %dma_wait3A_175 = arith.constant 0 : i32
    %dma_wait3A_176 = tpu.memref_slice %arg12[%dma_wait3A_174, %dma_wait3A_175] : memref<32768x16xf32, #tpu.memory_space<vmem_shared>> -> memref<32768x16xf32, #tpu.memory_space<vmem_shared>>
    tpu.wait_indirect_dma semaphore(%arg26 : memref<!tpu.dma_semaphore, #tpu.memory_space<semaphore_mem>>) src(%dma_wait3A_170 : memref<128x16xf32, #tpu.memory_space<vmem>>) dst(%dma_wait3A_176 : memref<32768x16xf32, #tpu.memory_space<vmem_shared>>)
    %dma_wait3A_177 = arith.constant 5 : i32
    %dma_wait3A_178 = arith.constant 61 : i32
    %dma_wait3A_179 = arith.constant 0 : i32
    %dma_wait3A_180 = arith.constant 0 : i32
    %dma_wait3A_181 = tpu.memref_slice %arg8[%dma_wait3A_177, %dma_wait3A_179, %dma_wait3A_180] : memref<8x128x16xf32, #tpu.memory_space<vmem>> -> memref<1x128x16xf32, #tpu.memory_space<vmem>>
    %dma_wait3A_182 = tpu.memref_squeeze %dma_wait3A_181 : memref<1x128x16xf32, #tpu.memory_space<vmem>> -> memref<128x16xf32, #tpu.memory_space<vmem>>
    %dma_wait3A_183 = arith.constant 0 : i32
    %dma_wait3A_184 = tpu.memref_slice %arg7[%dma_wait3A_178, %dma_wait3A_183] : memref<64x128xi32, #tpu.memory_space<vmem>> -> memref<1x128xi32, #tpu.memory_space<vmem>>
    %dma_wait3A_185 = tpu.memref_squeeze %dma_wait3A_184 : memref<1x128xi32, #tpu.memory_space<vmem>> -> memref<128xi32, #tpu.memory_space<vmem>>
    %dma_wait3A_186 = arith.constant 0 : i32
    %dma_wait3A_187 = arith.constant 0 : i32
    %dma_wait3A_188 = tpu.memref_slice %arg12[%dma_wait3A_186, %dma_wait3A_187] : memref<32768x16xf32, #tpu.memory_space<vmem_shared>> -> memref<32768x16xf32, #tpu.memory_space<vmem_shared>>
    tpu.wait_indirect_dma semaphore(%arg27 : memref<!tpu.dma_semaphore, #tpu.memory_space<semaphore_mem>>) src(%dma_wait3A_182 : memref<128x16xf32, #tpu.memory_space<vmem>>) dst(%dma_wait3A_188 : memref<32768x16xf32, #tpu.memory_space<vmem_shared>>)
    %dma_wait3A_189 = arith.constant 6 : i32
    %dma_wait3A_190 = arith.constant 62 : i32
    %dma_wait3A_191 = arith.constant 0 : i32
    %dma_wait3A_192 = arith.constant 0 : i32
    %dma_wait3A_193 = tpu.memref_slice %arg8[%dma_wait3A_189, %dma_wait3A_191, %dma_wait3A_192] : memref<8x128x16xf32, #tpu.memory_space<vmem>> -> memref<1x128x16xf32, #tpu.memory_space<vmem>>
    %dma_wait3A_194 = tpu.memref_squeeze %dma_wait3A_193 : memref<1x128x16xf32, #tpu.memory_space<vmem>> -> memref<128x16xf32, #tpu.memory_space<vmem>>
    %dma_wait3A_195 = arith.constant 0 : i32
    %dma_wait3A_196 = tpu.memref_slice %arg7[%dma_wait3A_190, %dma_wait3A_195] : memref<64x128xi32, #tpu.memory_space<vmem>> -> memref<1x128xi32, #tpu.memory_space<vmem>>
    %dma_wait3A_197 = tpu.memref_squeeze %dma_wait3A_196 : memref<1x128xi32, #tpu.memory_space<vmem>> -> memref<128xi32, #tpu.memory_space<vmem>>
    %dma_wait3A_198 = arith.constant 0 : i32
    %dma_wait3A_199 = arith.constant 0 : i32
    %dma_wait3A_200 = tpu.memref_slice %arg12[%dma_wait3A_198, %dma_wait3A_199] : memref<32768x16xf32, #tpu.memory_space<vmem_shared>> -> memref<32768x16xf32, #tpu.memory_space<vmem_shared>>
    tpu.wait_indirect_dma semaphore(%arg28 : memref<!tpu.dma_semaphore, #tpu.memory_space<semaphore_mem>>) src(%dma_wait3A_194 : memref<128x16xf32, #tpu.memory_space<vmem>>) dst(%dma_wait3A_200 : memref<32768x16xf32, #tpu.memory_space<vmem_shared>>)
    %dma_wait3A_201 = arith.constant 7 : i32
    %dma_wait3A_202 = arith.constant 63 : i32
    %dma_wait3A_203 = arith.constant 0 : i32
    %dma_wait3A_204 = arith.constant 0 : i32
    %dma_wait3A_205 = tpu.memref_slice %arg8[%dma_wait3A_201, %dma_wait3A_203, %dma_wait3A_204] : memref<8x128x16xf32, #tpu.memory_space<vmem>> -> memref<1x128x16xf32, #tpu.memory_space<vmem>>
    %dma_wait3A_206 = tpu.memref_squeeze %dma_wait3A_205 : memref<1x128x16xf32, #tpu.memory_space<vmem>> -> memref<128x16xf32, #tpu.memory_space<vmem>>
    %dma_wait3A_207 = arith.constant 0 : i32
    %dma_wait3A_208 = tpu.memref_slice %arg7[%dma_wait3A_202, %dma_wait3A_207] : memref<64x128xi32, #tpu.memory_space<vmem>> -> memref<1x128xi32, #tpu.memory_space<vmem>>
    %dma_wait3A_209 = tpu.memref_squeeze %dma_wait3A_208 : memref<1x128xi32, #tpu.memory_space<vmem>> -> memref<128xi32, #tpu.memory_space<vmem>>
    %dma_wait3A_210 = arith.constant 0 : i32
    %dma_wait3A_211 = arith.constant 0 : i32
    %dma_wait3A_212 = tpu.memref_slice %arg12[%dma_wait3A_210, %dma_wait3A_211] : memref<32768x16xf32, #tpu.memory_space<vmem_shared>> -> memref<32768x16xf32, #tpu.memory_space<vmem_shared>>
    tpu.wait_indirect_dma semaphore(%arg29 : memref<!tpu.dma_semaphore, #tpu.memory_space<semaphore_mem>>) src(%dma_wait3A_206 : memref<128x16xf32, #tpu.memory_space<vmem>>) dst(%dma_wait3A_212 : memref<32768x16xf32, #tpu.memory_space<vmem_shared>>)
    %dma_wait3A_213 = arith.constant 63 : i32
    %dma_wait3A_214 = arith.constant 0 : i32
    %dma_wait3A_215 = tpu.memref_slice %arg7[%dma_wait3A_213, %dma_wait3A_214] : memref<64x128xi32, #tpu.memory_space<vmem>> -> memref<1x128xi32, #tpu.memory_space<vmem>>
    %dma_wait3A_216 = tpu.memref_squeeze %dma_wait3A_215 : memref<1x128xi32, #tpu.memory_space<vmem>> -> memref<128xi32, #tpu.memory_space<vmem>>
    %dma_wait3A_217 = arith.constant 0 : i32
    %dma_wait3A_218 = tpu.memref_slice %arg13[%dma_wait3A_217] : memref<32768xf32, #tpu.memory_space<vmem_shared>> -> memref<32768xf32, #tpu.memory_space<vmem_shared>>
    tpu.wait_indirect_dma semaphore(%arg30 : memref<!tpu.dma_semaphore, #tpu.memory_space<semaphore_mem>>) src(%arg9 : memref<128xf32, #tpu.memory_space<vmem>>) dst(%dma_wait3A_218 : memref<32768xf32, #tpu.memory_space<vmem_shared>>)
    %barrier3A_219 = arith.constant 0 : index
    tpu.barrier barrier_id(%barrier3A_219)
    %mul3A_220 = arith.constant 2048 : i32
    %mul3A_221 = arith.muli %arg1, %mul3A_220 : i32
    %mul3A_222 = arith.constant 2048 : i32
    %mul3A_223 = arith.muli %arg1, %mul3A_222 : i32
    "tpu.region"() ({
      %run_scoped3A_226 = tpu.sem_alloc : memref<!tpu.dma_semaphore, #tpu.memory_space<semaphore_mem>>
      %dma_start3A_227 = arith.constant 0 : i32
      %dma_start3A_228 = tpu.memref_slice %arg4[%arg0, %mul3A_223, %dma_start3A_227] : memref<2x32768x16xf32, #tpu.memory_space<hbm>> -> memref<1x2048x16xf32, #tpu.memory_space<hbm>>
      %dma_start3A_229 = tpu.memref_squeeze %dma_start3A_228 : memref<1x2048x16xf32, #tpu.memory_space<hbm>> -> memref<2048x16xf32, #tpu.memory_space<hbm>>
      %dma_start3A_230 = arith.constant 0 : i32
      %dma_start3A_231 = tpu.memref_slice %arg12[%mul3A_221, %dma_start3A_230] : memref<32768x16xf32, #tpu.memory_space<vmem_shared>> -> memref<2048x16xf32, #tpu.memory_space<vmem_shared>>
      tpu.enqueue_dma source(%dma_start3A_231 : memref<2048x16xf32, #tpu.memory_space<vmem_shared>>) target(%dma_start3A_229 : memref<2048x16xf32, #tpu.memory_space<hbm>>) target_semaphore(%run_scoped3A_226 : memref<!tpu.dma_semaphore, #tpu.memory_space<semaphore_mem>>)
      %dma_wait3A_232 = arith.constant 0 : i32
      %dma_wait3A_233 = tpu.memref_slice %arg4[%arg0, %mul3A_223, %dma_wait3A_232] : memref<2x32768x16xf32, #tpu.memory_space<hbm>> -> memref<1x2048x16xf32, #tpu.memory_space<hbm>>
      %dma_wait3A_234 = tpu.memref_squeeze %dma_wait3A_233 : memref<1x2048x16xf32, #tpu.memory_space<hbm>> -> memref<2048x16xf32, #tpu.memory_space<hbm>>
      %dma_wait3A_235 = arith.constant 0 : i32
      %dma_wait3A_236 = tpu.memref_slice %arg12[%mul3A_221, %dma_wait3A_235] : memref<32768x16xf32, #tpu.memory_space<vmem_shared>> -> memref<2048x16xf32, #tpu.memory_space<vmem_shared>>
      tpu.wait_dma2 semaphore(%run_scoped3A_226 : memref<!tpu.dma_semaphore, #tpu.memory_space<semaphore_mem>>) src(%dma_wait3A_236 : memref<2048x16xf32, #tpu.memory_space<vmem_shared>>) dst(%dma_wait3A_234 : memref<2048x16xf32, #tpu.memory_space<hbm>>)
      tpu.yield
    }) : () -> ()
    %mul3A_224 = arith.constant 2048 : i32
    %mul3A_225 = arith.muli %arg1, %mul3A_224 : i32
    "tpu.region"() ({
      %run_scoped3A_226 = tpu.sem_alloc : memref<!tpu.dma_semaphore, #tpu.memory_space<semaphore_mem>>
      %dma_start3A_227 = arith.constant 0 : i32
      %dma_start3A_228 = tpu.memref_slice %arg5[%arg0, %arg1, %dma_start3A_227] : memref<2x16x2048xf32, #tpu.memory_space<hbm>> -> memref<1x1x2048xf32, #tpu.memory_space<hbm>>
      %dma_start3A_229 = tpu.memref_squeeze %dma_start3A_228 : memref<1x1x2048xf32, #tpu.memory_space<hbm>> -> memref<2048xf32, #tpu.memory_space<hbm>>
      %dma_start3A_230 = tpu.memref_slice %arg13[%mul3A_225] : memref<32768xf32, #tpu.memory_space<vmem_shared>> -> memref<2048xf32, #tpu.memory_space<vmem_shared>>
      tpu.enqueue_dma source(%dma_start3A_230 : memref<2048xf32, #tpu.memory_space<vmem_shared>>) target(%dma_start3A_229 : memref<2048xf32, #tpu.memory_space<hbm>>) target_semaphore(%run_scoped3A_226 : memref<!tpu.dma_semaphore, #tpu.memory_space<semaphore_mem>>)
      %dma_wait3A_231 = arith.constant 0 : i32
      %dma_wait3A_232 = tpu.memref_slice %arg5[%arg0, %arg1, %dma_wait3A_231] : memref<2x16x2048xf32, #tpu.memory_space<hbm>> -> memref<1x1x2048xf32, #tpu.memory_space<hbm>>
      %dma_wait3A_233 = tpu.memref_squeeze %dma_wait3A_232 : memref<1x1x2048xf32, #tpu.memory_space<hbm>> -> memref<2048xf32, #tpu.memory_space<hbm>>
      %dma_wait3A_234 = tpu.memref_slice %arg13[%mul3A_225] : memref<32768xf32, #tpu.memory_space<vmem_shared>> -> memref<2048xf32, #tpu.memory_space<vmem_shared>>
      tpu.wait_dma2 semaphore(%run_scoped3A_226 : memref<!tpu.dma_semaphore, #tpu.memory_space<semaphore_mem>>) src(%dma_wait3A_234 : memref<2048xf32, #tpu.memory_space<vmem_shared>>) dst(%dma_wait3A_233 : memref<2048xf32, #tpu.memory_space<hbm>>)
      tpu.yield
    }) : () -> ()
    return
  }
}

module attributes {stable_mosaic.version = 14 : i64} {
  func.func @_tc_body(%arg0: i32, %arg1: memref<1024x128xf32, #tpu.memory_space<vmem>>, %arg2: memref<2x1024x128xf32, #tpu.memory_space<vmem>>, %arg3: memref<2x16x2048xf32, #tpu.memory_space<vmem>>, %arg4: memref<2048x256xf32, #tpu.memory_space<vmem>>, %arg5: memref<2048x128xf32, #tpu.memory_space<vmem>>, %arg6: memref<128x16xf32, #tpu.memory_space<vmem>>, %arg7: memref<128x256xf32, #tpu.memory_space<vmem>>, %arg8: memref<128x512xf32, #tpu.memory_space<vmem>>, %arg9: memref<256x32xf32, #tpu.memory_space<vmem>>, %arg10: memref<256x32xf32, #tpu.memory_space<vmem>>, %arg11: memref<16x32xf32, #tpu.memory_space<vmem>>, %arg12: memref<16x32xf32, #tpu.memory_space<vmem>>, %arg13: memref<1x32xf32, #tpu.memory_space<vmem>>, %arg14: memref<1x1xf32, #tpu.memory_space<vmem>>, %arg15: memref<1x32xf32, #tpu.memory_space<vmem>>, %arg16: memref<32x32xf32, #tpu.memory_space<vmem>>, %arg17: memref<1x32xf32, #tpu.memory_space<vmem>>, %arg18: memref<32x32xf32, #tpu.memory_space<vmem>>, %arg19: memref<1x32xf32, #tpu.memory_space<vmem>>, %arg20: memref<4x32x2048xf32, #tpu.memory_space<vmem>>) attributes {dimension_semantics = [#tpu.dimension_semantics<arbitrary>], iteration_bounds = array<i64: 4>, scalar_prefetch = 0 : i64, scratch_operands = 0 : i64, tpu.core_type = #tpu.core_type<tc>, window_params = [{transform_indices = @transform_0, window_bounds = array<i64: 1024, 128>}, {transform_indices = @transform_1, window_bounds = array<i64: 2, 1024, 128>}, {pipeline_mode = #tpu.pipeline_mode<synchronous>, transform_indices = @transform_2, window_bounds = array<i64: 2, 16, 2048>}, {pipeline_mode = #tpu.pipeline_mode<synchronous>, transform_indices = @transform_3, window_bounds = array<i64: 2048, 256>}, {pipeline_mode = #tpu.pipeline_mode<synchronous>, transform_indices = @transform_4, window_bounds = array<i64: 2048, 128>}, {pipeline_mode = #tpu.pipeline_mode<synchronous>, transform_indices = @transform_5, window_bounds = array<i64: 128, 16>}, {pipeline_mode = #tpu.pipeline_mode<synchronous>, transform_indices = @transform_6, window_bounds = array<i64: 128, 256>}, {pipeline_mode = #tpu.pipeline_mode<synchronous>, transform_indices = @transform_7, window_bounds = array<i64: 128, 512>}, {pipeline_mode = #tpu.pipeline_mode<synchronous>, transform_indices = @transform_8, window_bounds = array<i64: 256, 32>}, {pipeline_mode = #tpu.pipeline_mode<synchronous>, transform_indices = @transform_9, window_bounds = array<i64: 256, 32>}, {pipeline_mode = #tpu.pipeline_mode<synchronous>, transform_indices = @transform_10, window_bounds = array<i64: 16, 32>}, {pipeline_mode = #tpu.pipeline_mode<synchronous>, transform_indices = @transform_11, window_bounds = array<i64: 16, 32>}, {pipeline_mode = #tpu.pipeline_mode<synchronous>, transform_indices = @transform_12, window_bounds = array<i64: 1, 32>}, {pipeline_mode = #tpu.pipeline_mode<synchronous>, transform_indices = @transform_13, window_bounds = array<i64: 1, 1>}, {pipeline_mode = #tpu.pipeline_mode<synchronous>, transform_indices = @transform_14, window_bounds = array<i64: 1, 32>}, {pipeline_mode = #tpu.pipeline_mode<synchronous>, transform_indices = @transform_15, window_bounds = array<i64: 32, 32>}, {pipeline_mode = #tpu.pipeline_mode<synchronous>, transform_indices = @transform_16, window_bounds = array<i64: 1, 32>}, {pipeline_mode = #tpu.pipeline_mode<synchronous>, transform_indices = @transform_17, window_bounds = array<i64: 32, 32>}, {pipeline_mode = #tpu.pipeline_mode<synchronous>, transform_indices = @transform_18, window_bounds = array<i64: 1, 32>}, {transform_indices = @transform_19, window_bounds = array<i64: 4, 32, 2048>}]} {
    %get3A = arith.constant 0 : index
    %get3A_0 = arith.constant 0 : index
    %get3A_1 = vector.load %arg4[%get3A, %get3A_0] : memref<2048x256xf32, #tpu.memory_space<vmem>>, vector<2048x256xf32>
    %get3A_2 = arith.constant 0 : index
    %get3A_3 = arith.constant 0 : index
    %get3A_4 = vector.load %arg1[%get3A_2, %get3A_3] : memref<1024x128xf32, #tpu.memory_space<vmem>>, vector<256x128xf32>
    %get3A_5 = arith.constant 0 : index
    %get3A_6 = arith.constant 0 : index
    %get3A_7 = arith.constant 0 : index
    %get3A_8 = vector.load %arg2[%get3A_5, %get3A_6, %get3A_7] : memref<2x1024x128xf32, #tpu.memory_space<vmem>>, vector<1x256x128xf32>
    %get3A_9 = vector.shape_cast %get3A_8 : vector<1x256x128xf32> to vector<256x128xf32>
    %get3A_10 = arith.constant 1 : index
    %get3A_11 = arith.constant 0 : index
    %get3A_12 = arith.constant 0 : index
    %get3A_13 = vector.load %arg2[%get3A_10, %get3A_11, %get3A_12] : memref<2x1024x128xf32, #tpu.memory_space<vmem>>, vector<1x256x128xf32>
    %get3A_14 = vector.shape_cast %get3A_13 : vector<1x256x128xf32> to vector<256x128xf32>
    %add3A = arith.addf %get3A_9, %get3A_14 : vector<256x128xf32>
    %concatenate3A = tpu.concatenate %get3A_4, %add3A in 1 : vector<256x128xf32>, vector<256x128xf32> -> vector<256x256xf32>
    %dot_general3A = arith.constant dense<0.000000e+00> : vector<2048x256xf32>
    %dot_general3A_15 = tpu.matmul %get3A_1, %concatenate3A, %dot_general3A {dimension_numbers = #tpu.dot_dimension_numbers<[1], [0], [0], [1], [0, 0, 1, 1], [], []>, transpose_lhs_hint = false} : vector<2048x256xf32>, vector<256x256xf32>, vector<2048x256xf32> -> vector<2048x256xf32>
    %slice3A = vector.extract_strided_slice %dot_general3A_15 {offsets = [0, 0], sizes = [2048, 128], strides = [1, 1]} : vector<2048x256xf32> to vector<2048x128xf32>
    %get3A_16 = arith.constant 0 : index
    %get3A_17 = arith.constant 0 : index
    %get3A_18 = vector.load %arg5[%get3A_16, %get3A_17] : memref<2048x128xf32, #tpu.memory_space<vmem>>, vector<2048x128xf32>
    %mul3A = arith.mulf %slice3A, %get3A_18 : vector<2048x128xf32>
    %slice3A_19 = vector.extract_strided_slice %dot_general3A_15 {offsets = [0, 128], sizes = [2048, 128], strides = [1, 1]} : vector<2048x256xf32> to vector<2048x128xf32>
    %get3A_20 = arith.constant 0 : index
    %get3A_21 = arith.constant 0 : index
    %get3A_22 = vector.load %arg5[%get3A_20, %get3A_21] : memref<2048x128xf32, #tpu.memory_space<vmem>>, vector<2048x128xf32>
    %mul3A_23 = arith.mulf %slice3A_19, %get3A_22 : vector<2048x128xf32>
    %mul3A_24 = arith.constant 4 : i32
    %mul3A_25 = arith.muli %arg0, %mul3A_24 : i32
    %add3A_26 = arith.constant 0 : i32
    %add3A_27 = arith.addi %mul3A_25, %add3A_26 : i32
    %get3A_28 = arith.constant 0 : index
    %get3A_29 = arith.index_cast %add3A_27 : i32 to index
    %get3A_30 = arith.constant 0 : index
    %get3A_31 = vector.load %arg3[%get3A_28, %get3A_29, %get3A_30] : memref<2x16x2048xf32, #tpu.memory_space<vmem>>, vector<1x1x2048xf32>
    %get3A_32 = vector.shape_cast %get3A_31 : vector<1x1x2048xf32> to vector<1x2048xf32>
    %mul3A_33 = arith.constant 4 : i32
    %mul3A_34 = arith.muli %arg0, %mul3A_33 : i32
    %add3A_35 = arith.constant 0 : i32
    %add3A_36 = arith.addi %mul3A_34, %add3A_35 : i32
    %get3A_37 = arith.constant 1 : index
    %get3A_38 = arith.index_cast %add3A_36 : i32 to index
    %get3A_39 = arith.constant 0 : index
    %get3A_40 = vector.load %arg3[%get3A_37, %get3A_38, %get3A_39] : memref<2x16x2048xf32, #tpu.memory_space<vmem>>, vector<1x1x2048xf32>
    %get3A_41 = vector.shape_cast %get3A_40 : vector<1x1x2048xf32> to vector<1x2048xf32>
    %add3A_42 = arith.addf %get3A_32, %get3A_41 : vector<1x2048xf32>
    %max3A = arith.constant 1.000000e+00 : f32
    %max3A_43 = vector.broadcast %max3A : f32 to vector<1x2048xf32>
    %max3A_44 = arith.maximumf %add3A_42, %max3A_43 : vector<1x2048xf32>
    %div3A = arith.constant 1.000000e+00 : f32
    %div3A_45 = vector.broadcast %div3A : f32 to vector<1x2048xf32>
    %div3A_46 = arith.divf %div3A_45, %max3A_44 : vector<1x2048xf32>
    %gt3A = arith.constant 0.000000e+00 : f32
    %gt3A_47 = vector.broadcast %gt3A : f32 to vector<1x2048xf32>
    %gt3A_48 = arith.cmpf ogt, %add3A_42, %gt3A_47 : vector<1x2048xf32>
    %convert_element_type3A = arith.extui %gt3A_48 : vector<1x2048xi1> to vector<1x2048xi32>
    %convert_element_type3A_49 = arith.sitofp %convert_element_type3A : vector<1x2048xi32> to vector<1x2048xf32>
    %transpose3A = tpu.transpose %div3A_46, [1, 0] : vector<1x2048xf32> -> vector<2048x1xf32>
    %transpose3A_50 = tpu.transpose %convert_element_type3A_49, [1, 0] : vector<1x2048xf32> -> vector<2048x1xf32>
    %mul3A_51 = vector.broadcast %transpose3A : vector<2048x1xf32> to vector<2048x128xf32>
    %mul3A_52 = arith.mulf %mul3A_23, %mul3A_51 : vector<2048x128xf32>
    %mul3A_53 = vector.broadcast %transpose3A_50 : vector<2048x1xf32> to vector<2048x128xf32>
    %mul3A_54 = arith.mulf %mul3A, %mul3A_53 : vector<2048x128xf32>
    %sub3A = arith.subf %mul3A_52, %mul3A_54 : vector<2048x128xf32>
    %get3A_55 = arith.constant 0 : index
    %get3A_56 = arith.constant 0 : index
    %get3A_57 = vector.load %arg6[%get3A_55, %get3A_56] : memref<128x16xf32, #tpu.memory_space<vmem>>, vector<128x16xf32>
    %dot_general3A_58 = arith.constant dense<0.000000e+00> : vector<2048x16xf32>
    %dot_general3A_59 = tpu.matmul %mul3A, %get3A_57, %dot_general3A_58 {dimension_numbers = #tpu.dot_dimension_numbers<[1], [0], [0], [1], [0, 0, 1, 1], [], []>, transpose_lhs_hint = false} : vector<2048x128xf32>, vector<128x16xf32>, vector<2048x16xf32> -> vector<2048x16xf32>
    %get3A_60 = arith.constant 0 : index
    %get3A_61 = arith.constant 0 : index
    %get3A_62 = vector.load %arg7[%get3A_60, %get3A_61] : memref<128x256xf32, #tpu.memory_space<vmem>>, vector<128x256xf32>
    %dot_general3A_63 = arith.constant dense<0.000000e+00> : vector<2048x256xf32>
    %dot_general3A_64 = tpu.matmul %sub3A, %get3A_62, %dot_general3A_63 {dimension_numbers = #tpu.dot_dimension_numbers<[1], [0], [0], [1], [0, 0, 1, 1], [], []>, transpose_lhs_hint = false} : vector<2048x128xf32>, vector<128x256xf32>, vector<2048x256xf32> -> vector<2048x256xf32>
    %get3A_65 = arith.constant 0 : index
    %get3A_66 = arith.constant 0 : index
    %get3A_67 = vector.load %arg8[%get3A_65, %get3A_66] : memref<128x512xf32, #tpu.memory_space<vmem>>, vector<128x512xf32>
    %dot_general3A_68 = arith.constant dense<0.000000e+00> : vector<2048x512xf32>
    %dot_general3A_69 = tpu.matmul %mul3A, %get3A_67, %dot_general3A_68 {dimension_numbers = #tpu.dot_dimension_numbers<[1], [0], [0], [1], [0, 0, 1, 1], [], []>, transpose_lhs_hint = false} : vector<2048x128xf32>, vector<128x512xf32>, vector<2048x512xf32> -> vector<2048x512xf32>
    %slice3A_70 = vector.extract_strided_slice %dot_general3A_69 {offsets = [0, 0], sizes = [2048, 256], strides = [1, 1]} : vector<2048x512xf32> to vector<2048x256xf32>
    %slice3A_71 = vector.extract_strided_slice %dot_general3A_69 {offsets = [0, 256], sizes = [2048, 256], strides = [1, 1]} : vector<2048x512xf32> to vector<2048x256xf32>
    %mul3A_72 = arith.mulf %dot_general3A_64, %slice3A_70 : vector<2048x256xf32>
    %get3A_73 = arith.constant 0 : index
    %get3A_74 = arith.constant 0 : index
    %get3A_75 = vector.load %arg9[%get3A_73, %get3A_74] : memref<256x32xf32, #tpu.memory_space<vmem>>, vector<256x32xf32>
    %dot_general3A_76 = arith.constant dense<0.000000e+00> : vector<2048x32xf32>
    %dot_general3A_77 = tpu.matmul %mul3A_72, %get3A_75, %dot_general3A_76 {dimension_numbers = #tpu.dot_dimension_numbers<[1], [0], [0], [1], [0, 0, 1, 1], [], []>, transpose_lhs_hint = false} : vector<2048x256xf32>, vector<256x32xf32>, vector<2048x32xf32> -> vector<2048x32xf32>
    %get3A_78 = arith.constant 0 : index
    %get3A_79 = arith.constant 0 : index
    %get3A_80 = vector.load %arg11[%get3A_78, %get3A_79] : memref<16x32xf32, #tpu.memory_space<vmem>>, vector<16x32xf32>
    %dot_general3A_81 = arith.constant dense<0.000000e+00> : vector<2048x32xf32>
    %dot_general3A_82 = tpu.matmul %dot_general3A_59, %get3A_80, %dot_general3A_81 {dimension_numbers = #tpu.dot_dimension_numbers<[1], [0], [0], [1], [0, 0, 1, 1], [], []>, transpose_lhs_hint = false} : vector<2048x16xf32>, vector<16x32xf32>, vector<2048x32xf32> -> vector<2048x32xf32>
    %mul3A_83 = vector.broadcast %transpose3A_50 : vector<2048x1xf32> to vector<2048x32xf32>
    %mul3A_84 = arith.mulf %mul3A_83, %dot_general3A_82 : vector<2048x32xf32>
    %add3A_85 = arith.addf %dot_general3A_77, %mul3A_84 : vector<2048x32xf32>
    %mul3A_86 = arith.mulf %slice3A_71, %slice3A_70 : vector<2048x256xf32>
    %get3A_87 = arith.constant 0 : index
    %get3A_88 = arith.constant 0 : index
    %get3A_89 = vector.load %arg10[%get3A_87, %get3A_88] : memref<256x32xf32, #tpu.memory_space<vmem>>, vector<256x32xf32>
    %dot_general3A_90 = arith.constant dense<0.000000e+00> : vector<2048x32xf32>
    %dot_general3A_91 = tpu.matmul %mul3A_86, %get3A_89, %dot_general3A_90 {dimension_numbers = #tpu.dot_dimension_numbers<[1], [0], [0], [1], [0, 0, 1, 1], [], []>, transpose_lhs_hint = false} : vector<2048x256xf32>, vector<256x32xf32>, vector<2048x32xf32> -> vector<2048x32xf32>
    %get3A_92 = arith.constant 0 : index
    %get3A_93 = arith.constant 0 : index
    %get3A_94 = vector.load %arg12[%get3A_92, %get3A_93] : memref<16x32xf32, #tpu.memory_space<vmem>>, vector<16x32xf32>
    %dot_general3A_95 = arith.constant dense<0.000000e+00> : vector<2048x32xf32>
    %dot_general3A_96 = tpu.matmul %dot_general3A_59, %get3A_94, %dot_general3A_95 {dimension_numbers = #tpu.dot_dimension_numbers<[1], [0], [0], [1], [0, 0, 1, 1], [], []>, transpose_lhs_hint = false} : vector<2048x16xf32>, vector<16x32xf32>, vector<2048x32xf32> -> vector<2048x32xf32>
    %add3A_97 = arith.addf %dot_general3A_91, %dot_general3A_96 : vector<2048x32xf32>
    %get3A_98 = arith.constant 0 : index
    %get3A_99 = arith.constant 0 : index
    %get3A_100 = vector.load %arg13[%get3A_98, %get3A_99] : memref<1x32xf32, #tpu.memory_space<vmem>>, vector<1x32xf32>
    %mul3A_101 = vector.broadcast %get3A_100 : vector<1x32xf32> to vector<2048x32xf32>
    %mul3A_102 = arith.mulf %add3A_85, %mul3A_101 : vector<2048x32xf32>
    %reduce_sum3A = arith.constant dense<0.000000e+00> : vector<2048xf32>
    %reduce_sum3A_103 = vector.multi_reduction <add>, %mul3A_102, %reduce_sum3A [1] : vector<2048x32xf32> to vector<2048xf32>
    %broadcast_in_dim3A = vector.shape_cast %reduce_sum3A_103 : vector<2048xf32> to vector<2048x1xf32>
    %get3A_104 = arith.constant 0 : index
    %get3A_105 = arith.constant 0 : index
    %get3A_106 = vector.load %arg14[%get3A_104, %get3A_105] : memref<1x1xf32, #tpu.memory_space<vmem>>, vector<1x1xf32>
    %get3A_107 = vector.extract %get3A_106[0, 0] : f32 from vector<1x1xf32>
    %add3A_108 = vector.broadcast %get3A_107 : f32 to vector<2048x1xf32>
    %add3A_109 = arith.addf %broadcast_in_dim3A, %add3A_108 : vector<2048x1xf32>
    %mul3A_110 = vector.broadcast %add3A_109 : vector<2048x1xf32> to vector<2048x32xf32>
    %mul3A_111 = arith.mulf %add3A_85, %mul3A_110 : vector<2048x32xf32>
    %add3A_112 = arith.addf %mul3A_111, %add3A_97 : vector<2048x32xf32>
    %get3A_113 = arith.constant 0 : index
    %get3A_114 = arith.constant 0 : index
    %get3A_115 = vector.load %arg15[%get3A_113, %get3A_114] : memref<1x32xf32, #tpu.memory_space<vmem>>, vector<1x32xf32>
    %add3A_116 = vector.broadcast %get3A_115 : vector<1x32xf32> to vector<2048x32xf32>
    %add3A_117 = arith.addf %add3A_112, %add3A_116 : vector<2048x32xf32>
    %logistic3A = arith.negf %add3A_117 : vector<2048x32xf32>
    %logistic3A_118 = math.exp %logistic3A : vector<2048x32xf32>
    %logistic3A_119 = arith.constant 1.000000e+00 : f32
    %logistic3A_120 = vector.broadcast %logistic3A_119 : f32 to vector<2048x32xf32>
    %logistic3A_121 = arith.addf %logistic3A_120, %logistic3A_118 : vector<2048x32xf32>
    %logistic3A_122 = arith.divf %logistic3A_120, %logistic3A_121 : vector<2048x32xf32>
    %reduce_sum3A_123 = arith.constant dense<0.000000e+00> : vector<32xf32>
    %reduce_sum3A_124 = vector.multi_reduction <add>, %logistic3A_122, %reduce_sum3A_123 [0] : vector<2048x32xf32> to vector<32xf32>
    %broadcast_in_dim3A_125 = vector.shape_cast %reduce_sum3A_124 : vector<32xf32> to vector<1x32xf32>
    %mul3A_126 = arith.constant 4.8828125E-4 : f32
    %mul3A_127 = vector.broadcast %mul3A_126 : f32 to vector<1x32xf32>
    %mul3A_128 = arith.mulf %broadcast_in_dim3A_125, %mul3A_127 : vector<1x32xf32>
    %reduce_sum3A_129 = arith.constant dense<0.000000e+00> : vector<16xf32>
    %reduce_sum3A_130 = vector.multi_reduction <add>, %dot_general3A_59, %reduce_sum3A_129 [0] : vector<2048x16xf32> to vector<16xf32>
    %broadcast_in_dim3A_131 = vector.shape_cast %reduce_sum3A_130 : vector<16xf32> to vector<1x16xf32>
    %mul3A_132 = arith.constant 4.8828125E-4 : f32
    %mul3A_133 = vector.broadcast %mul3A_132 : f32 to vector<1x16xf32>
    %mul3A_134 = arith.mulf %broadcast_in_dim3A_131, %mul3A_133 : vector<1x16xf32>
    %broadcast_in_dim3A_135 = arith.constant 0.000000e+00 : f32
    %broadcast_in_dim3A_136 = vector.broadcast %broadcast_in_dim3A_135 : f32 to vector<1x16xf32>
    %concatenate3A_137 = tpu.concatenate %mul3A_134, %broadcast_in_dim3A_136 in 1 : vector<1x16xf32>, vector<1x16xf32> -> vector<1x32xf32>
    %get3A_138 = arith.constant 0 : index
    %get3A_139 = arith.constant 0 : index
    %get3A_140 = vector.load %arg16[%get3A_138, %get3A_139] : memref<32x32xf32, #tpu.memory_space<vmem>>, vector<32x32xf32>
    %dot_general3A_141 = arith.constant dense<0.000000e+00> : vector<1x32xf32>
    %dot_general3A_142 = tpu.matmul %concatenate3A_137, %get3A_140, %dot_general3A_141 {dimension_numbers = #tpu.dot_dimension_numbers<[1], [0], [0], [1], [0, 0, 1, 1], [], []>, transpose_lhs_hint = false} : vector<1x32xf32>, vector<32x32xf32>, vector<1x32xf32> -> vector<1x32xf32>
    %get3A_143 = arith.constant 0 : index
    %get3A_144 = arith.constant 0 : index
    %get3A_145 = vector.load %arg17[%get3A_143, %get3A_144] : memref<1x32xf32, #tpu.memory_space<vmem>>, vector<1x32xf32>
    %add3A_146 = arith.addf %dot_general3A_142, %get3A_145 : vector<1x32xf32>
    %get3A_147 = arith.constant 0 : index
    %get3A_148 = arith.constant 0 : index
    %get3A_149 = vector.load %arg18[%get3A_147, %get3A_148] : memref<32x32xf32, #tpu.memory_space<vmem>>, vector<32x32xf32>
    %dot_general3A_150 = arith.constant dense<0.000000e+00> : vector<1x32xf32>
    %dot_general3A_151 = tpu.matmul %mul3A_128, %get3A_149, %dot_general3A_150 {dimension_numbers = #tpu.dot_dimension_numbers<[1], [0], [0], [1], [0, 0, 1, 1], [], []>, transpose_lhs_hint = false} : vector<1x32xf32>, vector<32x32xf32>, vector<1x32xf32> -> vector<1x32xf32>
    %get3A_152 = arith.constant 0 : index
    %get3A_153 = arith.constant 0 : index
    %get3A_154 = vector.load %arg19[%get3A_152, %get3A_153] : memref<1x32xf32, #tpu.memory_space<vmem>>, vector<1x32xf32>
    %add3A_155 = arith.addf %dot_general3A_151, %get3A_154 : vector<1x32xf32>
    %max3A_156 = arith.maximumf %add3A_146, %add3A_155 : vector<1x32xf32>
    %sub3A_157 = arith.subf %add3A_146, %max3A_156 : vector<1x32xf32>
    %exp3A = math.exp %sub3A_157 : vector<1x32xf32>
    %sub3A_158 = arith.subf %add3A_155, %max3A_156 : vector<1x32xf32>
    %exp3A_159 = math.exp %sub3A_158 : vector<1x32xf32>
    %add3A_160 = arith.addf %exp3A, %exp3A_159 : vector<1x32xf32>
    %div3A_161 = arith.divf %exp3A, %add3A_160 : vector<1x32xf32>
    %add3A_162 = arith.addf %exp3A, %exp3A_159 : vector<1x32xf32>
    %div3A_163 = arith.divf %exp3A_159, %add3A_162 : vector<1x32xf32>
    %transpose3A_164 = tpu.transpose %dot_general3A_59, [1, 0] : vector<2048x16xf32> -> vector<16x2048xf32>
    %broadcast_in_dim3A_165 = arith.constant 0.000000e+00 : f32
    %broadcast_in_dim3A_166 = vector.broadcast %broadcast_in_dim3A_165 : f32 to vector<16x2048xf32>
    %concatenate3A_167 = tpu.concatenate %transpose3A_164, %broadcast_in_dim3A_166 in 0 : vector<16x2048xf32>, vector<16x2048xf32> -> vector<32x2048xf32>
    %transpose3A_168 = tpu.transpose %div3A_161, [1, 0] : vector<1x32xf32> -> vector<32x1xf32>
    %mul3A_169 = vector.broadcast %transpose3A_168 : vector<32x1xf32> to vector<32x2048xf32>
    %mul3A_170 = arith.mulf %mul3A_169, %concatenate3A_167 : vector<32x2048xf32>
    %transpose3A_171 = tpu.transpose %div3A_163, [1, 0] : vector<1x32xf32> -> vector<32x1xf32>
    %transpose3A_172 = tpu.transpose %logistic3A_122, [1, 0] : vector<2048x32xf32> -> vector<32x2048xf32>
    %mul3A_173 = vector.broadcast %transpose3A_171 : vector<32x1xf32> to vector<32x2048xf32>
    %mul3A_174 = arith.mulf %mul3A_173, %transpose3A_172 : vector<32x2048xf32>
    %add3A_175 = arith.addf %mul3A_170, %mul3A_174 : vector<32x2048xf32>
    %swap3A = arith.constant 0 : index
    %swap3A_176 = arith.constant 0 : index
    %swap3A_177 = arith.constant 0 : index
    %swap3A_178 = vector.load %arg20[%swap3A, %swap3A_176, %swap3A_177] : memref<4x32x2048xf32, #tpu.memory_space<vmem>>, vector<1x32x2048xf32>
    %swap3A_179 = vector.shape_cast %swap3A_178 : vector<1x32x2048xf32> to vector<32x2048xf32>
    %swap3A_180 = vector.shape_cast %add3A_175 : vector<32x2048xf32> to vector<1x32x2048xf32>
    tpu.vector_store %arg20[%swap3A, %swap3A_176, %swap3A_177], %swap3A_180 {strides = array<i32>} : memref<4x32x2048xf32, #tpu.memory_space<vmem>>, vector<1x32x2048xf32>,
    %get3A_181 = arith.constant 0 : index
    %get3A_182 = arith.constant 0 : index
    %get3A_183 = vector.load %arg4[%get3A_181, %get3A_182] : memref<2048x256xf32, #tpu.memory_space<vmem>>, vector<2048x256xf32>
    %get3A_184 = arith.constant 256 : index
    %get3A_185 = arith.constant 0 : index
    %get3A_186 = vector.load %arg1[%get3A_184, %get3A_185] : memref<1024x128xf32, #tpu.memory_space<vmem>>, vector<256x128xf32>
    %get3A_187 = arith.constant 0 : index
    %get3A_188 = arith.constant 256 : index
    %get3A_189 = arith.constant 0 : index
    %get3A_190 = vector.load %arg2[%get3A_187, %get3A_188, %get3A_189] : memref<2x1024x128xf32, #tpu.memory_space<vmem>>, vector<1x256x128xf32>
    %get3A_191 = vector.shape_cast %get3A_190 : vector<1x256x128xf32> to vector<256x128xf32>
    %get3A_192 = arith.constant 1 : index
    %get3A_193 = arith.constant 256 : index
    %get3A_194 = arith.constant 0 : index
    %get3A_195 = vector.load %arg2[%get3A_192, %get3A_193, %get3A_194] : memref<2x1024x128xf32, #tpu.memory_space<vmem>>, vector<1x256x128xf32>
    %get3A_196 = vector.shape_cast %get3A_195 : vector<1x256x128xf32> to vector<256x128xf32>
    %add3A_197 = arith.addf %get3A_191, %get3A_196 : vector<256x128xf32>
    %concatenate3A_198 = tpu.concatenate %get3A_186, %add3A_197 in 1 : vector<256x128xf32>, vector<256x128xf32> -> vector<256x256xf32>
    %dot_general3A_199 = arith.constant dense<0.000000e+00> : vector<2048x256xf32>
    %dot_general3A_200 = tpu.matmul %get3A_183, %concatenate3A_198, %dot_general3A_199 {dimension_numbers = #tpu.dot_dimension_numbers<[1], [0], [0], [1], [0, 0, 1, 1], [], []>, transpose_lhs_hint = false} : vector<2048x256xf32>, vector<256x256xf32>, vector<2048x256xf32> -> vector<2048x256xf32>
    %slice3A_201 = vector.extract_strided_slice %dot_general3A_200 {offsets = [0, 0], sizes = [2048, 128], strides = [1, 1]} : vector<2048x256xf32> to vector<2048x128xf32>
    %get3A_202 = arith.constant 0 : index
    %get3A_203 = arith.constant 0 : index
    %get3A_204 = vector.load %arg5[%get3A_202, %get3A_203] : memref<2048x128xf32, #tpu.memory_space<vmem>>, vector<2048x128xf32>
    %mul3A_205 = arith.mulf %slice3A_201, %get3A_204 : vector<2048x128xf32>
    %slice3A_206 = vector.extract_strided_slice %dot_general3A_200 {offsets = [0, 128], sizes = [2048, 128], strides = [1, 1]} : vector<2048x256xf32> to vector<2048x128xf32>
    %get3A_207 = arith.constant 0 : index
    %get3A_208 = arith.constant 0 : index
    %get3A_209 = vector.load %arg5[%get3A_207, %get3A_208] : memref<2048x128xf32, #tpu.memory_space<vmem>>, vector<2048x128xf32>
    %mul3A_210 = arith.mulf %slice3A_206, %get3A_209 : vector<2048x128xf32>
    %mul3A_211 = arith.constant 4 : i32
    %mul3A_212 = arith.muli %arg0, %mul3A_211 : i32
    %add3A_213 = arith.constant 1 : i32
    %add3A_214 = arith.addi %mul3A_212, %add3A_213 : i32
    %get3A_215 = arith.constant 0 : index
    %get3A_216 = arith.index_cast %add3A_214 : i32 to index
    %get3A_217 = arith.constant 0 : index
    %get3A_218 = vector.load %arg3[%get3A_215, %get3A_216, %get3A_217] : memref<2x16x2048xf32, #tpu.memory_space<vmem>>, vector<1x1x2048xf32>
    %get3A_219 = vector.shape_cast %get3A_218 : vector<1x1x2048xf32> to vector<1x2048xf32>
    %mul3A_220 = arith.constant 4 : i32
    %mul3A_221 = arith.muli %arg0, %mul3A_220 : i32
    %add3A_222 = arith.constant 1 : i32
    %add3A_223 = arith.addi %mul3A_221, %add3A_222 : i32
    %get3A_224 = arith.constant 1 : index
    %get3A_225 = arith.index_cast %add3A_223 : i32 to index
    %get3A_226 = arith.constant 0 : index
    %get3A_227 = vector.load %arg3[%get3A_224, %get3A_225, %get3A_226] : memref<2x16x2048xf32, #tpu.memory_space<vmem>>, vector<1x1x2048xf32>
    %get3A_228 = vector.shape_cast %get3A_227 : vector<1x1x2048xf32> to vector<1x2048xf32>
    %add3A_229 = arith.addf %get3A_219, %get3A_228 : vector<1x2048xf32>
    %max3A_230 = arith.constant 1.000000e+00 : f32
    %max3A_231 = vector.broadcast %max3A_230 : f32 to vector<1x2048xf32>
    %max3A_232 = arith.maximumf %add3A_229, %max3A_231 : vector<1x2048xf32>
    %div3A_233 = arith.constant 1.000000e+00 : f32
    %div3A_234 = vector.broadcast %div3A_233 : f32 to vector<1x2048xf32>
    %div3A_235 = arith.divf %div3A_234, %max3A_232 : vector<1x2048xf32>
    %gt3A_236 = arith.constant 0.000000e+00 : f32
    %gt3A_237 = vector.broadcast %gt3A_236 : f32 to vector<1x2048xf32>
    %gt3A_238 = arith.cmpf ogt, %add3A_229, %gt3A_237 : vector<1x2048xf32>
    %convert_element_type3A_239 = arith.extui %gt3A_238 : vector<1x2048xi1> to vector<1x2048xi32>
    %convert_element_type3A_240 = arith.sitofp %convert_element_type3A_239 : vector<1x2048xi32> to vector<1x2048xf32>
    %transpose3A_241 = tpu.transpose %div3A_235, [1, 0] : vector<1x2048xf32> -> vector<2048x1xf32>
    %transpose3A_242 = tpu.transpose %convert_element_type3A_240, [1, 0] : vector<1x2048xf32> -> vector<2048x1xf32>
    %mul3A_243 = vector.broadcast %transpose3A_241 : vector<2048x1xf32> to vector<2048x128xf32>
    %mul3A_244 = arith.mulf %mul3A_210, %mul3A_243 : vector<2048x128xf32>
    %mul3A_245 = vector.broadcast %transpose3A_242 : vector<2048x1xf32> to vector<2048x128xf32>
    %mul3A_246 = arith.mulf %mul3A_205, %mul3A_245 : vector<2048x128xf32>
    %sub3A_247 = arith.subf %mul3A_244, %mul3A_246 : vector<2048x128xf32>
    %get3A_248 = arith.constant 0 : index
    %get3A_249 = arith.constant 0 : index
    %get3A_250 = vector.load %arg6[%get3A_248, %get3A_249] : memref<128x16xf32, #tpu.memory_space<vmem>>, vector<128x16xf32>
    %dot_general3A_251 = arith.constant dense<0.000000e+00> : vector<2048x16xf32>
    %dot_general3A_252 = tpu.matmul %mul3A_205, %get3A_250, %dot_general3A_251 {dimension_numbers = #tpu.dot_dimension_numbers<[1], [0], [0], [1], [0, 0, 1, 1], [], []>, transpose_lhs_hint = false} : vector<2048x128xf32>, vector<128x16xf32>, vector<2048x16xf32> -> vector<2048x16xf32>
    %get3A_253 = arith.constant 0 : index
    %get3A_254 = arith.constant 0 : index
    %get3A_255 = vector.load %arg7[%get3A_253, %get3A_254] : memref<128x256xf32, #tpu.memory_space<vmem>>, vector<128x256xf32>
    %dot_general3A_256 = arith.constant dense<0.000000e+00> : vector<2048x256xf32>
    %dot_general3A_257 = tpu.matmul %sub3A_247, %get3A_255, %dot_general3A_256 {dimension_numbers = #tpu.dot_dimension_numbers<[1], [0], [0], [1], [0, 0, 1, 1], [], []>, transpose_lhs_hint = false} : vector<2048x128xf32>, vector<128x256xf32>, vector<2048x256xf32> -> vector<2048x256xf32>
    %get3A_258 = arith.constant 0 : index
    %get3A_259 = arith.constant 0 : index
    %get3A_260 = vector.load %arg8[%get3A_258, %get3A_259] : memref<128x512xf32, #tpu.memory_space<vmem>>, vector<128x512xf32>
    %dot_general3A_261 = arith.constant dense<0.000000e+00> : vector<2048x512xf32>
    %dot_general3A_262 = tpu.matmul %mul3A_205, %get3A_260, %dot_general3A_261 {dimension_numbers = #tpu.dot_dimension_numbers<[1], [0], [0], [1], [0, 0, 1, 1], [], []>, transpose_lhs_hint = false} : vector<2048x128xf32>, vector<128x512xf32>, vector<2048x512xf32> -> vector<2048x512xf32>
    %slice3A_263 = vector.extract_strided_slice %dot_general3A_262 {offsets = [0, 0], sizes = [2048, 256], strides = [1, 1]} : vector<2048x512xf32> to vector<2048x256xf32>
    %slice3A_264 = vector.extract_strided_slice %dot_general3A_262 {offsets = [0, 256], sizes = [2048, 256], strides = [1, 1]} : vector<2048x512xf32> to vector<2048x256xf32>
    %mul3A_265 = arith.mulf %dot_general3A_257, %slice3A_263 : vector<2048x256xf32>
    %get3A_266 = arith.constant 0 : index
    %get3A_267 = arith.constant 0 : index
    %get3A_268 = vector.load %arg9[%get3A_266, %get3A_267] : memref<256x32xf32, #tpu.memory_space<vmem>>, vector<256x32xf32>
    %dot_general3A_269 = arith.constant dense<0.000000e+00> : vector<2048x32xf32>
    %dot_general3A_270 = tpu.matmul %mul3A_265, %get3A_268, %dot_general3A_269 {dimension_numbers = #tpu.dot_dimension_numbers<[1], [0], [0], [1], [0, 0, 1, 1], [], []>, transpose_lhs_hint = false} : vector<2048x256xf32>, vector<256x32xf32>, vector<2048x32xf32> -> vector<2048x32xf32>
    %get3A_271 = arith.constant 0 : index
    %get3A_272 = arith.constant 0 : index
    %get3A_273 = vector.load %arg11[%get3A_271, %get3A_272] : memref<16x32xf32, #tpu.memory_space<vmem>>, vector<16x32xf32>
    %dot_general3A_274 = arith.constant dense<0.000000e+00> : vector<2048x32xf32>
    %dot_general3A_275 = tpu.matmul %dot_general3A_252, %get3A_273, %dot_general3A_274 {dimension_numbers = #tpu.dot_dimension_numbers<[1], [0], [0], [1], [0, 0, 1, 1], [], []>, transpose_lhs_hint = false} : vector<2048x16xf32>, vector<16x32xf32>, vector<2048x32xf32> -> vector<2048x32xf32>
    %mul3A_276 = vector.broadcast %transpose3A_242 : vector<2048x1xf32> to vector<2048x32xf32>
    %mul3A_277 = arith.mulf %mul3A_276, %dot_general3A_275 : vector<2048x32xf32>
    %add3A_278 = arith.addf %dot_general3A_270, %mul3A_277 : vector<2048x32xf32>
    %mul3A_279 = arith.mulf %slice3A_264, %slice3A_263 : vector<2048x256xf32>
    %get3A_280 = arith.constant 0 : index
    %get3A_281 = arith.constant 0 : index
    %get3A_282 = vector.load %arg10[%get3A_280, %get3A_281] : memref<256x32xf32, #tpu.memory_space<vmem>>, vector<256x32xf32>
    %dot_general3A_283 = arith.constant dense<0.000000e+00> : vector<2048x32xf32>
    %dot_general3A_284 = tpu.matmul %mul3A_279, %get3A_282, %dot_general3A_283 {dimension_numbers = #tpu.dot_dimension_numbers<[1], [0], [0], [1], [0, 0, 1, 1], [], []>, transpose_lhs_hint = false} : vector<2048x256xf32>, vector<256x32xf32>, vector<2048x32xf32> -> vector<2048x32xf32>
    %get3A_285 = arith.constant 0 : index
    %get3A_286 = arith.constant 0 : index
    %get3A_287 = vector.load %arg12[%get3A_285, %get3A_286] : memref<16x32xf32, #tpu.memory_space<vmem>>, vector<16x32xf32>
    %dot_general3A_288 = arith.constant dense<0.000000e+00> : vector<2048x32xf32>
    %dot_general3A_289 = tpu.matmul %dot_general3A_252, %get3A_287, %dot_general3A_288 {dimension_numbers = #tpu.dot_dimension_numbers<[1], [0], [0], [1], [0, 0, 1, 1], [], []>, transpose_lhs_hint = false} : vector<2048x16xf32>, vector<16x32xf32>, vector<2048x32xf32> -> vector<2048x32xf32>
    %add3A_290 = arith.addf %dot_general3A_284, %dot_general3A_289 : vector<2048x32xf32>
    %get3A_291 = arith.constant 0 : index
    %get3A_292 = arith.constant 0 : index
    %get3A_293 = vector.load %arg13[%get3A_291, %get3A_292] : memref<1x32xf32, #tpu.memory_space<vmem>>, vector<1x32xf32>
    %mul3A_294 = vector.broadcast %get3A_293 : vector<1x32xf32> to vector<2048x32xf32>
    %mul3A_295 = arith.mulf %add3A_278, %mul3A_294 : vector<2048x32xf32>
    %reduce_sum3A_296 = arith.constant dense<0.000000e+00> : vector<2048xf32>
    %reduce_sum3A_297 = vector.multi_reduction <add>, %mul3A_295, %reduce_sum3A_296 [1] : vector<2048x32xf32> to vector<2048xf32>
    %broadcast_in_dim3A_298 = vector.shape_cast %reduce_sum3A_297 : vector<2048xf32> to vector<2048x1xf32>
    %get3A_299 = arith.constant 0 : index
    %get3A_300 = arith.constant 0 : index
    %get3A_301 = vector.load %arg14[%get3A_299, %get3A_300] : memref<1x1xf32, #tpu.memory_space<vmem>>, vector<1x1xf32>
    %get3A_302 = vector.extract %get3A_301[0, 0] : f32 from vector<1x1xf32>
    %add3A_303 = vector.broadcast %get3A_302 : f32 to vector<2048x1xf32>
    %add3A_304 = arith.addf %broadcast_in_dim3A_298, %add3A_303 : vector<2048x1xf32>
    %mul3A_305 = vector.broadcast %add3A_304 : vector<2048x1xf32> to vector<2048x32xf32>
    %mul3A_306 = arith.mulf %add3A_278, %mul3A_305 : vector<2048x32xf32>
    %add3A_307 = arith.addf %mul3A_306, %add3A_290 : vector<2048x32xf32>
    %get3A_308 = arith.constant 0 : index
    %get3A_309 = arith.constant 0 : index
    %get3A_310 = vector.load %arg15[%get3A_308, %get3A_309] : memref<1x32xf32, #tpu.memory_space<vmem>>, vector<1x32xf32>
    %add3A_311 = vector.broadcast %get3A_310 : vector<1x32xf32> to vector<2048x32xf32>
    %add3A_312 = arith.addf %add3A_307, %add3A_311 : vector<2048x32xf32>
    %logistic3A_313 = arith.negf %add3A_312 : vector<2048x32xf32>
    %logistic3A_314 = math.exp %logistic3A_313 : vector<2048x32xf32>
    %logistic3A_315 = arith.constant 1.000000e+00 : f32
    %logistic3A_316 = vector.broadcast %logistic3A_315 : f32 to vector<2048x32xf32>
    %logistic3A_317 = arith.addf %logistic3A_316, %logistic3A_314 : vector<2048x32xf32>
    %logistic3A_318 = arith.divf %logistic3A_316, %logistic3A_317 : vector<2048x32xf32>
    %reduce_sum3A_319 = arith.constant dense<0.000000e+00> : vector<32xf32>
    %reduce_sum3A_320 = vector.multi_reduction <add>, %logistic3A_318, %reduce_sum3A_319 [0] : vector<2048x32xf32> to vector<32xf32>
    %broadcast_in_dim3A_321 = vector.shape_cast %reduce_sum3A_320 : vector<32xf32> to vector<1x32xf32>
    %mul3A_322 = arith.constant 4.8828125E-4 : f32
    %mul3A_323 = vector.broadcast %mul3A_322 : f32 to vector<1x32xf32>
    %mul3A_324 = arith.mulf %broadcast_in_dim3A_321, %mul3A_323 : vector<1x32xf32>
    %reduce_sum3A_325 = arith.constant dense<0.000000e+00> : vector<16xf32>
    %reduce_sum3A_326 = vector.multi_reduction <add>, %dot_general3A_252, %reduce_sum3A_325 [0] : vector<2048x16xf32> to vector<16xf32>
    %broadcast_in_dim3A_327 = vector.shape_cast %reduce_sum3A_326 : vector<16xf32> to vector<1x16xf32>
    %mul3A_328 = arith.constant 4.8828125E-4 : f32
    %mul3A_329 = vector.broadcast %mul3A_328 : f32 to vector<1x16xf32>
    %mul3A_330 = arith.mulf %broadcast_in_dim3A_327, %mul3A_329 : vector<1x16xf32>
    %broadcast_in_dim3A_331 = arith.constant 0.000000e+00 : f32
    %broadcast_in_dim3A_332 = vector.broadcast %broadcast_in_dim3A_331 : f32 to vector<1x16xf32>
    %concatenate3A_333 = tpu.concatenate %mul3A_330, %broadcast_in_dim3A_332 in 1 : vector<1x16xf32>, vector<1x16xf32> -> vector<1x32xf32>
    %get3A_334 = arith.constant 0 : index
    %get3A_335 = arith.constant 0 : index
    %get3A_336 = vector.load %arg16[%get3A_334, %get3A_335] : memref<32x32xf32, #tpu.memory_space<vmem>>, vector<32x32xf32>
    %dot_general3A_337 = arith.constant dense<0.000000e+00> : vector<1x32xf32>
    %dot_general3A_338 = tpu.matmul %concatenate3A_333, %get3A_336, %dot_general3A_337 {dimension_numbers = #tpu.dot_dimension_numbers<[1], [0], [0], [1], [0, 0, 1, 1], [], []>, transpose_lhs_hint = false} : vector<1x32xf32>, vector<32x32xf32>, vector<1x32xf32> -> vector<1x32xf32>
    %get3A_339 = arith.constant 0 : index
    %get3A_340 = arith.constant 0 : index
    %get3A_341 = vector.load %arg17[%get3A_339, %get3A_340] : memref<1x32xf32, #tpu.memory_space<vmem>>, vector<1x32xf32>
    %add3A_342 = arith.addf %dot_general3A_338, %get3A_341 : vector<1x32xf32>
    %get3A_343 = arith.constant 0 : index
    %get3A_344 = arith.constant 0 : index
    %get3A_345 = vector.load %arg18[%get3A_343, %get3A_344] : memref<32x32xf32, #tpu.memory_space<vmem>>, vector<32x32xf32>
    %dot_general3A_346 = arith.constant dense<0.000000e+00> : vector<1x32xf32>
    %dot_general3A_347 = tpu.matmul %mul3A_324, %get3A_345, %dot_general3A_346 {dimension_numbers = #tpu.dot_dimension_numbers<[1], [0], [0], [1], [0, 0, 1, 1], [], []>, transpose_lhs_hint = false} : vector<1x32xf32>, vector<32x32xf32>, vector<1x32xf32> -> vector<1x32xf32>
    %get3A_348 = arith.constant 0 : index
    %get3A_349 = arith.constant 0 : index
    %get3A_350 = vector.load %arg19[%get3A_348, %get3A_349] : memref<1x32xf32, #tpu.memory_space<vmem>>, vector<1x32xf32>
    %add3A_351 = arith.addf %dot_general3A_347, %get3A_350 : vector<1x32xf32>
    %max3A_352 = arith.maximumf %add3A_342, %add3A_351 : vector<1x32xf32>
    %sub3A_353 = arith.subf %add3A_342, %max3A_352 : vector<1x32xf32>
    %exp3A_354 = math.exp %sub3A_353 : vector<1x32xf32>
    %sub3A_355 = arith.subf %add3A_351, %max3A_352 : vector<1x32xf32>
    %exp3A_356 = math.exp %sub3A_355 : vector<1x32xf32>
    %add3A_357 = arith.addf %exp3A_354, %exp3A_356 : vector<1x32xf32>
    %div3A_358 = arith.divf %exp3A_354, %add3A_357 : vector<1x32xf32>
    %add3A_359 = arith.addf %exp3A_354, %exp3A_356 : vector<1x32xf32>
    %div3A_360 = arith.divf %exp3A_356, %add3A_359 : vector<1x32xf32>
    %transpose3A_361 = tpu.transpose %dot_general3A_252, [1, 0] : vector<2048x16xf32> -> vector<16x2048xf32>
    %broadcast_in_dim3A_362 = arith.constant 0.000000e+00 : f32
    %broadcast_in_dim3A_363 = vector.broadcast %broadcast_in_dim3A_362 : f32 to vector<16x2048xf32>
    %concatenate3A_364 = tpu.concatenate %transpose3A_361, %broadcast_in_dim3A_363 in 0 : vector<16x2048xf32>, vector<16x2048xf32> -> vector<32x2048xf32>
    %transpose3A_365 = tpu.transpose %div3A_358, [1, 0] : vector<1x32xf32> -> vector<32x1xf32>
    %mul3A_366 = vector.broadcast %transpose3A_365 : vector<32x1xf32> to vector<32x2048xf32>
    %mul3A_367 = arith.mulf %mul3A_366, %concatenate3A_364 : vector<32x2048xf32>
    %transpose3A_368 = tpu.transpose %div3A_360, [1, 0] : vector<1x32xf32> -> vector<32x1xf32>
    %transpose3A_369 = tpu.transpose %logistic3A_318, [1, 0] : vector<2048x32xf32> -> vector<32x2048xf32>
    %mul3A_370 = vector.broadcast %transpose3A_368 : vector<32x1xf32> to vector<32x2048xf32>
    %mul3A_371 = arith.mulf %mul3A_370, %transpose3A_369 : vector<32x2048xf32>
    %add3A_372 = arith.addf %mul3A_367, %mul3A_371 : vector<32x2048xf32>
    %swap3A_373 = arith.constant 1 : index
    %swap3A_374 = arith.constant 0 : index
    %swap3A_375 = arith.constant 0 : index
    %swap3A_376 = vector.load %arg20[%swap3A_373, %swap3A_374, %swap3A_375] : memref<4x32x2048xf32, #tpu.memory_space<vmem>>, vector<1x32x2048xf32>
    %swap3A_377 = vector.shape_cast %swap3A_376 : vector<1x32x2048xf32> to vector<32x2048xf32>
    %swap3A_378 = vector.shape_cast %add3A_372 : vector<32x2048xf32> to vector<1x32x2048xf32>
    tpu.vector_store %arg20[%swap3A_373, %swap3A_374, %swap3A_375], %swap3A_378 {strides = array<i32>} : memref<4x32x2048xf32, #tpu.memory_space<vmem>>, vector<1x32x2048xf32>,
    %get3A_379 = arith.constant 0 : index
    %get3A_380 = arith.constant 0 : index
    %get3A_381 = vector.load %arg4[%get3A_379, %get3A_380] : memref<2048x256xf32, #tpu.memory_space<vmem>>, vector<2048x256xf32>
    %get3A_382 = arith.constant 512 : index
    %get3A_383 = arith.constant 0 : index
    %get3A_384 = vector.load %arg1[%get3A_382, %get3A_383] : memref<1024x128xf32, #tpu.memory_space<vmem>>, vector<256x128xf32>
    %get3A_385 = arith.constant 0 : index
    %get3A_386 = arith.constant 512 : index
    %get3A_387 = arith.constant 0 : index
    %get3A_388 = vector.load %arg2[%get3A_385, %get3A_386, %get3A_387] : memref<2x1024x128xf32, #tpu.memory_space<vmem>>, vector<1x256x128xf32>
    %get3A_389 = vector.shape_cast %get3A_388 : vector<1x256x128xf32> to vector<256x128xf32>
    %get3A_390 = arith.constant 1 : index
    %get3A_391 = arith.constant 512 : index
    %get3A_392 = arith.constant 0 : index
    %get3A_393 = vector.load %arg2[%get3A_390, %get3A_391, %get3A_392] : memref<2x1024x128xf32, #tpu.memory_space<vmem>>, vector<1x256x128xf32>
    %get3A_394 = vector.shape_cast %get3A_393 : vector<1x256x128xf32> to vector<256x128xf32>
    %add3A_395 = arith.addf %get3A_389, %get3A_394 : vector<256x128xf32>
    %concatenate3A_396 = tpu.concatenate %get3A_384, %add3A_395 in 1 : vector<256x128xf32>, vector<256x128xf32> -> vector<256x256xf32>
    %dot_general3A_397 = arith.constant dense<0.000000e+00> : vector<2048x256xf32>
    %dot_general3A_398 = tpu.matmul %get3A_381, %concatenate3A_396, %dot_general3A_397 {dimension_numbers = #tpu.dot_dimension_numbers<[1], [0], [0], [1], [0, 0, 1, 1], [], []>, transpose_lhs_hint = false} : vector<2048x256xf32>, vector<256x256xf32>, vector<2048x256xf32> -> vector<2048x256xf32>
    %slice3A_399 = vector.extract_strided_slice %dot_general3A_398 {offsets = [0, 0], sizes = [2048, 128], strides = [1, 1]} : vector<2048x256xf32> to vector<2048x128xf32>
    %get3A_400 = arith.constant 0 : index
    %get3A_401 = arith.constant 0 : index
    %get3A_402 = vector.load %arg5[%get3A_400, %get3A_401] : memref<2048x128xf32, #tpu.memory_space<vmem>>, vector<2048x128xf32>
    %mul3A_403 = arith.mulf %slice3A_399, %get3A_402 : vector<2048x128xf32>
    %slice3A_404 = vector.extract_strided_slice %dot_general3A_398 {offsets = [0, 128], sizes = [2048, 128], strides = [1, 1]} : vector<2048x256xf32> to vector<2048x128xf32>
    %get3A_405 = arith.constant 0 : index
    %get3A_406 = arith.constant 0 : index
    %get3A_407 = vector.load %arg5[%get3A_405, %get3A_406] : memref<2048x128xf32, #tpu.memory_space<vmem>>, vector<2048x128xf32>
    %mul3A_408 = arith.mulf %slice3A_404, %get3A_407 : vector<2048x128xf32>
    %mul3A_409 = arith.constant 4 : i32
    %mul3A_410 = arith.muli %arg0, %mul3A_409 : i32
    %add3A_411 = arith.constant 2 : i32
    %add3A_412 = arith.addi %mul3A_410, %add3A_411 : i32
    %get3A_413 = arith.constant 0 : index
    %get3A_414 = arith.index_cast %add3A_412 : i32 to index
    %get3A_415 = arith.constant 0 : index
    %get3A_416 = vector.load %arg3[%get3A_413, %get3A_414, %get3A_415] : memref<2x16x2048xf32, #tpu.memory_space<vmem>>, vector<1x1x2048xf32>
    %get3A_417 = vector.shape_cast %get3A_416 : vector<1x1x2048xf32> to vector<1x2048xf32>
    %mul3A_418 = arith.constant 4 : i32
    %mul3A_419 = arith.muli %arg0, %mul3A_418 : i32
    %add3A_420 = arith.constant 2 : i32
    %add3A_421 = arith.addi %mul3A_419, %add3A_420 : i32
    %get3A_422 = arith.constant 1 : index
    %get3A_423 = arith.index_cast %add3A_421 : i32 to index
    %get3A_424 = arith.constant 0 : index
    %get3A_425 = vector.load %arg3[%get3A_422, %get3A_423, %get3A_424] : memref<2x16x2048xf32, #tpu.memory_space<vmem>>, vector<1x1x2048xf32>
    %get3A_426 = vector.shape_cast %get3A_425 : vector<1x1x2048xf32> to vector<1x2048xf32>
    %add3A_427 = arith.addf %get3A_417, %get3A_426 : vector<1x2048xf32>
    %max3A_428 = arith.constant 1.000000e+00 : f32
    %max3A_429 = vector.broadcast %max3A_428 : f32 to vector<1x2048xf32>
    %max3A_430 = arith.maximumf %add3A_427, %max3A_429 : vector<1x2048xf32>
    %div3A_431 = arith.constant 1.000000e+00 : f32
    %div3A_432 = vector.broadcast %div3A_431 : f32 to vector<1x2048xf32>
    %div3A_433 = arith.divf %div3A_432, %max3A_430 : vector<1x2048xf32>
    %gt3A_434 = arith.constant 0.000000e+00 : f32
    %gt3A_435 = vector.broadcast %gt3A_434 : f32 to vector<1x2048xf32>
    %gt3A_436 = arith.cmpf ogt, %add3A_427, %gt3A_435 : vector<1x2048xf32>
    %convert_element_type3A_437 = arith.extui %gt3A_436 : vector<1x2048xi1> to vector<1x2048xi32>
    %convert_element_type3A_438 = arith.sitofp %convert_element_type3A_437 : vector<1x2048xi32> to vector<1x2048xf32>
    %transpose3A_439 = tpu.transpose %div3A_433, [1, 0] : vector<1x2048xf32> -> vector<2048x1xf32>
    %transpose3A_440 = tpu.transpose %convert_element_type3A_438, [1, 0] : vector<1x2048xf32> -> vector<2048x1xf32>
    %mul3A_441 = vector.broadcast %transpose3A_439 : vector<2048x1xf32> to vector<2048x128xf32>
    %mul3A_442 = arith.mulf %mul3A_408, %mul3A_441 : vector<2048x128xf32>
    %mul3A_443 = vector.broadcast %transpose3A_440 : vector<2048x1xf32> to vector<2048x128xf32>
    %mul3A_444 = arith.mulf %mul3A_403, %mul3A_443 : vector<2048x128xf32>
    %sub3A_445 = arith.subf %mul3A_442, %mul3A_444 : vector<2048x128xf32>
    %get3A_446 = arith.constant 0 : index
    %get3A_447 = arith.constant 0 : index
    %get3A_448 = vector.load %arg6[%get3A_446, %get3A_447] : memref<128x16xf32, #tpu.memory_space<vmem>>, vector<128x16xf32>
    %dot_general3A_449 = arith.constant dense<0.000000e+00> : vector<2048x16xf32>
    %dot_general3A_450 = tpu.matmul %mul3A_403, %get3A_448, %dot_general3A_449 {dimension_numbers = #tpu.dot_dimension_numbers<[1], [0], [0], [1], [0, 0, 1, 1], [], []>, transpose_lhs_hint = false} : vector<2048x128xf32>, vector<128x16xf32>, vector<2048x16xf32> -> vector<2048x16xf32>
    %get3A_451 = arith.constant 0 : index
    %get3A_452 = arith.constant 0 : index
    %get3A_453 = vector.load %arg7[%get3A_451, %get3A_452] : memref<128x256xf32, #tpu.memory_space<vmem>>, vector<128x256xf32>
    %dot_general3A_454 = arith.constant dense<0.000000e+00> : vector<2048x256xf32>
    %dot_general3A_455 = tpu.matmul %sub3A_445, %get3A_453, %dot_general3A_454 {dimension_numbers = #tpu.dot_dimension_numbers<[1], [0], [0], [1], [0, 0, 1, 1], [], []>, transpose_lhs_hint = false} : vector<2048x128xf32>, vector<128x256xf32>, vector<2048x256xf32> -> vector<2048x256xf32>
    %get3A_456 = arith.constant 0 : index
    %get3A_457 = arith.constant 0 : index
    %get3A_458 = vector.load %arg8[%get3A_456, %get3A_457] : memref<128x512xf32, #tpu.memory_space<vmem>>, vector<128x512xf32>
    %dot_general3A_459 = arith.constant dense<0.000000e+00> : vector<2048x512xf32>
    %dot_general3A_460 = tpu.matmul %mul3A_403, %get3A_458, %dot_general3A_459 {dimension_numbers = #tpu.dot_dimension_numbers<[1], [0], [0], [1], [0, 0, 1, 1], [], []>, transpose_lhs_hint = false} : vector<2048x128xf32>, vector<128x512xf32>, vector<2048x512xf32> -> vector<2048x512xf32>
    %slice3A_461 = vector.extract_strided_slice %dot_general3A_460 {offsets = [0, 0], sizes = [2048, 256], strides = [1, 1]} : vector<2048x512xf32> to vector<2048x256xf32>
    %slice3A_462 = vector.extract_strided_slice %dot_general3A_460 {offsets = [0, 256], sizes = [2048, 256], strides = [1, 1]} : vector<2048x512xf32> to vector<2048x256xf32>
    %mul3A_463 = arith.mulf %dot_general3A_455, %slice3A_461 : vector<2048x256xf32>
    %get3A_464 = arith.constant 0 : index
    %get3A_465 = arith.constant 0 : index
    %get3A_466 = vector.load %arg9[%get3A_464, %get3A_465] : memref<256x32xf32, #tpu.memory_space<vmem>>, vector<256x32xf32>
    %dot_general3A_467 = arith.constant dense<0.000000e+00> : vector<2048x32xf32>
    %dot_general3A_468 = tpu.matmul %mul3A_463, %get3A_466, %dot_general3A_467 {dimension_numbers = #tpu.dot_dimension_numbers<[1], [0], [0], [1], [0, 0, 1, 1], [], []>, transpose_lhs_hint = false} : vector<2048x256xf32>, vector<256x32xf32>, vector<2048x32xf32> -> vector<2048x32xf32>
    %get3A_469 = arith.constant 0 : index
    %get3A_470 = arith.constant 0 : index
    %get3A_471 = vector.load %arg11[%get3A_469, %get3A_470] : memref<16x32xf32, #tpu.memory_space<vmem>>, vector<16x32xf32>
    %dot_general3A_472 = arith.constant dense<0.000000e+00> : vector<2048x32xf32>
    %dot_general3A_473 = tpu.matmul %dot_general3A_450, %get3A_471, %dot_general3A_472 {dimension_numbers = #tpu.dot_dimension_numbers<[1], [0], [0], [1], [0, 0, 1, 1], [], []>, transpose_lhs_hint = false} : vector<2048x16xf32>, vector<16x32xf32>, vector<2048x32xf32> -> vector<2048x32xf32>
    %mul3A_474 = vector.broadcast %transpose3A_440 : vector<2048x1xf32> to vector<2048x32xf32>
    %mul3A_475 = arith.mulf %mul3A_474, %dot_general3A_473 : vector<2048x32xf32>
    %add3A_476 = arith.addf %dot_general3A_468, %mul3A_475 : vector<2048x32xf32>
    %mul3A_477 = arith.mulf %slice3A_462, %slice3A_461 : vector<2048x256xf32>
    %get3A_478 = arith.constant 0 : index
    %get3A_479 = arith.constant 0 : index
    %get3A_480 = vector.load %arg10[%get3A_478, %get3A_479] : memref<256x32xf32, #tpu.memory_space<vmem>>, vector<256x32xf32>
    %dot_general3A_481 = arith.constant dense<0.000000e+00> : vector<2048x32xf32>
    %dot_general3A_482 = tpu.matmul %mul3A_477, %get3A_480, %dot_general3A_481 {dimension_numbers = #tpu.dot_dimension_numbers<[1], [0], [0], [1], [0, 0, 1, 1], [], []>, transpose_lhs_hint = false} : vector<2048x256xf32>, vector<256x32xf32>, vector<2048x32xf32> -> vector<2048x32xf32>
    %get3A_483 = arith.constant 0 : index
    %get3A_484 = arith.constant 0 : index
    %get3A_485 = vector.load %arg12[%get3A_483, %get3A_484] : memref<16x32xf32, #tpu.memory_space<vmem>>, vector<16x32xf32>
    %dot_general3A_486 = arith.constant dense<0.000000e+00> : vector<2048x32xf32>
    %dot_general3A_487 = tpu.matmul %dot_general3A_450, %get3A_485, %dot_general3A_486 {dimension_numbers = #tpu.dot_dimension_numbers<[1], [0], [0], [1], [0, 0, 1, 1], [], []>, transpose_lhs_hint = false} : vector<2048x16xf32>, vector<16x32xf32>, vector<2048x32xf32> -> vector<2048x32xf32>
    %add3A_488 = arith.addf %dot_general3A_482, %dot_general3A_487 : vector<2048x32xf32>
    %get3A_489 = arith.constant 0 : index
    %get3A_490 = arith.constant 0 : index
    %get3A_491 = vector.load %arg13[%get3A_489, %get3A_490] : memref<1x32xf32, #tpu.memory_space<vmem>>, vector<1x32xf32>
    %mul3A_492 = vector.broadcast %get3A_491 : vector<1x32xf32> to vector<2048x32xf32>
    %mul3A_493 = arith.mulf %add3A_476, %mul3A_492 : vector<2048x32xf32>
    %reduce_sum3A_494 = arith.constant dense<0.000000e+00> : vector<2048xf32>
    %reduce_sum3A_495 = vector.multi_reduction <add>, %mul3A_493, %reduce_sum3A_494 [1] : vector<2048x32xf32> to vector<2048xf32>
    %broadcast_in_dim3A_496 = vector.shape_cast %reduce_sum3A_495 : vector<2048xf32> to vector<2048x1xf32>
    %get3A_497 = arith.constant 0 : index
    %get3A_498 = arith.constant 0 : index
    %get3A_499 = vector.load %arg14[%get3A_497, %get3A_498] : memref<1x1xf32, #tpu.memory_space<vmem>>, vector<1x1xf32>
    %get3A_500 = vector.extract %get3A_499[0, 0] : f32 from vector<1x1xf32>
    %add3A_501 = vector.broadcast %get3A_500 : f32 to vector<2048x1xf32>
    %add3A_502 = arith.addf %broadcast_in_dim3A_496, %add3A_501 : vector<2048x1xf32>
    %mul3A_503 = vector.broadcast %add3A_502 : vector<2048x1xf32> to vector<2048x32xf32>
    %mul3A_504 = arith.mulf %add3A_476, %mul3A_503 : vector<2048x32xf32>
    %add3A_505 = arith.addf %mul3A_504, %add3A_488 : vector<2048x32xf32>
    %get3A_506 = arith.constant 0 : index
    %get3A_507 = arith.constant 0 : index
    %get3A_508 = vector.load %arg15[%get3A_506, %get3A_507] : memref<1x32xf32, #tpu.memory_space<vmem>>, vector<1x32xf32>
    %add3A_509 = vector.broadcast %get3A_508 : vector<1x32xf32> to vector<2048x32xf32>
    %add3A_510 = arith.addf %add3A_505, %add3A_509 : vector<2048x32xf32>
    %logistic3A_511 = arith.negf %add3A_510 : vector<2048x32xf32>
    %logistic3A_512 = math.exp %logistic3A_511 : vector<2048x32xf32>
    %logistic3A_513 = arith.constant 1.000000e+00 : f32
    %logistic3A_514 = vector.broadcast %logistic3A_513 : f32 to vector<2048x32xf32>
    %logistic3A_515 = arith.addf %logistic3A_514, %logistic3A_512 : vector<2048x32xf32>
    %logistic3A_516 = arith.divf %logistic3A_514, %logistic3A_515 : vector<2048x32xf32>
    %reduce_sum3A_517 = arith.constant dense<0.000000e+00> : vector<32xf32>
    %reduce_sum3A_518 = vector.multi_reduction <add>, %logistic3A_516, %reduce_sum3A_517 [0] : vector<2048x32xf32> to vector<32xf32>
    %broadcast_in_dim3A_519 = vector.shape_cast %reduce_sum3A_518 : vector<32xf32> to vector<1x32xf32>
    %mul3A_520 = arith.constant 4.8828125E-4 : f32
    %mul3A_521 = vector.broadcast %mul3A_520 : f32 to vector<1x32xf32>
    %mul3A_522 = arith.mulf %broadcast_in_dim3A_519, %mul3A_521 : vector<1x32xf32>
    %reduce_sum3A_523 = arith.constant dense<0.000000e+00> : vector<16xf32>
    %reduce_sum3A_524 = vector.multi_reduction <add>, %dot_general3A_450, %reduce_sum3A_523 [0] : vector<2048x16xf32> to vector<16xf32>
    %broadcast_in_dim3A_525 = vector.shape_cast %reduce_sum3A_524 : vector<16xf32> to vector<1x16xf32>
    %mul3A_526 = arith.constant 4.8828125E-4 : f32
    %mul3A_527 = vector.broadcast %mul3A_526 : f32 to vector<1x16xf32>
    %mul3A_528 = arith.mulf %broadcast_in_dim3A_525, %mul3A_527 : vector<1x16xf32>
    %broadcast_in_dim3A_529 = arith.constant 0.000000e+00 : f32
    %broadcast_in_dim3A_530 = vector.broadcast %broadcast_in_dim3A_529 : f32 to vector<1x16xf32>
    %concatenate3A_531 = tpu.concatenate %mul3A_528, %broadcast_in_dim3A_530 in 1 : vector<1x16xf32>, vector<1x16xf32> -> vector<1x32xf32>
    %get3A_532 = arith.constant 0 : index
    %get3A_533 = arith.constant 0 : index
    %get3A_534 = vector.load %arg16[%get3A_532, %get3A_533] : memref<32x32xf32, #tpu.memory_space<vmem>>, vector<32x32xf32>
    %dot_general3A_535 = arith.constant dense<0.000000e+00> : vector<1x32xf32>
    %dot_general3A_536 = tpu.matmul %concatenate3A_531, %get3A_534, %dot_general3A_535 {dimension_numbers = #tpu.dot_dimension_numbers<[1], [0], [0], [1], [0, 0, 1, 1], [], []>, transpose_lhs_hint = false} : vector<1x32xf32>, vector<32x32xf32>, vector<1x32xf32> -> vector<1x32xf32>
    %get3A_537 = arith.constant 0 : index
    %get3A_538 = arith.constant 0 : index
    %get3A_539 = vector.load %arg17[%get3A_537, %get3A_538] : memref<1x32xf32, #tpu.memory_space<vmem>>, vector<1x32xf32>
    %add3A_540 = arith.addf %dot_general3A_536, %get3A_539 : vector<1x32xf32>
    %get3A_541 = arith.constant 0 : index
    %get3A_542 = arith.constant 0 : index
    %get3A_543 = vector.load %arg18[%get3A_541, %get3A_542] : memref<32x32xf32, #tpu.memory_space<vmem>>, vector<32x32xf32>
    %dot_general3A_544 = arith.constant dense<0.000000e+00> : vector<1x32xf32>
    %dot_general3A_545 = tpu.matmul %mul3A_522, %get3A_543, %dot_general3A_544 {dimension_numbers = #tpu.dot_dimension_numbers<[1], [0], [0], [1], [0, 0, 1, 1], [], []>, transpose_lhs_hint = false} : vector<1x32xf32>, vector<32x32xf32>, vector<1x32xf32> -> vector<1x32xf32>
    %get3A_546 = arith.constant 0 : index
    %get3A_547 = arith.constant 0 : index
    %get3A_548 = vector.load %arg19[%get3A_546, %get3A_547] : memref<1x32xf32, #tpu.memory_space<vmem>>, vector<1x32xf32>
    %add3A_549 = arith.addf %dot_general3A_545, %get3A_548 : vector<1x32xf32>
    %max3A_550 = arith.maximumf %add3A_540, %add3A_549 : vector<1x32xf32>
    %sub3A_551 = arith.subf %add3A_540, %max3A_550 : vector<1x32xf32>
    %exp3A_552 = math.exp %sub3A_551 : vector<1x32xf32>
    %sub3A_553 = arith.subf %add3A_549, %max3A_550 : vector<1x32xf32>
    %exp3A_554 = math.exp %sub3A_553 : vector<1x32xf32>
    %add3A_555 = arith.addf %exp3A_552, %exp3A_554 : vector<1x32xf32>
    %div3A_556 = arith.divf %exp3A_552, %add3A_555 : vector<1x32xf32>
    %add3A_557 = arith.addf %exp3A_552, %exp3A_554 : vector<1x32xf32>
    %div3A_558 = arith.divf %exp3A_554, %add3A_557 : vector<1x32xf32>
    %transpose3A_559 = tpu.transpose %dot_general3A_450, [1, 0] : vector<2048x16xf32> -> vector<16x2048xf32>
    %broadcast_in_dim3A_560 = arith.constant 0.000000e+00 : f32
    %broadcast_in_dim3A_561 = vector.broadcast %broadcast_in_dim3A_560 : f32 to vector<16x2048xf32>
    %concatenate3A_562 = tpu.concatenate %transpose3A_559, %broadcast_in_dim3A_561 in 0 : vector<16x2048xf32>, vector<16x2048xf32> -> vector<32x2048xf32>
    %transpose3A_563 = tpu.transpose %div3A_556, [1, 0] : vector<1x32xf32> -> vector<32x1xf32>
    %mul3A_564 = vector.broadcast %transpose3A_563 : vector<32x1xf32> to vector<32x2048xf32>
    %mul3A_565 = arith.mulf %mul3A_564, %concatenate3A_562 : vector<32x2048xf32>
    %transpose3A_566 = tpu.transpose %div3A_558, [1, 0] : vector<1x32xf32> -> vector<32x1xf32>
    %transpose3A_567 = tpu.transpose %logistic3A_516, [1, 0] : vector<2048x32xf32> -> vector<32x2048xf32>
    %mul3A_568 = vector.broadcast %transpose3A_566 : vector<32x1xf32> to vector<32x2048xf32>
    %mul3A_569 = arith.mulf %mul3A_568, %transpose3A_567 : vector<32x2048xf32>
    %add3A_570 = arith.addf %mul3A_565, %mul3A_569 : vector<32x2048xf32>
    %swap3A_571 = arith.constant 2 : index
    %swap3A_572 = arith.constant 0 : index
    %swap3A_573 = arith.constant 0 : index
    %swap3A_574 = vector.load %arg20[%swap3A_571, %swap3A_572, %swap3A_573] : memref<4x32x2048xf32, #tpu.memory_space<vmem>>, vector<1x32x2048xf32>
    %swap3A_575 = vector.shape_cast %swap3A_574 : vector<1x32x2048xf32> to vector<32x2048xf32>
    %swap3A_576 = vector.shape_cast %add3A_570 : vector<32x2048xf32> to vector<1x32x2048xf32>
    tpu.vector_store %arg20[%swap3A_571, %swap3A_572, %swap3A_573], %swap3A_576 {strides = array<i32>} : memref<4x32x2048xf32, #tpu.memory_space<vmem>>, vector<1x32x2048xf32>,
    %get3A_577 = arith.constant 0 : index
    %get3A_578 = arith.constant 0 : index
    %get3A_579 = vector.load %arg4[%get3A_577, %get3A_578] : memref<2048x256xf32, #tpu.memory_space<vmem>>, vector<2048x256xf32>
    %get3A_580 = arith.constant 768 : index
    %get3A_581 = arith.constant 0 : index
    %get3A_582 = vector.load %arg1[%get3A_580, %get3A_581] : memref<1024x128xf32, #tpu.memory_space<vmem>>, vector<256x128xf32>
    %get3A_583 = arith.constant 0 : index
    %get3A_584 = arith.constant 768 : index
    %get3A_585 = arith.constant 0 : index
    %get3A_586 = vector.load %arg2[%get3A_583, %get3A_584, %get3A_585] : memref<2x1024x128xf32, #tpu.memory_space<vmem>>, vector<1x256x128xf32>
    %get3A_587 = vector.shape_cast %get3A_586 : vector<1x256x128xf32> to vector<256x128xf32>
    %get3A_588 = arith.constant 1 : index
    %get3A_589 = arith.constant 768 : index
    %get3A_590 = arith.constant 0 : index
    %get3A_591 = vector.load %arg2[%get3A_588, %get3A_589, %get3A_590] : memref<2x1024x128xf32, #tpu.memory_space<vmem>>, vector<1x256x128xf32>
    %get3A_592 = vector.shape_cast %get3A_591 : vector<1x256x128xf32> to vector<256x128xf32>
    %add3A_593 = arith.addf %get3A_587, %get3A_592 : vector<256x128xf32>
    %concatenate3A_594 = tpu.concatenate %get3A_582, %add3A_593 in 1 : vector<256x128xf32>, vector<256x128xf32> -> vector<256x256xf32>
    %dot_general3A_595 = arith.constant dense<0.000000e+00> : vector<2048x256xf32>
    %dot_general3A_596 = tpu.matmul %get3A_579, %concatenate3A_594, %dot_general3A_595 {dimension_numbers = #tpu.dot_dimension_numbers<[1], [0], [0], [1], [0, 0, 1, 1], [], []>, transpose_lhs_hint = false} : vector<2048x256xf32>, vector<256x256xf32>, vector<2048x256xf32> -> vector<2048x256xf32>
    %slice3A_597 = vector.extract_strided_slice %dot_general3A_596 {offsets = [0, 0], sizes = [2048, 128], strides = [1, 1]} : vector<2048x256xf32> to vector<2048x128xf32>
    %get3A_598 = arith.constant 0 : index
    %get3A_599 = arith.constant 0 : index
    %get3A_600 = vector.load %arg5[%get3A_598, %get3A_599] : memref<2048x128xf32, #tpu.memory_space<vmem>>, vector<2048x128xf32>
    %mul3A_601 = arith.mulf %slice3A_597, %get3A_600 : vector<2048x128xf32>
    %slice3A_602 = vector.extract_strided_slice %dot_general3A_596 {offsets = [0, 128], sizes = [2048, 128], strides = [1, 1]} : vector<2048x256xf32> to vector<2048x128xf32>
    %get3A_603 = arith.constant 0 : index
    %get3A_604 = arith.constant 0 : index
    %get3A_605 = vector.load %arg5[%get3A_603, %get3A_604] : memref<2048x128xf32, #tpu.memory_space<vmem>>, vector<2048x128xf32>
    %mul3A_606 = arith.mulf %slice3A_602, %get3A_605 : vector<2048x128xf32>
    %mul3A_607 = arith.constant 4 : i32
    %mul3A_608 = arith.muli %arg0, %mul3A_607 : i32
    %add3A_609 = arith.constant 3 : i32
    %add3A_610 = arith.addi %mul3A_608, %add3A_609 : i32
    %get3A_611 = arith.constant 0 : index
    %get3A_612 = arith.index_cast %add3A_610 : i32 to index
    %get3A_613 = arith.constant 0 : index
    %get3A_614 = vector.load %arg3[%get3A_611, %get3A_612, %get3A_613] : memref<2x16x2048xf32, #tpu.memory_space<vmem>>, vector<1x1x2048xf32>
    %get3A_615 = vector.shape_cast %get3A_614 : vector<1x1x2048xf32> to vector<1x2048xf32>
    %mul3A_616 = arith.constant 4 : i32
    %mul3A_617 = arith.muli %arg0, %mul3A_616 : i32
    %add3A_618 = arith.constant 3 : i32
    %add3A_619 = arith.addi %mul3A_617, %add3A_618 : i32
    %get3A_620 = arith.constant 1 : index
    %get3A_621 = arith.index_cast %add3A_619 : i32 to index
    %get3A_622 = arith.constant 0 : index
    %get3A_623 = vector.load %arg3[%get3A_620, %get3A_621, %get3A_622] : memref<2x16x2048xf32, #tpu.memory_space<vmem>>, vector<1x1x2048xf32>
    %get3A_624 = vector.shape_cast %get3A_623 : vector<1x1x2048xf32> to vector<1x2048xf32>
    %add3A_625 = arith.addf %get3A_615, %get3A_624 : vector<1x2048xf32>
    %max3A_626 = arith.constant 1.000000e+00 : f32
    %max3A_627 = vector.broadcast %max3A_626 : f32 to vector<1x2048xf32>
    %max3A_628 = arith.maximumf %add3A_625, %max3A_627 : vector<1x2048xf32>
    %div3A_629 = arith.constant 1.000000e+00 : f32
    %div3A_630 = vector.broadcast %div3A_629 : f32 to vector<1x2048xf32>
    %div3A_631 = arith.divf %div3A_630, %max3A_628 : vector<1x2048xf32>
    %gt3A_632 = arith.constant 0.000000e+00 : f32
    %gt3A_633 = vector.broadcast %gt3A_632 : f32 to vector<1x2048xf32>
    %gt3A_634 = arith.cmpf ogt, %add3A_625, %gt3A_633 : vector<1x2048xf32>
    %convert_element_type3A_635 = arith.extui %gt3A_634 : vector<1x2048xi1> to vector<1x2048xi32>
    %convert_element_type3A_636 = arith.sitofp %convert_element_type3A_635 : vector<1x2048xi32> to vector<1x2048xf32>
    %transpose3A_637 = tpu.transpose %div3A_631, [1, 0] : vector<1x2048xf32> -> vector<2048x1xf32>
    %transpose3A_638 = tpu.transpose %convert_element_type3A_636, [1, 0] : vector<1x2048xf32> -> vector<2048x1xf32>
    %mul3A_639 = vector.broadcast %transpose3A_637 : vector<2048x1xf32> to vector<2048x128xf32>
    %mul3A_640 = arith.mulf %mul3A_606, %mul3A_639 : vector<2048x128xf32>
    %mul3A_641 = vector.broadcast %transpose3A_638 : vector<2048x1xf32> to vector<2048x128xf32>
    %mul3A_642 = arith.mulf %mul3A_601, %mul3A_641 : vector<2048x128xf32>
    %sub3A_643 = arith.subf %mul3A_640, %mul3A_642 : vector<2048x128xf32>
    %get3A_644 = arith.constant 0 : index
    %get3A_645 = arith.constant 0 : index
    %get3A_646 = vector.load %arg6[%get3A_644, %get3A_645] : memref<128x16xf32, #tpu.memory_space<vmem>>, vector<128x16xf32>
    %dot_general3A_647 = arith.constant dense<0.000000e+00> : vector<2048x16xf32>
    %dot_general3A_648 = tpu.matmul %mul3A_601, %get3A_646, %dot_general3A_647 {dimension_numbers = #tpu.dot_dimension_numbers<[1], [0], [0], [1], [0, 0, 1, 1], [], []>, transpose_lhs_hint = false} : vector<2048x128xf32>, vector<128x16xf32>, vector<2048x16xf32> -> vector<2048x16xf32>
    %get3A_649 = arith.constant 0 : index
    %get3A_650 = arith.constant 0 : index
    %get3A_651 = vector.load %arg7[%get3A_649, %get3A_650] : memref<128x256xf32, #tpu.memory_space<vmem>>, vector<128x256xf32>
    %dot_general3A_652 = arith.constant dense<0.000000e+00> : vector<2048x256xf32>
    %dot_general3A_653 = tpu.matmul %sub3A_643, %get3A_651, %dot_general3A_652 {dimension_numbers = #tpu.dot_dimension_numbers<[1], [0], [0], [1], [0, 0, 1, 1], [], []>, transpose_lhs_hint = false} : vector<2048x128xf32>, vector<128x256xf32>, vector<2048x256xf32> -> vector<2048x256xf32>
    %get3A_654 = arith.constant 0 : index
    %get3A_655 = arith.constant 0 : index
    %get3A_656 = vector.load %arg8[%get3A_654, %get3A_655] : memref<128x512xf32, #tpu.memory_space<vmem>>, vector<128x512xf32>
    %dot_general3A_657 = arith.constant dense<0.000000e+00> : vector<2048x512xf32>
    %dot_general3A_658 = tpu.matmul %mul3A_601, %get3A_656, %dot_general3A_657 {dimension_numbers = #tpu.dot_dimension_numbers<[1], [0], [0], [1], [0, 0, 1, 1], [], []>, transpose_lhs_hint = false} : vector<2048x128xf32>, vector<128x512xf32>, vector<2048x512xf32> -> vector<2048x512xf32>
    %slice3A_659 = vector.extract_strided_slice %dot_general3A_658 {offsets = [0, 0], sizes = [2048, 256], strides = [1, 1]} : vector<2048x512xf32> to vector<2048x256xf32>
    %slice3A_660 = vector.extract_strided_slice %dot_general3A_658 {offsets = [0, 256], sizes = [2048, 256], strides = [1, 1]} : vector<2048x512xf32> to vector<2048x256xf32>
    %mul3A_661 = arith.mulf %dot_general3A_653, %slice3A_659 : vector<2048x256xf32>
    %get3A_662 = arith.constant 0 : index
    %get3A_663 = arith.constant 0 : index
    %get3A_664 = vector.load %arg9[%get3A_662, %get3A_663] : memref<256x32xf32, #tpu.memory_space<vmem>>, vector<256x32xf32>
    %dot_general3A_665 = arith.constant dense<0.000000e+00> : vector<2048x32xf32>
    %dot_general3A_666 = tpu.matmul %mul3A_661, %get3A_664, %dot_general3A_665 {dimension_numbers = #tpu.dot_dimension_numbers<[1], [0], [0], [1], [0, 0, 1, 1], [], []>, transpose_lhs_hint = false} : vector<2048x256xf32>, vector<256x32xf32>, vector<2048x32xf32> -> vector<2048x32xf32>
    %get3A_667 = arith.constant 0 : index
    %get3A_668 = arith.constant 0 : index
    %get3A_669 = vector.load %arg11[%get3A_667, %get3A_668] : memref<16x32xf32, #tpu.memory_space<vmem>>, vector<16x32xf32>
    %dot_general3A_670 = arith.constant dense<0.000000e+00> : vector<2048x32xf32>
    %dot_general3A_671 = tpu.matmul %dot_general3A_648, %get3A_669, %dot_general3A_670 {dimension_numbers = #tpu.dot_dimension_numbers<[1], [0], [0], [1], [0, 0, 1, 1], [], []>, transpose_lhs_hint = false} : vector<2048x16xf32>, vector<16x32xf32>, vector<2048x32xf32> -> vector<2048x32xf32>
    %mul3A_672 = vector.broadcast %transpose3A_638 : vector<2048x1xf32> to vector<2048x32xf32>
    %mul3A_673 = arith.mulf %mul3A_672, %dot_general3A_671 : vector<2048x32xf32>
    %add3A_674 = arith.addf %dot_general3A_666, %mul3A_673 : vector<2048x32xf32>
    %mul3A_675 = arith.mulf %slice3A_660, %slice3A_659 : vector<2048x256xf32>
    %get3A_676 = arith.constant 0 : index
    %get3A_677 = arith.constant 0 : index
    %get3A_678 = vector.load %arg10[%get3A_676, %get3A_677] : memref<256x32xf32, #tpu.memory_space<vmem>>, vector<256x32xf32>
    %dot_general3A_679 = arith.constant dense<0.000000e+00> : vector<2048x32xf32>
    %dot_general3A_680 = tpu.matmul %mul3A_675, %get3A_678, %dot_general3A_679 {dimension_numbers = #tpu.dot_dimension_numbers<[1], [0], [0], [1], [0, 0, 1, 1], [], []>, transpose_lhs_hint = false} : vector<2048x256xf32>, vector<256x32xf32>, vector<2048x32xf32> -> vector<2048x32xf32>
    %get3A_681 = arith.constant 0 : index
    %get3A_682 = arith.constant 0 : index
    %get3A_683 = vector.load %arg12[%get3A_681, %get3A_682] : memref<16x32xf32, #tpu.memory_space<vmem>>, vector<16x32xf32>
    %dot_general3A_684 = arith.constant dense<0.000000e+00> : vector<2048x32xf32>
    %dot_general3A_685 = tpu.matmul %dot_general3A_648, %get3A_683, %dot_general3A_684 {dimension_numbers = #tpu.dot_dimension_numbers<[1], [0], [0], [1], [0, 0, 1, 1], [], []>, transpose_lhs_hint = false} : vector<2048x16xf32>, vector<16x32xf32>, vector<2048x32xf32> -> vector<2048x32xf32>
    %add3A_686 = arith.addf %dot_general3A_680, %dot_general3A_685 : vector<2048x32xf32>
    %get3A_687 = arith.constant 0 : index
    %get3A_688 = arith.constant 0 : index
    %get3A_689 = vector.load %arg13[%get3A_687, %get3A_688] : memref<1x32xf32, #tpu.memory_space<vmem>>, vector<1x32xf32>
    %mul3A_690 = vector.broadcast %get3A_689 : vector<1x32xf32> to vector<2048x32xf32>
    %mul3A_691 = arith.mulf %add3A_674, %mul3A_690 : vector<2048x32xf32>
    %reduce_sum3A_692 = arith.constant dense<0.000000e+00> : vector<2048xf32>
    %reduce_sum3A_693 = vector.multi_reduction <add>, %mul3A_691, %reduce_sum3A_692 [1] : vector<2048x32xf32> to vector<2048xf32>
    %broadcast_in_dim3A_694 = vector.shape_cast %reduce_sum3A_693 : vector<2048xf32> to vector<2048x1xf32>
    %get3A_695 = arith.constant 0 : index
    %get3A_696 = arith.constant 0 : index
    %get3A_697 = vector.load %arg14[%get3A_695, %get3A_696] : memref<1x1xf32, #tpu.memory_space<vmem>>, vector<1x1xf32>
    %get3A_698 = vector.extract %get3A_697[0, 0] : f32 from vector<1x1xf32>
    %add3A_699 = vector.broadcast %get3A_698 : f32 to vector<2048x1xf32>
    %add3A_700 = arith.addf %broadcast_in_dim3A_694, %add3A_699 : vector<2048x1xf32>
    %mul3A_701 = vector.broadcast %add3A_700 : vector<2048x1xf32> to vector<2048x32xf32>
    %mul3A_702 = arith.mulf %add3A_674, %mul3A_701 : vector<2048x32xf32>
    %add3A_703 = arith.addf %mul3A_702, %add3A_686 : vector<2048x32xf32>
    %get3A_704 = arith.constant 0 : index
    %get3A_705 = arith.constant 0 : index
    %get3A_706 = vector.load %arg15[%get3A_704, %get3A_705] : memref<1x32xf32, #tpu.memory_space<vmem>>, vector<1x32xf32>
    %add3A_707 = vector.broadcast %get3A_706 : vector<1x32xf32> to vector<2048x32xf32>
    %add3A_708 = arith.addf %add3A_703, %add3A_707 : vector<2048x32xf32>
    %logistic3A_709 = arith.negf %add3A_708 : vector<2048x32xf32>
    %logistic3A_710 = math.exp %logistic3A_709 : vector<2048x32xf32>
    %logistic3A_711 = arith.constant 1.000000e+00 : f32
    %logistic3A_712 = vector.broadcast %logistic3A_711 : f32 to vector<2048x32xf32>
    %logistic3A_713 = arith.addf %logistic3A_712, %logistic3A_710 : vector<2048x32xf32>
    %logistic3A_714 = arith.divf %logistic3A_712, %logistic3A_713 : vector<2048x32xf32>
    %reduce_sum3A_715 = arith.constant dense<0.000000e+00> : vector<32xf32>
    %reduce_sum3A_716 = vector.multi_reduction <add>, %logistic3A_714, %reduce_sum3A_715 [0] : vector<2048x32xf32> to vector<32xf32>
    %broadcast_in_dim3A_717 = vector.shape_cast %reduce_sum3A_716 : vector<32xf32> to vector<1x32xf32>
    %mul3A_718 = arith.constant 4.8828125E-4 : f32
    %mul3A_719 = vector.broadcast %mul3A_718 : f32 to vector<1x32xf32>
    %mul3A_720 = arith.mulf %broadcast_in_dim3A_717, %mul3A_719 : vector<1x32xf32>
    %reduce_sum3A_721 = arith.constant dense<0.000000e+00> : vector<16xf32>
    %reduce_sum3A_722 = vector.multi_reduction <add>, %dot_general3A_648, %reduce_sum3A_721 [0] : vector<2048x16xf32> to vector<16xf32>
    %broadcast_in_dim3A_723 = vector.shape_cast %reduce_sum3A_722 : vector<16xf32> to vector<1x16xf32>
    %mul3A_724 = arith.constant 4.8828125E-4 : f32
    %mul3A_725 = vector.broadcast %mul3A_724 : f32 to vector<1x16xf32>
    %mul3A_726 = arith.mulf %broadcast_in_dim3A_723, %mul3A_725 : vector<1x16xf32>
    %broadcast_in_dim3A_727 = arith.constant 0.000000e+00 : f32
    %broadcast_in_dim3A_728 = vector.broadcast %broadcast_in_dim3A_727 : f32 to vector<1x16xf32>
    %concatenate3A_729 = tpu.concatenate %mul3A_726, %broadcast_in_dim3A_728 in 1 : vector<1x16xf32>, vector<1x16xf32> -> vector<1x32xf32>
    %get3A_730 = arith.constant 0 : index
    %get3A_731 = arith.constant 0 : index
    %get3A_732 = vector.load %arg16[%get3A_730, %get3A_731] : memref<32x32xf32, #tpu.memory_space<vmem>>, vector<32x32xf32>
    %dot_general3A_733 = arith.constant dense<0.000000e+00> : vector<1x32xf32>
    %dot_general3A_734 = tpu.matmul %concatenate3A_729, %get3A_732, %dot_general3A_733 {dimension_numbers = #tpu.dot_dimension_numbers<[1], [0], [0], [1], [0, 0, 1, 1], [], []>, transpose_lhs_hint = false} : vector<1x32xf32>, vector<32x32xf32>, vector<1x32xf32> -> vector<1x32xf32>
    %get3A_735 = arith.constant 0 : index
    %get3A_736 = arith.constant 0 : index
    %get3A_737 = vector.load %arg17[%get3A_735, %get3A_736] : memref<1x32xf32, #tpu.memory_space<vmem>>, vector<1x32xf32>
    %add3A_738 = arith.addf %dot_general3A_734, %get3A_737 : vector<1x32xf32>
    %get3A_739 = arith.constant 0 : index
    %get3A_740 = arith.constant 0 : index
    %get3A_741 = vector.load %arg18[%get3A_739, %get3A_740] : memref<32x32xf32, #tpu.memory_space<vmem>>, vector<32x32xf32>
    %dot_general3A_742 = arith.constant dense<0.000000e+00> : vector<1x32xf32>
    %dot_general3A_743 = tpu.matmul %mul3A_720, %get3A_741, %dot_general3A_742 {dimension_numbers = #tpu.dot_dimension_numbers<[1], [0], [0], [1], [0, 0, 1, 1], [], []>, transpose_lhs_hint = false} : vector<1x32xf32>, vector<32x32xf32>, vector<1x32xf32> -> vector<1x32xf32>
    %get3A_744 = arith.constant 0 : index
    %get3A_745 = arith.constant 0 : index
    %get3A_746 = vector.load %arg19[%get3A_744, %get3A_745] : memref<1x32xf32, #tpu.memory_space<vmem>>, vector<1x32xf32>
    %add3A_747 = arith.addf %dot_general3A_743, %get3A_746 : vector<1x32xf32>
    %max3A_748 = arith.maximumf %add3A_738, %add3A_747 : vector<1x32xf32>
    %sub3A_749 = arith.subf %add3A_738, %max3A_748 : vector<1x32xf32>
    %exp3A_750 = math.exp %sub3A_749 : vector<1x32xf32>
    %sub3A_751 = arith.subf %add3A_747, %max3A_748 : vector<1x32xf32>
    %exp3A_752 = math.exp %sub3A_751 : vector<1x32xf32>
    %add3A_753 = arith.addf %exp3A_750, %exp3A_752 : vector<1x32xf32>
    %div3A_754 = arith.divf %exp3A_750, %add3A_753 : vector<1x32xf32>
    %add3A_755 = arith.addf %exp3A_750, %exp3A_752 : vector<1x32xf32>
    %div3A_756 = arith.divf %exp3A_752, %add3A_755 : vector<1x32xf32>
    %transpose3A_757 = tpu.transpose %dot_general3A_648, [1, 0] : vector<2048x16xf32> -> vector<16x2048xf32>
    %broadcast_in_dim3A_758 = arith.constant 0.000000e+00 : f32
    %broadcast_in_dim3A_759 = vector.broadcast %broadcast_in_dim3A_758 : f32 to vector<16x2048xf32>
    %concatenate3A_760 = tpu.concatenate %transpose3A_757, %broadcast_in_dim3A_759 in 0 : vector<16x2048xf32>, vector<16x2048xf32> -> vector<32x2048xf32>
    %transpose3A_761 = tpu.transpose %div3A_754, [1, 0] : vector<1x32xf32> -> vector<32x1xf32>
    %mul3A_762 = vector.broadcast %transpose3A_761 : vector<32x1xf32> to vector<32x2048xf32>
    %mul3A_763 = arith.mulf %mul3A_762, %concatenate3A_760 : vector<32x2048xf32>
    %transpose3A_764 = tpu.transpose %div3A_756, [1, 0] : vector<1x32xf32> -> vector<32x1xf32>
    %transpose3A_765 = tpu.transpose %logistic3A_714, [1, 0] : vector<2048x32xf32> -> vector<32x2048xf32>
    %mul3A_766 = vector.broadcast %transpose3A_764 : vector<32x1xf32> to vector<32x2048xf32>
    %mul3A_767 = arith.mulf %mul3A_766, %transpose3A_765 : vector<32x2048xf32>
    %add3A_768 = arith.addf %mul3A_763, %mul3A_767 : vector<32x2048xf32>
    %swap3A_769 = arith.constant 3 : index
    %swap3A_770 = arith.constant 0 : index
    %swap3A_771 = arith.constant 0 : index
    %swap3A_772 = vector.load %arg20[%swap3A_769, %swap3A_770, %swap3A_771] : memref<4x32x2048xf32, #tpu.memory_space<vmem>>, vector<1x32x2048xf32>
    %swap3A_773 = vector.shape_cast %swap3A_772 : vector<1x32x2048xf32> to vector<32x2048xf32>
    %swap3A_774 = vector.shape_cast %add3A_768 : vector<32x2048xf32> to vector<1x32x2048xf32>
    tpu.vector_store %arg20[%swap3A_769, %swap3A_770, %swap3A_771], %swap3A_774 {strides = array<i32>} : memref<4x32x2048xf32, #tpu.memory_space<vmem>>, vector<1x32x2048xf32>,
    return
  }
  func.func @transform_0(%arg0: i32) -> (i32, i32) {
    %c0_i32 = arith.constant 0 : i32
    %c0_i32_0 = arith.constant 0 : i32
    return %arg0, %c0_i32 : i32, i32
  }
  func.func @transform_1(%arg0: i32) -> (i32, i32, i32) {
    %c0_i32 = arith.constant 0 : i32
    %c0_i32_0 = arith.constant 0 : i32
    %c0_i32_1 = arith.constant 0 : i32
    return %c0_i32, %arg0, %c0_i32_0 : i32, i32, i32
  }
  func.func @transform_2(%arg0: i32) -> (i32, i32, i32) {
    %c0_i32 = arith.constant 0 : i32
    %c0_i32_0 = arith.constant 0 : i32
    %c0_i32_1 = arith.constant 0 : i32
    %c0_i32_2 = arith.constant 0 : i32
    return %c0_i32, %c0_i32_0, %c0_i32_1 : i32, i32, i32
  }
  func.func @transform_3(%arg0: i32) -> (i32, i32) {
    %c0_i32 = arith.constant 0 : i32
    %c0_i32_0 = arith.constant 0 : i32
    %c0_i32_1 = arith.constant 0 : i32
    return %c0_i32, %c0_i32_0 : i32, i32
  }
  func.func @transform_4(%arg0: i32) -> (i32, i32) {
    %c0_i32 = arith.constant 0 : i32
    %c0_i32_0 = arith.constant 0 : i32
    %c0_i32_1 = arith.constant 0 : i32
    return %c0_i32, %c0_i32_0 : i32, i32
  }
  func.func @transform_5(%arg0: i32) -> (i32, i32) {
    %c0_i32 = arith.constant 0 : i32
    %c0_i32_0 = arith.constant 0 : i32
    %c0_i32_1 = arith.constant 0 : i32
    return %c0_i32, %c0_i32_0 : i32, i32
  }
  func.func @transform_6(%arg0: i32) -> (i32, i32) {
    %c0_i32 = arith.constant 0 : i32
    %c0_i32_0 = arith.constant 0 : i32
    %c0_i32_1 = arith.constant 0 : i32
    return %c0_i32, %c0_i32_0 : i32, i32
  }
  func.func @transform_7(%arg0: i32) -> (i32, i32) {
    %c0_i32 = arith.constant 0 : i32
    %c0_i32_0 = arith.constant 0 : i32
    %c0_i32_1 = arith.constant 0 : i32
    return %c0_i32, %c0_i32_0 : i32, i32
  }
  func.func @transform_8(%arg0: i32) -> (i32, i32) {
    %c0_i32 = arith.constant 0 : i32
    %c0_i32_0 = arith.constant 0 : i32
    %c0_i32_1 = arith.constant 0 : i32
    return %c0_i32, %c0_i32_0 : i32, i32
  }
  func.func @transform_9(%arg0: i32) -> (i32, i32) {
    %c0_i32 = arith.constant 0 : i32
    %c0_i32_0 = arith.constant 0 : i32
    %c0_i32_1 = arith.constant 0 : i32
    return %c0_i32, %c0_i32_0 : i32, i32
  }
  func.func @transform_10(%arg0: i32) -> (i32, i32) {
    %c0_i32 = arith.constant 0 : i32
    %c0_i32_0 = arith.constant 0 : i32
    %c0_i32_1 = arith.constant 0 : i32
    return %c0_i32, %c0_i32_0 : i32, i32
  }
  func.func @transform_11(%arg0: i32) -> (i32, i32) {
    %c0_i32 = arith.constant 0 : i32
    %c0_i32_0 = arith.constant 0 : i32
    %c0_i32_1 = arith.constant 0 : i32
    return %c0_i32, %c0_i32_0 : i32, i32
  }
  func.func @transform_12(%arg0: i32) -> (i32, i32) {
    %c0_i32 = arith.constant 0 : i32
    %c0_i32_0 = arith.constant 0 : i32
    %c0_i32_1 = arith.constant 0 : i32
    return %c0_i32, %c0_i32_0 : i32, i32
  }
  func.func @transform_13(%arg0: i32) -> (i32, i32) {
    %c0_i32 = arith.constant 0 : i32
    %c0_i32_0 = arith.constant 0 : i32
    %c0_i32_1 = arith.constant 0 : i32
    return %c0_i32, %c0_i32_0 : i32, i32
  }
  func.func @transform_14(%arg0: i32) -> (i32, i32) {
    %c0_i32 = arith.constant 0 : i32
    %c0_i32_0 = arith.constant 0 : i32
    %c0_i32_1 = arith.constant 0 : i32
    return %c0_i32, %c0_i32_0 : i32, i32
  }
  func.func @transform_15(%arg0: i32) -> (i32, i32) {
    %c0_i32 = arith.constant 0 : i32
    %c0_i32_0 = arith.constant 0 : i32
    %c0_i32_1 = arith.constant 0 : i32
    return %c0_i32, %c0_i32_0 : i32, i32
  }
  func.func @transform_16(%arg0: i32) -> (i32, i32) {
    %c0_i32 = arith.constant 0 : i32
    %c0_i32_0 = arith.constant 0 : i32
    %c0_i32_1 = arith.constant 0 : i32
    return %c0_i32, %c0_i32_0 : i32, i32
  }
  func.func @transform_17(%arg0: i32) -> (i32, i32) {
    %c0_i32 = arith.constant 0 : i32
    %c0_i32_0 = arith.constant 0 : i32
    %c0_i32_1 = arith.constant 0 : i32
    return %c0_i32, %c0_i32_0 : i32, i32
  }
  func.func @transform_18(%arg0: i32) -> (i32, i32) {
    %c0_i32 = arith.constant 0 : i32
    %c0_i32_0 = arith.constant 0 : i32
    %c0_i32_1 = arith.constant 0 : i32
    return %c0_i32, %c0_i32_0 : i32, i32
  }
  func.func @transform_19(%arg0: i32) -> (i32, i32, i32) {
    %c0_i32 = arith.constant 0 : i32
    %c0_i32_0 = arith.constant 0 : i32
    %c0_i32_1 = arith.constant 0 : i32
    return %arg0, %c0_i32, %c0_i32_0 : i32, i32, i32
  }
}

</mosaic_0001>

<sc_bundles>
// kernel: kernel.4.cloned.1.call-start
scs
__scs_entry_jumppad:
0x0: {  	(pc) =	sbr.rel $0x88, $3  }
0x1: {  	(tag) =	ssettag $0x0;
	lr =	simm.s32 $0x1  }
0x2: {  	[smem:$0x3F94] =	sst lr;
	_ =	strace $0xD0000000  }
0x3: {  	_ = 	snop  }
0x4: {  	_ = 	snop  }
0x5: {  	_ = 	snop  }
0x6: {  	_ = 	snop  }
0x7: {  	_ = 	snop  }
__scs_overlays_trampoline_lowered:
0x8: {  	[smem:$0x3FA3] =	sst s0  }
0x9: {  	[smem:$0x3FA4] =	sst s1  }
0xa: {  	[smem:$0x3FA5] =	sst s2  }
0xb: {  	[smem:$0x3FA6] =	sst s3  }
0xc: {  	[smem:$0x3FA7] =	sst s4  }
0xd: {  	[smem:$0x3FA8] =	sst s5  }
0xe: {  	[smem:$0x3FA9] =	sst s6  }
0xf: {  	[smem:$0x3FAA] =	sst s7  }
0x10: {  	[smem:$0x3FAB] =	sst s8  }
0x11: {  	[smem:$0x3FAC] =	sst s9;
	s0 =	simm.s32 @!p0 $0x0  }
0x12: {  	s1 =	sld [smem:$0x3F92];
	s0 =	simm.s32 @p0 $0x1  }
0x13: {  	[smem:$0x3FAD] =	sst s0;
	s0 =	simm.s32 @!p1 $0x0  }
0x14: {  	s2 =	sld [smem:$0x3F91];
	s0 =	simm.s32 @p1 $0x1  }
0x15: {  	[smem:$0x3FAE] =	sst s0;
	s0 =	simm.s32 @!p2 $0x0  }
0x16: {  	s3 =	sld [smem:$0x3FDB];
	s0 =	simm.s32 @p2 $0x1  }
0x17: {  	s4 =	simm.s32 $0x1BF5;
	[smem:$0x3FB0] =	sst s0  }
0x18: {  	s0 =	sld [smem:$0x3F93];
	_ =	swait.ge [sflag:s4], $0x0  }
0x19: {  	s7 =	sld [smem:$0x3F94]  }
0x1a: {  	s8 =	sadd.s32 $0xFFFFE003, lr  }
0x1b: {  	s9 =	sadd.s32 $0xFFFFFEF7, lr;
	s5 =	simm.s32 $0xFFFFFFFF;
	p2 =	slt.u32 s8, $0xFFFFF086  }
0x1c: {  	p1 =	slt.u32 s9, $0xF7A;
	s5 =	simm.s32 @!p2 $0x0  }
0x1d: {  	s5 =	simm.s32 @p1 $0x1;
	p0 =	seq.s32 s7, s2  }
0x1e: {  	s7 =	smul.u32 @!p0 $0xF7A, s2;
	p2 =	seq.s32 @!p0 s5, $0x0  }
0x1f: {  	s9 =	smul.u32 $0xF7A, s1;
	s8 =	simm.s32 @!p0 $0x1BF5;
	p2 =	por !p2, p0  }
0x20: {  	[sflag:s8] =	ssyncset.s32 @!p0 $0xFFFFF086;
	s6 =	sadd.s32 @!p0 s3, s7;
	s7 =	simm.s32 @!p0 $0x108  }
0x21: {  	s3 =	sadd.s32 s3, s9;
	s6 =	sadd.s32 @!p0 $0x88, s6;
	s7 =	simm.s32 @p2 $0x1082  }
0x22: {  	[simem:s7], [sflag:s8] =	dma.local @!p0 [hbm:s6], $0xF7A  }
0x23: {  	s9 =	sor.u32 $0xD0000000, s2;
	s6 =	simm.s32 $0x108;
	_ =	swait.ge @!p0 [sflag:s8], $0x0  }
0x24: {  	s3 =	sadd.s32 $0x88, s3;
	s6 =	simm.s32 @!p1 $0x1082;
	[sflag:s4] =	ssyncset.s32 $0xFFFFF086  }
0x25: {  	[simem:s6], [sflag:s4] =	dma.local [hbm:s3], $0xF7A  }
0x26: {  	[smem:$0x3F94] =	sst s1;
	(tag) =	ssettag s2;
	_ =	strace s9  }
0x27: {  	s1 =	sld [smem:$0x3FA4]  }
0x28: {  	s2 =	sld [smem:$0x3FA5]  }
0x29: {  	s4 =	sld [smem:$0x3FA7]  }
0x2a: {  	p0 =	seq.s32 s5, $0x0;
	s5 =	sld [smem:$0x3FA8]  }
0x2b: {  	s6 =	sld [smem:$0x3FA9]  }
0x2c: {  	s7 =	sld [smem:$0x3FAA]  }
0x2d: {  	s3 =	simm.s32 $0x108;
	s8 =	sld [smem:$0x3FAB]  }
0x2e: {  	s3 =	simm.s32 @!p0 $0x1082;
	s9 =	sld [smem:$0x3FAC]  }
0x2f: {  	lr =	sadd.s32 s0, s3;
	s0 =	sld [smem:$0x3FA3]  }
0x30: {  	s3 =	sld [smem:$0x3FA6]  }
0x31: {  	[smem:$0x3FAF] =	sst s10  }
0x32: {  	s10 =	sld [smem:$0x3FAD];
	_ =	sdelay $0x3  }
0x33: {  	p0 =	seq.s32 s10, $0x1;
	s10 =	sld [smem:$0x3FAF];
	_ =	sdelay $0x3  }
0x34: {  	[smem:$0x3FAF] =	sst s10  }
0x35: {  	s10 =	sld [smem:$0x3FAE];
	_ =	sdelay $0x3  }
0x36: {  	p1 =	seq.s32 s10, $0x1;
	s10 =	sld [smem:$0x3FAF];
	_ =	sdelay $0x3  }
0x37: {  	[smem:$0x3FAF] =	sst s10  }
0x38: {  	s10 =	sld [smem:$0x3FB0]  }
0x39: {  	_ = 	snop;
	(pc) =	sbr.ind lr, $3  }
0x3a: {  	_ = 	snop  }
0x3b: {  	_ = 	snop  }
0x3c: {  	p2 =	seq.s32 s10, $0x1;
	s10 =	sld [smem:$0x3FAF]  }
0x3d: {  	_ =	shalt  }
0x3e: {  	_ =	shalt  }
0x3f: {  	_ =	shalt  }
0x40: {  	_ =	shalt  }
0x41: {  	_ =	shalt  }
0x42: {  	_ =	shalt  }
0x43: {  	_ =	shalt  }
0x44: {  	_ =	shalt  }
0x45: {  	_ =	shalt  }
0x46: {  	_ =	shalt  }
0x47: {  	_ =	shalt  }
0x48: {  	_ =	shalt  }
0x49: {  	_ =	shalt  }
0x4a: {  	_ =	shalt  }
0x4b: {  	_ =	shalt  }
0x4c: {  	_ =	shalt  }
0x4d: {  	_ =	shalt  }
0x4e: {  	_ =	shalt  }
0x4f: {  	_ =	shalt  }
0x50: {  	_ =	shalt  }
0x51: {  	_ =	shalt  }
0x52: {  	_ =	shalt  }
0x53: {  	_ =	shalt  }
0x54: {  	_ =	shalt  }
0x55: {  	_ =	shalt  }
0x56: {  	_ =	shalt  }
0x57: {  	_ =	shalt  }
0x58: {  	_ =	shalt  }
0x59: {  	_ =	shalt  }
0x5a: {  	_ =	shalt  }
0x5b: {  	_ =	shalt  }
0x5c: {  	_ =	shalt  }
0x5d: {  	_ =	shalt  }
0x5e: {  	_ =	shalt  }
0x5f: {  	_ =	shalt  }
0x60: {  	_ =	shalt  }
0x61: {  	_ =	shalt  }
0x62: {  	_ =	shalt  }
0x63: {  	_ =	shalt  }
0x64: {  	_ =	shalt  }
0x65: {  	_ =	shalt  }
0x66: {  	_ =	shalt  }
0x67: {  	_ =	shalt  }
0x68: {  	_ =	shalt  }
0x69: {  	_ =	shalt  }
0x6a: {  	_ =	shalt  }
0x6b: {  	_ =	shalt  }
0x6c: {  	_ =	shalt  }
0x6d: {  	_ =	shalt  }
0x6e: {  	_ =	shalt  }
0x6f: {  	_ =	shalt  }
0x70: {  	_ =	shalt  }
0x71: {  	_ =	shalt  }
0x72: {  	_ =	shalt  }
0x73: {  	_ =	shalt  }
0x74: {  	_ =	shalt  }
0x75: {  	_ =	shalt  }
0x76: {  	_ =	shalt  }
0x77: {  	_ =	shalt  }
0x78: {  	_ =	shalt  }
0x79: {  	_ =	shalt  }
0x7a: {  	_ =	shalt  }
0x7b: {  	_ =	shalt  }
0x7c: {  	_ =	shalt  }
0x7d: {  	_ =	shalt  }
0x7e: {  	_ =	shalt  }
0x7f: {  	_ =	shalt  }
0x80: {  	_ =	shalt  }
0x81: {  	_ =	shalt  }
0x82: {  	_ =	shalt  }
0x83: {  	_ =	shalt  }
0x84: {  	_ =	shalt  }
0x85: {  	_ =	shalt  }
0x86: {  	_ =	shalt  }
0x87: {  	_ =	shalt  }
.Lfunc_end0:
.L_simem_size_0:
called_computation_lowered:
.L_overlay_start_0:
0x88: {  	s2 =	sld [smem:$0x3FD9]  }
0x89: {  	s3 =	sld [smem:$0x3FFE];
	_ =	sdelay $0x1  }
0x8a: {  	s1 =	srdreg.scid  }
0x8b: {  	s0 =	sand.u32 $0x1, s1  }
0x8c: {  	s17 =	sshll.u32 s0, $0xA;
	s2 =	sadd.s32 s3, s2  }
0x8d: {  	s2 =	sadd.s32 s2, s17  }
0x8e: {  	[smem:$0x3FBB] =	sst s2  }
0x8f: {  	_ = 	snop  }
0x90: {  	s2 =	sld [smem:$0x3FD0];
	(tm) =	ssettm $0x1  }
0x91: {  	s18 =	sld [smem:$0x3FFB];
	_ =	sdelay $0x3  }
0x92: {  	_ =	strace s18  }
0x93: {  	s3 =	sld [smem:$0x3FFC];
	_ =	sdelay $0x3  }
0x94: {  	_ =	strace s3  }
0x95: {  	s3 =	sld [smem:$0x3FFD];
	_ =	sdelay $0x3  }
0x96: {  	_ =	strace s3  }
0x97: {  	_ =	strace $0x8FFFFFFF  }
0x98: {  	s19 =	sld [smem:$0x3FDB];
	_ =	sdelay $0x1  }
0x99: {  	s4 =	simm.s32 $_scs_section_size  }
0x9a: {  	s5 =	simm.s32 $_size__tile_overlayer_lowered;
	s6 =	simm.s32 $_tile_overlayer_lowered  }
0x9b: {  	s22 =	simm.s32 $0x1BFF;
	s21 =	sshll.u32 s6, $0x1;
	s3 =	sadd.s32 s4, s19  }
0x9c: {  	s7 =	simm.s32 $0x0;
	s20 =	sshll.u32 s5, $0x1;
	s5 =	sadd.s32 s21, s3  }
0x9d: {  	[timem:s7], [sflag:s22] =	dma.local [hbm:s5], s20  }
0x9e: {  	_ =	swait.ge [sflag:s22], s20  }
0x9f: {  	s4 =	ssub.s32 $0x0, s20;
	[sflag:s22] =	ssyncset.done $0x0  }
0xa0: {  	[sflag:s22] =	ssyncadd.s32 s4;
	_ =	sdelay $0x1  }
0xa1: {  	s23 =	simm.s32 $0x1B8B  }
0xa2: {  	_ =	swait.ge [sflag:s23], $0x1  }
0xa3: {  	[sflag:s23] =	ssyncset.done $0x0  }
0xa4: {  	s25 =	simm.s32 $0x1B8E;
	s24 =	sld [smem:$0x3FFE];
	[sflag:s23] =	ssyncadd.s32 $0xFFFFFFFF  }
0xa5: {  	s26 =	simm.s32 $execute0_lowered;
	[smem:$0x3FD2] =	sst s25  }
0xa6: {  	s5 =	sshll.u32 s26, $0x1;
	_ =	strace $0x80000046;
	[dreg:$0x1] =	wrdreg $0xFFFFFFFF  }
0xa7: {  	s28 =	simm.s32 $_size_execute0_lowered;
	s3 =	sadd.s32 s3, s5;
	[dreg:$0x0] =	wrdreg $0x0  }
0xa8: {  	s5 =	sshll.u32 s28, $0x1;
	[dreg:$0x2] =	wrdreg s3  }
0xa9: {  	[dreg:$0x3] =	wrdreg s5  }
0xaa: {  	[dreg:$0x4] =	wrdreg $0xC0  }
0xab: {  	_ =	task [dreg:s7], $0x5FFFF  }
0xac: {  	[dreg:$0x1] =	wrdreg $0xFFFFFFFF  }
0xad: {  	[dreg:$0x0] =	wrdreg $0x60  }
0xae: {  	[dreg:$0x2] =	wrdreg s24  }
0xaf: {  	[dreg:$0x3] =	wrdreg s2  }
0xb0: {  	[dreg:$0x4] =	wrdreg $0x89000  }
0xb1: {  	[dreg:$0x5] =	wrdreg $0x109000  }
0xb2: {  	[dreg:$0x6] =	wrdreg $0x9  }
0xb3: {  	_ =	task.clear_ibuf [dreg:s7], $0x7FFFF;
	_ =	strace $0x90000046  }
0xb4: {  	s29 =	simm.s32 $0x9;
	_ =	strace $0x80000048  }
0xb5: {  	_ =	swait.ge [sflag:s29], $0x1  }
0xb6: {  	[sflag:s29] =	ssyncadd.s32 $0xFFFFFFFF  }
0xb7: {  	_ =	strace $0x90000048  }
0xb8: {  	_ =	sfence  }
0xb9: {  	s30 =	sld [smem:$0x0];
	_ =	sdelay $0x2  }
0xba: {  	s31 =	sshll.u32 s1, $0xD;
	s1 =	sshrl.u32 s1, $0x2  }
0xbb: {  	s3 =	sand.u32 $0x4000, s31;
	s1 =	sadd.s32 s1, s30  }
0xbc: {  	s0 =	sor.u32 s3, s0;
	s1 =	sshll.u32 s1, $0x11  }
0xbd: {  	s0 =	sor.u32 s1, s0  }
0xbe: {  	s0 =	sadd.s32 $0x8F2B, s0  }
0xbf: {  	[sflag:s0] =	ssyncadd.remote.s32 $0x1  }
0xc0: {  	_ =	sfence.sel $0xFFFF  }
0xc1: {  	[dreg:$0x0] =	wrdreg $0xFFFFFFFF;
	(pc) =	sbr.abs _section_cstart, $3  }
0xc2: {  	[dreg:$0x1] =	wrdreg $0xFFFFFFFF  }
0xc3: {  	_ =	task.clear_ibuf [dreg:s7], $0x2FFFF;
	_ =	strace $0x9FFFFFFF  }
0xc4: {  	(tm) =	ssettm $0x7FFFFFFF  }
0xc5: {  	_ =	shalt  }
tec
execute0_lowered:
.L_overlay_start_1:
0x0: {  	(tag) =	ssettag $0x1  }
0x1: {  	s0 =	rddreg [dreg:$0x0]  }
0x2: {  	s3 =	rddreg [dreg:$0x1]  }
0x3: {  	s1 =	rddreg [dreg:$0x2]  }
0x4: {  	s2 =	rddreg [dreg:$0x3]  }
0x5: {  	s4 =	srdreg.scid;
	s16 =	simm.s32 $0x0;
	s10 =	stileid.u32  }
0x6: {  	s13 =	simm.s32 $0x8080;
	s14 =	simm.s32 $0x12;
	s15 =	simm.s32 $0x8880  }
0x7: {  	s17 =	simm.s32 $0x80;
	s28 =	simm.s32 $0x6800;
	s30 =	simm.s32 $0x7000  }
0x8: {  	s31 =	simm.s32 $0x8000;
	s20 =	simm.s32 $0x11;
	s22 =	simm.s32 $0x2  }
0x9: {  	s29 =	simm.s32 $0x5;
	s12 =	simm.s32 $0xE;
	s4 =	sand.u32 $0x1, s4  }
0xa: {  	[smem:$0x7FF] =	sst s16;
	s6 =	sshll.u32 s10, $0xA;
	s7 =	sshll.u32 s10, $0xB  }
0xb: {  	s10 =	sshll.u32 s10, $0xF;
	s5 =	sshll.u32 s4, $0xE;
	s8 =	sshll.u32 s4, $0xF  }
0xc: {  	_ =	strace $0x80000047;
	s9 =	ssub.s32 $0x2, s4;
	s4 =	sshll.u32 s4, $0x13  }
0xd: {  	s18 =	sadd.s32 s10, s1;
	s11 =	sadd.s32 s7, s2;
	s6 =	sor.u32 s6, s5  }
0xe: {  	s8 =	sor.u32 s7, s8;
	s5 =	sadd.s32 $0x2400, s0;
	s24 =	sshrl.u32 s9, $0x1  }
0xf: {  	s4 =	sor.u32 s10, s4;
	s7 =	simm.s32 $0x7;
	s10 =	simm.s32 $0xF  }
0x10: {  	[dreg:$0x9] =	wrdreg s18;
	s6 =	sadd.s32 s6, s0;
	s8 =	sshrl.u32 s8, $0x3  }
0x11: {  	s4 =	sshrl.u32 s4, $0x3;
	s0 =	sadd.s32 s8, s0;
	s25 =	sadd.s32 $0x12400, s6  }
0x12: {  	s8 =	ssub.s32 s9, s24;
	s6 =	sadd.s32 $0x1A400, s6;
	[dreg:$0x6] =	wrdreg s25  }
.Ltmp0:
0x13: {  	s3 =	sadd.s32 s3, s4;
	[dreg:$0x7] =	wrdreg s6;
	(pc) =	sbr.rel .LBB2_1-.Ltmp0, $4  }
0x14: {  	s24 =	simm.s32 $0x3;
	[dreg:$0x8] =	wrdreg s3;
	s0 =	sadd.s32 $0x22400, s0  }
0x15: {  	s26 =	smax.u32 s8, $0x1;
	s25 =	simm.s32 $0x6000;
	s3 =	simm.s32 $0x7800  }
0x16: {  	s6 =	simm.s32 $0x6;
	s8 =	simm.s32 $0x8;
	[dreg:$0xa] =	wrdreg s0  }
0x17: {  	v0 =	vimm.f32 $1.000000000e+00;
	v1 =	vimm.f32 $0.0e+00;
	[dreg:$0xb] =	wrdreg s26;
	s0 =	simm.s32 $0x1;
	s26 =	simm.s32 $0x4  }
.LBB2_8:
0x18: {  	_ =	swait.ge [sflag:s8], $0x800  }
0x19: {  	[sflag:s8] =	ssyncset.done $0x0  }
0x1a: {  	s9 =	simm.s32 $0x9;
	[sflag:s8] =	ssyncadd.s32 $0xFFFFF800  }
0x1b: {  	[spmem:s1] =	stream.indirect.scatter.add.f32 [tilespmem:s3], [sflag:$0x10], $0x10, s4, s17, $0xb8;
	[tilespmem:$0x11100] =	vst v63  }
0x1c: {  	_ =	swait.ge [sflag:s9], $0x800  }
0x1d: {  	[sflag:s9] =	ssyncset.done $0x0  }
0x1e: {  	s16 =	simm.s32 $0xA;
	[sflag:s9] =	ssyncadd.s32 $0xFFFFF800  }
0x1f: {  	_ =	swait.ge [sflag:s16], $0x800  }
0x20: {  	[sflag:s16] =	ssyncset.done $0x0  }
0x21: {  	s18 =	simm.s32 $0xB;
	[sflag:s16] =	ssyncadd.s32 $0xFFFFF800  }
0x22: {  	_ =	swait.ge [sflag:s18], $0x800  }
0x23: {  	[sflag:s18] =	ssyncset.done $0x0  }
0x24: {  	s19 =	simm.s32 $0xC;
	[sflag:s18] =	ssyncadd.s32 $0xFFFFF800  }
0x25: {  	_ =	swait.ge [sflag:s19], $0x800  }
0x26: {  	[sflag:s19] =	ssyncset.done $0x0  }
0x27: {  	s21 =	simm.s32 $0xD;
	[sflag:s19] =	ssyncadd.s32 $0xFFFFF800  }
0x28: {  	_ =	swait.ge [sflag:s21], $0x800  }
0x29: {  	[sflag:s21] =	ssyncset.done $0x0  }
0x2a: {  	[sflag:s21] =	ssyncadd.s32 $0xFFFFF800  }
0x2b: {  	_ =	swait.ge [sflag:s12], $0x800  }
0x2c: {  	[sflag:s12] =	ssyncset.done $0x0  }
0x2d: {  	[sflag:s12] =	ssyncadd.s32 $0xFFFFF800  }
0x2e: {  	_ =	swait.ge [sflag:s10], $0x800  }
0x2f: {  	[sflag:s10] =	ssyncset.done $0x0  }
0x30: {  	s23 =	simm.s32 $0x10;
	[sflag:s10] =	ssyncadd.s32 $0xFFFFF800  }
0x31: {  	_ =	swait.ge [sflag:s23], $0x800  }
0x32: {  	[sflag:s23] =	ssyncset.done $0x0  }
0x33: {  	[sflag:s23] =	ssyncadd.s32 $0xFFFFF800  }
0x34: {  	_ =	swait.ge [sflag:s20], $0x80  }
0x35: {  	[sflag:s20] =	ssyncset.done $0x0  }
0x36: {  	[sflag:s20] =	ssyncadd.s32 $0xFFFFFF80  }
0x37: {  	s9 =	stileid.u32;
	[bflag:$0x0] =	sbarrier.arrive $0xFFFF  }
0x38: {  	s4 =	sshll.u32 s9, $0x6;
	s18 =	rddreg [dreg:$0x9]  }
0x39: {  	s4 =	sor.u32 $0x1C12, s4;
	s16 =	rddreg [dreg:$0x8];
	s9 =	sshrl.u32 s18, $0x3  }
0x3a: {  	[hbm:s16], [sflag:s4] =	dma.local [spmem:s9], $0x1000  }
0x3b: {  	_ =	swait.ge [sflag:s14], $0x1000  }
0x3c: {  	[sflag:s14] =	ssyncset.done $0x0  }
0x3d: {  	s16 =	sshrl.u32 s11, $0x3;
	s19 =	rddreg [dreg:$0xa];
	[sflag:s14] =	ssyncadd.s32 $0xFFFFF000  }
0x3e: {  	[hbm:s19], [sflag:s4] =	dma.local [spmem:s16], $0x100  }
0x3f: {  	_ =	swait.ge [sflag:s14], $0x100  }
0x40: {  	s21 =	rddreg [dreg:$0x5]  }
0x41: {  	s23 =	rddreg [dreg:$0xb];
	s16 =	sadd.s32 $0x1, s21  }
0x42: {  	p0 =	sne.s32 s16, s23  }
.Ltmp1:
0x43: {  	_ = 	snop;
	(pc) =	sbr.rel @!p0 .LBB2_9-.Ltmp1, $3  }
0x44: {  	_ =	sdelay $0x1  }
0x45: {  	[sflag:s14] =	ssyncset.done $0x0  }
0x46: {  	[sflag:s14] =	ssyncadd.s32 $0xFFFFFF00  }
.LBB2_1:
0x47: {  	[tilespmem:$0x8000] =	vst v0  }
0x48: {  	[tilespmem:$0x8880] =	vst v1  }
0x49: {  	[tilespmem:$0x8010] =	vst v0  }
0x4a: {  	[tilespmem:$0x8890] =	vst v1  }
0x4b: {  	[tilespmem:$0x8020] =	vst v0  }
0x4c: {  	[tilespmem:$0x88A0] =	vst v1  }
0x4d: {  	[tilespmem:$0x8030] =	vst v0  }
0x4e: {  	[tilespmem:$0x88B0] =	vst v1  }
0x4f: {  	[tilespmem:$0x8040] =	vst v0  }
0x50: {  	[tilespmem:$0x88C0] =	vst v1  }
0x51: {  	[tilespmem:$0x8050] =	vst v0  }
0x52: {  	[tilespmem:$0x88D0] =	vst v1  }
0x53: {  	[tilespmem:$0x8060] =	vst v0  }
0x54: {  	[tilespmem:$0x88E0] =	vst v1  }
0x55: {  	[tilespmem:$0x8070] =	vst v0  }
0x56: {  	[dreg:$0x5] =	wrdreg s16;
	[tilespmem:$0x88F0] =	vst v1;
	s4 =	simm.s32 $0x0  }
.LBB2_2:
0x57: {  	p0 =	sne.s32 s4, $0x1FC0  }
.Ltmp2:
0x58: {  	_ = 	snop;
	(pc) =	sbr.rel @p0 .LBB2_2-.Ltmp2, $3  }
0x59: {  	_ =	sdelay $0x1  }
0x5a: {  	s9 =	sshra.s32 s4, $0x2  }
0x5b: {  	s4 =	sadd.s32 $0x40, s4;
	[tilespmem:s9+$0x8080] =	vst v1  }
0x5c: {  	[spmem:s18] =	stream.linear.scatter [tilespmem:s13], [sflag:$0x12], $0x800, $0x38;
	[tilespmem:$0x11100] =	vst v63  }
0x5d: {  	_ =	swait.ge [sflag:s14], $0x800  }
0x5e: {  	[sflag:s14] =	ssyncset.done $0x0  }
0x5f: {  	s4 =	sadd.s32 $0x0, s11;
	[sflag:s14] =	ssyncadd.s32 $0xFFFFF800  }
0x60: {  	[spmem:s4] =	stream.linear.scatter [tilespmem:s15], [sflag:$0x12], $0x80, $0x38;
	[tilespmem:$0x11100] =	vst v63  }
0x61: {  	_ =	swait.ge [sflag:s14], $0x80  }
0x62: {  	s9 =	smov.u32 s18;
	s4 =	simm.s32 $0x200;
	[sflag:s14] =	ssyncset.done $0x0  }
.LBB2_4:
0x63: {  	p0 =	sne.s32 s4, $0x1E00;
	[sflag:s14] =	ssyncadd.s32 $0xFFFFFF80;
	s9 =	sadd.s32 $0x800, s9  }
0x64: {  	[spmem:s9] =	stream.linear.scatter [tilespmem:s13], [sflag:$0x12], $0x800, $0x38;
	[tilespmem:$0x11100] =	vst v63  }
0x65: {  	s16 =	smov.u32 s4;
	s4 =	sadd.s32 $0x200, s4;
	_ =	swait.ge [sflag:s14], $0x800  }
.Ltmp3:
0x66: {  	s16 =	sshra.s32 s16, $0x2;
	[sflag:s14] =	ssyncset.done $0x0;
	(pc) =	sbr.rel @p0 .LBB2_4-.Ltmp3, $4  }
0x67: {  	s16 =	sadd.s32 s16, s11;
	[sflag:s14] =	ssyncadd.s32 $0xFFFFF800  }
0x68: {  	[spmem:s16] =	stream.linear.scatter [tilespmem:s15], [sflag:$0x12], $0x80, $0x38;
	[tilespmem:$0x11100] =	vst v63  }
0x69: {  	_ =	swait.ge [sflag:s14], $0x80  }
0x6a: {  	[sflag:s14] =	ssyncset.done $0x0  }
0x6b: {  	[sflag:s14] =	ssyncadd.s32 $0xFFFFFF80  }
0x6c: {  	[bflag:$0x0] =	sbarrier.arrive $0xFFFF  }
0x6d: {  	s16 =	simm.s32 $0x0;
	s4 =	rddreg [dreg:$0x6]  }
0x6e: {  	[tilespmem:s16], [sflag:$0x12] =	stream.linear.gather [hbm4b:s4+s16], $0x2000, $0x38;
	[tilespmem:$0x11100] =	vst v63  }
0x6f: {  	_ =	swait.ge [sflag:s14], $0x2000  }
0x70: {  	[sflag:s14] =	ssyncset.done $0x0  }
0x71: {  	s9 =	simm.s32 $0x2000;
	s21 =	rddreg [dreg:$0x7];
	[sflag:s14] =	ssyncadd.s32 $0xFFFFE000  }
0x72: {  	[tilespmem:s9], [sflag:$0x12] =	stream.linear.gather [hbm4b:s21+s16], $0x2000, $0x38;
	[tilespmem:$0x11100] =	vst v63  }
0x73: {  	_ =	swait.ge [sflag:s14], $0x2000  }
0x74: {  	[sflag:s14] =	ssyncset.done $0x0  }
0x75: {  	s23 =	simm.s32 $0x4000;
	[sflag:s14] =	ssyncadd.s32 $0xFFFFE000  }
0x76: {  	[tilespmem:s23], [sflag:$0x1] =	stream.indirect.gather [hbm4b:s5+s17], $0x10, s16, s17, $0xb8;
	[tilespmem:$0x11100] =	vst v63  }
0x77: {  	s18 =	simm.s32 $0x4800  }
0x78: {  	[tilespmem:s18], [sflag:$0x2] =	stream.indirect.gather [hbm4b:s5+s17], $0x10, s17, s17, $0xb8;
	[tilespmem:$0x11100] =	vst v63  }
0x79: {  	s19 =	simm.s32 $0x100;
	s18 =	simm.s32 $0x5000  }
0x7a: {  	[tilespmem:s18], [sflag:$0x3] =	stream.indirect.gather [hbm4b:s5+s17], $0x10, s19, s17, $0xb8;
	[tilespmem:$0x11100] =	vst v63  }
0x7b: {  	s21 =	simm.s32 $0x180;
	s23 =	simm.s32 $0x5800  }
0x7c: {  	[tilespmem:s23], [sflag:$0x4] =	stream.indirect.gather [hbm4b:s5+s17], $0x10, s21, s17, $0xb8;
	[tilespmem:$0x11100] =	vst v63  }
0x7d: {  	s19 =	simm.s32 $0x200  }
0x7e: {  	[tilespmem:s25], [sflag:$0x5] =	stream.indirect.gather [hbm4b:s5+s17], $0x10, s19, s17, $0xb8;
	[tilespmem:$0x11100] =	vst v63  }
0x7f: {  	s21 =	simm.s32 $0x280  }
0x80: {  	[tilespmem:s28], [sflag:$0x6] =	stream.indirect.gather [hbm4b:s5+s17], $0x10, s21, s17, $0xb8;
	[tilespmem:$0x11100] =	vst v63  }
0x81: {  	s23 =	simm.s32 $0x300  }
0x82: {  	[tilespmem:s30], [sflag:$0x7] =	stream.indirect.gather [hbm4b:s5+s17], $0x10, s23, s17, $0xb8;
	[tilespmem:$0x11100] =	vst v63  }
0x83: {  	_ = 	snop  }
0x84: {  	[spmem:s2] =	stream.indirect.scatter.add.f32 [tilespmem:s31], [sflag:$0x11], $0x1, s9, s17, $0xb8;
	[tilespmem:$0x11100] =	vst v63  }
.LBB2_6:
0x85: {  	_ =	swait.ge [sflag:s0], $0x800  }
0x86: {  	s9 =	sshra.s32 s16, $0x2;
	[sflag:s0] =	ssyncset.done $0x0  }
0x87: {  	s18 =	simm.s32 $0x4000;
	s4 =	sadd.s32 $0x2000, s9;
	[sflag:s0] =	ssyncadd.s32 $0xFFFFF800  }
0x88: {  	[spmem:s1] =	stream.indirect.scatter.add.f32 [tilespmem:s18], [sflag:$0x9], $0x10, s4, s17, $0xb8;
	[tilespmem:$0x11100] =	vst v63  }
0x89: {  	_ =	swait.ge [sflag:s20], $0x80  }
0x8a: {  	p0 =	seq.s32 s16, $0x0;
	[sflag:s20] =	ssyncset.done $0x0  }
0x8b: {  	s23 =	sadd.s32 $0x2080, s9;
	s18 =	simm.s32 @!p0 $0x10;
	[sflag:s20] =	ssyncadd.s32 $0xFFFFFF80  }
0x8c: {  	[spmem:s2] =	stream.indirect.scatter.add.f32 [tilespmem:s31], [sflag:$0x11], $0x1, s23, s17, $0xb8;
	[tilespmem:$0x11100] =	vst v63  }
0x8d: {  	_ =	swait.ge @!p0 [sflag:s18], $0x800  }
0x8e: {  	[sflag:s18] =	ssyncset.done @!p0 $0x0  }
0x8f: {  	s19 =	sadd.s32 $0x380, s9;
	[sflag:s18] =	ssyncadd.s32 @!p0 $0xFFFFF800  }
0x90: {  	[tilespmem:s3], [sflag:$0x8] =	stream.indirect.gather [hbm4b:s5+s17], $0x10, s19, s17, $0xb8;
	[tilespmem:$0x11100] =	vst v63  }
0x91: {  	_ =	swait.ge [sflag:s22], $0x800  }
0x92: {  	[sflag:s22] =	ssyncset.done $0x0  }
0x93: {  	s21 =	simm.s32 $0x4800;
	[sflag:s22] =	ssyncadd.s32 $0xFFFFF800  }
0x94: {  	[spmem:s1] =	stream.indirect.scatter.add.f32 [tilespmem:s21], [sflag:$0xA], $0x10, s23, s17, $0xb8;
	[tilespmem:$0x11100] =	vst v63  }
0x95: {  	_ =	swait.ge [sflag:s20], $0x80  }
0x96: {  	p0 =	seq.s32 s16, $0x7000;
	[sflag:s20] =	ssyncset.done $0x0  }
0x97: {  	s19 =	sadd.s32 $0x2100, s9;
	s4 =	simm.s32 @!p0 $0x9;
	[sflag:s20] =	ssyncadd.s32 $0xFFFFFF80  }
0x98: {  	[spmem:s2] =	stream.indirect.scatter.add.f32 [tilespmem:s31], [sflag:$0x11], $0x1, s19, s17, $0xb8;
	[tilespmem:$0x11100] =	vst v63  }
0x99: {  	_ =	swait.ge @!p0 [sflag:s4], $0x800  }
0x9a: {  	[sflag:s4] =	ssyncset.done @!p0 $0x0  }
0x9b: {  	[sflag:s4] =	ssyncadd.s32 @!p0 $0xFFFFF800;
	s4 =	sshra.s32 @!p0 s16, $0x2  }
0x9c: {  	s18 =	simm.s32 @!p0 $0x80;
	s23 =	simm.s32 @!p0 $0x4000;
	s21 =	sadd.s32 @!p0 $0x400, s4  }
0x9d: {  	[tilespmem:s23], [sflag:$0x1] =	stream.indirect.gather @!p0 [hbm4b:s5+s18], $0x10, s21, s18, $0xb8;
	[tilespmem:$0x11100] =	vst v63  }
0x9e: {  	_ =	swait.ge [sflag:s24], $0x800  }
0x9f: {  	[sflag:s24] =	ssyncset.done $0x0  }
0xa0: {  	s23 =	simm.s32 $0x5000;
	[sflag:s24] =	ssyncadd.s32 $0xFFFFF800  }
0xa1: {  	[spmem:s1] =	stream.indirect.scatter.add.f32 [tilespmem:s23], [sflag:$0xB], $0x10, s19, s17, $0xb8;
	[tilespmem:$0x11100] =	vst v63  }
0xa2: {  	_ =	swait.ge [sflag:s20], $0x80  }
0xa3: {  	[sflag:s20] =	ssyncset.done $0x0  }
0xa4: {  	s21 =	simm.s32 @!p0 $0xA;
	s19 =	sadd.s32 $0x2180, s9;
	[sflag:s20] =	ssyncadd.s32 $0xFFFFFF80  }
0xa5: {  	[spmem:s2] =	stream.indirect.scatter.add.f32 [tilespmem:s31], [sflag:$0x11], $0x1, s19, s17, $0xb8;
	[tilespmem:$0x11100] =	vst v63  }
0xa6: {  	_ =	swait.ge @!p0 [sflag:s21], $0x800  }
0xa7: {  	[sflag:s21] =	ssyncset.done @!p0 $0x0  }
0xa8: {  	s23 =	simm.s32 @!p0 $0x4800;
	[sflag:s21] =	ssyncadd.s32 @!p0 $0xFFFFF800;
	s21 =	sadd.s32 @!p0 $0x480, s4  }
0xa9: {  	[tilespmem:s23], [sflag:$0x2] =	stream.indirect.gather @!p0 [hbm4b:s5+s18], $0x10, s21, s18, $0xb8;
	[tilespmem:$0x11100] =	vst v63  }
0xaa: {  	_ =	swait.ge [sflag:s26], $0x800  }
0xab: {  	[sflag:s26] =	ssyncset.done $0x0  }
0xac: {  	s23 =	simm.s32 $0x5800;
	[sflag:s26] =	ssyncadd.s32 $0xFFFFF800  }
0xad: {  	[spmem:s1] =	stream.indirect.scatter.add.f32 [tilespmem:s23], [sflag:$0xC], $0x10, s19, s17, $0xb8;
	[tilespmem:$0x11100] =	vst v63  }
0xae: {  	_ =	swait.ge [sflag:s20], $0x80  }
0xaf: {  	[sflag:s20] =	ssyncset.done $0x0  }
0xb0: {  	s21 =	simm.s32 @!p0 $0xB;
	s19 =	sadd.s32 $0x2200, s9;
	[sflag:s20] =	ssyncadd.s32 $0xFFFFFF80  }
0xb1: {  	[spmem:s2] =	stream.indirect.scatter.add.f32 [tilespmem:s31], [sflag:$0x11], $0x1, s19, s17, $0xb8;
	[tilespmem:$0x11100] =	vst v63  }
0xb2: {  	_ =	swait.ge @!p0 [sflag:s21], $0x800  }
0xb3: {  	[sflag:s21] =	ssyncset.done @!p0 $0x0  }
0xb4: {  	s23 =	simm.s32 @!p0 $0x5000;
	[sflag:s21] =	ssyncadd.s32 @!p0 $0xFFFFF800;
	s21 =	sadd.s32 @!p0 $0x500, s4  }
0xb5: {  	[tilespmem:s23], [sflag:$0x3] =	stream.indirect.gather @!p0 [hbm4b:s5+s18], $0x10, s21, s18, $0xb8;
	[tilespmem:$0x11100] =	vst v63  }
0xb6: {  	_ =	swait.ge [sflag:s29], $0x800  }
0xb7: {  	[sflag:s29] =	ssyncset.done $0x0  }
0xb8: {  	[sflag:s29] =	ssyncadd.s32 $0xFFFFF800  }
0xb9: {  	[spmem:s1] =	stream.indirect.scatter.add.f32 [tilespmem:s25], [sflag:$0xD], $0x10, s19, s17, $0xb8;
	[tilespmem:$0x11100] =	vst v63  }
0xba: {  	_ =	swait.ge [sflag:s20], $0x80  }
0xbb: {  	[sflag:s20] =	ssyncset.done $0x0  }
0xbc: {  	s21 =	simm.s32 @!p0 $0xC;
	s19 =	sadd.s32 $0x2280, s9;
	[sflag:s20] =	ssyncadd.s32 $0xFFFFFF80  }
0xbd: {  	[spmem:s2] =	stream.indirect.scatter.add.f32 [tilespmem:s31], [sflag:$0x11], $0x1, s19, s17, $0xb8;
	[tilespmem:$0x11100] =	vst v63  }
0xbe: {  	_ =	swait.ge @!p0 [sflag:s21], $0x800  }
0xbf: {  	[sflag:s21] =	ssyncset.done @!p0 $0x0  }
0xc0: {  	s23 =	simm.s32 @!p0 $0x5800;
	[sflag:s21] =	ssyncadd.s32 @!p0 $0xFFFFF800;
	s21 =	sadd.s32 @!p0 $0x580, s4  }
0xc1: {  	[tilespmem:s23], [sflag:$0x4] =	stream.indirect.gather @!p0 [hbm4b:s5+s18], $0x10, s21, s18, $0xb8;
	[tilespmem:$0x11100] =	vst v63  }
0xc2: {  	_ =	swait.ge [sflag:s6], $0x800  }
0xc3: {  	[sflag:s6] =	ssyncset.done $0x0  }
0xc4: {  	[sflag:s6] =	ssyncadd.s32 $0xFFFFF800  }
0xc5: {  	[spmem:s1] =	stream.indirect.scatter.add.f32 [tilespmem:s28], [sflag:$0xE], $0x10, s19, s17, $0xb8;
	[tilespmem:$0x11100] =	vst v63  }
0xc6: {  	_ =	swait.ge [sflag:s20], $0x80  }
0xc7: {  	[sflag:s20] =	ssyncset.done $0x0  }
0xc8: {  	s23 =	sadd.s32 $0x2300, s9;
	s21 =	simm.s32 @!p0 $0xD;
	[sflag:s20] =	ssyncadd.s32 $0xFFFFFF80  }
0xc9: {  	[spmem:s2] =	stream.indirect.scatter.add.f32 [tilespmem:s31], [sflag:$0x11], $0x1, s23, s17, $0xb8;
	[tilespmem:$0x11100] =	vst v63  }
0xca: {  	_ =	swait.ge @!p0 [sflag:s21], $0x800  }
0xcb: {  	[sflag:s21] =	ssyncset.done @!p0 $0x0  }
0xcc: {  	s4 =	sadd.s32 @!p0 $0x600, s4;
	[sflag:s21] =	ssyncadd.s32 @!p0 $0xFFFFF800;
	s21 =	simm.s32 @!p0 $0x6000  }
0xcd: {  	[tilespmem:s21], [sflag:$0x5] =	stream.indirect.gather @!p0 [hbm4b:s5+s18], $0x10, s4, s18, $0xb8;
	[tilespmem:$0x11100] =	vst v63  }
0xce: {  	_ =	swait.ge [sflag:s7], $0x800  }
0xcf: {  	[sflag:s7] =	ssyncset.done $0x0  }
0xd0: {  	[sflag:s7] =	ssyncadd.s32 $0xFFFFF800  }
0xd1: {  	[spmem:s1] =	stream.indirect.scatter.add.f32 [tilespmem:s30], [sflag:$0xF], $0x10, s23, s17, $0xb8;
	[tilespmem:$0x11100] =	vst v63  }
.Ltmp4:
0xd2: {  	_ = 	snop;
	(pc) =	sbr.rel @p0 .LBB2_8-.Ltmp4, $4  }
0xd3: {  	_ =	swait.ge [sflag:s20], $0x80  }
0xd4: {  	[sflag:s20] =	ssyncset.done $0x0  }
0xd5: {  	s4 =	sadd.s32 $0x2380, s9;
	[sflag:s20] =	ssyncadd.s32 $0xFFFFFF80  }
0xd6: {  	[spmem:s2] =	stream.indirect.scatter.add.f32 [tilespmem:s31], [sflag:$0x11], $0x1, s4, s17, $0xb8;
	[tilespmem:$0x11100] =	vst v63  }
0xd7: {  	_ =	swait.ge [sflag:s12], $0x800  }
0xd8: {  	[sflag:s12] =	ssyncset.done $0x0  }
0xd9: {  	s18 =	sadd.s32 $0x680, s9;
	[sflag:s12] =	ssyncadd.s32 $0xFFFFF800  }
0xda: {  	[tilespmem:s28], [sflag:$0x6] =	stream.indirect.gather [hbm4b:s5+s17], $0x10, s18, s17, $0xb8;
	[tilespmem:$0x11100] =	vst v63  }
0xdb: {  	_ =	swait.ge [sflag:s8], $0x800  }
0xdc: {  	[sflag:s8] =	ssyncset.done $0x0  }
0xdd: {  	[sflag:s8] =	ssyncadd.s32 $0xFFFFF800  }
0xde: {  	[spmem:s1] =	stream.indirect.scatter.add.f32 [tilespmem:s3], [sflag:$0x10], $0x10, s4, s17, $0xb8;
	[tilespmem:$0x11100] =	vst v63  }
0xdf: {  	_ =	swait.ge [sflag:s20], $0x80  }
0xe0: {  	[sflag:s20] =	ssyncset.done $0x0  }
0xe1: {  	s21 =	sadd.s32 $0x2400, s9;
	[sflag:s20] =	ssyncadd.s32 $0xFFFFFF80  }
0xe2: {  	[spmem:s2] =	stream.indirect.scatter.add.f32 [tilespmem:s31], [sflag:$0x11], $0x1, s21, s17, $0xb8;
	[tilespmem:$0x11100] =	vst v63  }
.Ltmp5:
0xe3: {  	_ = 	snop;
	(pc) =	sbr.rel .LBB2_6-.Ltmp5, $4  }
0xe4: {  	_ =	swait.ge [sflag:s10], $0x800  }
0xe5: {  	[sflag:s10] =	ssyncset.done $0x0  }
0xe6: {  	s23 =	sadd.s32 $0x700, s9;
	s16 =	sadd.s32 $0x1000, s16;
	[sflag:s10] =	ssyncadd.s32 $0xFFFFF800  }
0xe7: {  	[tilespmem:s30], [sflag:$0x7] =	stream.indirect.gather [hbm4b:s5+s17], $0x10, s23, s17, $0xb8;
	[tilespmem:$0x11100] =	vst v63  }
.LBB2_9:
0xe8: {  	_ =	sfence.sel $0x180000  }
0xe9: {  	[bflag:$0x0] =	sbarrier.arrive $0xFFFF  }
0xea: {  	_ =	strace $0x90000047  }
0xeb: {  	s0 =	stileid.u32;
	[bflag:$0x2] =	sbarrier.arrive $0xFFFF  }
0xec: {  	p0 =	sne.s32 s0, $0x0;
	s0 =	rddreg [dreg:$0x4]  }
0xed: {  	s0 =	sadd.s32 @!p0 $0x100000, s0  }
0xee: {  	[sflag:s0] =	ssyncadd.tile.s32 @!p0 $0x1;
	_ =	shalt  }
.Lfunc_end2:
_tile_overlayer_lowered:
.L_overlay_start_2:
0xef: {  	(tag) =	ssettag $0x2  }
0xf0: {  	s0 =	rddreg [dreg:$0x0];
	s2 =	stileid.u32  }
0xf1: {  	s1 =	rddreg [dreg:$0x1];
	p0 =	sne.s32 s2, $0x0  }
0xf2: {  	s3 =	rddreg [dreg:$0x2];
	[bflag:$0x3] =	sbarrier.arrive $0xFFFF;
	s2 =	simm.s32 @!p0 $0x1C12  }
0xf3: {  	[timem:s3], [sflag:s2] =	dma.local @!p0 [hbm:s0], s1  }
0xf4: {  	s0 =	simm.s32 @!p0 $0x12  }
0xf5: {  	_ =	swait.ge @!p0 [sflag:s0], s1  }
0xf6: {  	s1 =	ssub.s32 @!p0 $0x0, s1;
	[sflag:s0] =	ssyncset.done @!p0 $0x0  }
0xf7: {  	[sflag:s0] =	ssyncadd.s32 @!p0 s1  }
0xf8: {  	[bflag:$0x3] =	sbarrier.arrive $0xFFFF  }
0xf9: {  	_ =	shalt  }

</sc_bundles>
